<compile_context>
chip_gen: v7x
topology: tpu7x:2x2x1
jax: 0.10.2.dev20260603
libtpu: 0.0.44.dev20260713+nightly
codegen_flags: <defaults>
</compile_context>

<pallas_src>
import functools

import jax
import jax.numpy as jnp
from jax import lax
from jax.experimental import pallas as pl
from jax.experimental.pallas import tpu as pltpu
from jax.experimental.pallas import tpu_sc as plsc

N = 10000
E = 320000
D = 128
BN_EPS = 1e-5

NC = 2
NS = 16
NW = NC * NS
ROWS_PER_W = 320
OWNER_MAGIC = 13108
DST_SENT = N
SCAN_SENT = 1 << 15
BLK = 4096
NB = -(-E // BLK)
SCAN_LEN = NB * BLK
FLUSH = 1600
SEL_CAP = FLUSH + BLK + 64
CH = 80
CAP = E

_sc_mesh = plsc.VectorSubcoreMesh(
    core_axis_name="c", subcore_axis_name="s", num_cores=NC, num_subcores=NS
)


@functools.partial(
    pl.kernel,
    out_type=(
        jax.ShapeDtypeStruct((NW * CAP,), jnp.int32),
        jax.ShapeDtypeStruct((NW, 16), jnp.int32),
    ),
    mesh=_sc_mesh,
    scratch_types=[
        pltpu.VMEM((2, BLK), jnp.int32),
        pltpu.VMEM((2, BLK), jnp.int32),
        pltpu.VMEM((SEL_CAP,), jnp.int32),
        pltpu.VMEM((16,), jnp.int32),
        pltpu.SemaphoreType.DMA,
        pltpu.SemaphoreType.DMA,
    ],
    compiler_params=pltpu.CompilerParams(needs_layout_passes=False),
)
def _sc_prepass(ssc, dsc, plist, counts, sbuf, dbuf, sel, cbuf, sem_s, sem_d):
    c = lax.axis_index("c")
    s = lax.axis_index("s")
    w = c * NS + s
    base = w * CAP

    def start_blk(b, slot):
        pltpu.async_copy(ssc.at[pl.ds(b * BLK, BLK)], sbuf.at[slot], sem_s)
        pltpu.async_copy(dsc.at[pl.ds(b * BLK, BLK)], dbuf.at[slot], sem_d)

    def wait_blk(slot):
        pltpu.make_async_copy(ssc.at[pl.ds(0, BLK)], sbuf.at[slot], sem_s).wait()
        pltpu.make_async_copy(dsc.at[pl.ds(0, BLK)], dbuf.at[slot], sem_d).wait()

    start_blk(0, 0)

    def block(b, carry):
        off, nfl = carry
        slot = lax.rem(b, 2)

        @pl.when(b + 1 < NB)
        def _prefetch():
            start_blk(b + 1, lax.rem(b + 1, 2))

        wait_blk(slot)

        def scan16(j, off):
            d16 = dbuf[slot, pl.ds(j * 16, 16)]
            s16 = sbuf[slot, pl.ds(j * 16, 16)]
            ow = lax.shift_right_logical(d16 * OWNER_MAGIC, 22)
            m = ow == w
            pk = jnp.bitwise_or(lax.shift_left(s16, 14), d16)
            zero = jnp.zeros((16,), jnp.int32)
            mi = jnp.where(m, jnp.full((16,), 1, jnp.int32), zero)
            csum = plsc.cumsum(mi)
            pos = csum - mi + off
            plsc.store_scatter(sel, [pos], pk, mask=m)
            pc = plsc.all_reduce_population_count(m)
            return off + pc[0]

        off = lax.fori_loop(0, BLK // 16, scan16, off)

        def do_flush(carry):
            off, nfl = carry
            pltpu.sync_copy(sel.at[pl.ds(0, FLUSH)],
                            plist.at[pl.ds(base + nfl * FLUSH, FLUSH)])
            nmv = lax.shift_right_logical(off - FLUSH + 15, 4)

            def mv(i, _):
                sel[pl.ds(i * 16, 16)] = sel[pl.ds(FLUSH + i * 16, 16)]
                return 0

            lax.fori_loop(0, nmv, mv, 0)
            return off - FLUSH, nfl + 1

        off, nfl = lax.while_loop(lambda cr: cr[0] >= FLUSH, do_flush,
                                  (off, nfl))
        return off, nfl

    off, nfl = lax.fori_loop(0, NB, block, (jnp.int32(0), jnp.int32(0)))

    @pl.when(off > 0)
    def _tail():
        start = off & ~jnp.int32(15)
        lane = lax.iota(jnp.int32, 16)
        vp = jnp.where(lane >= off - start, jnp.int32(DST_SENT),
                       sel[pl.ds(start, 16)])
        sel[pl.ds(start, 16)] = vp

        def fill(i, _):
            sel[pl.ds(start + 16 + i * 16, 16)] = jnp.full(
                (16,), DST_SENT, jnp.int32)
            return 0

        lax.fori_loop(0, lax.shift_right_logical(FLUSH - start - 16, 4),
                      fill, 0)
        pltpu.sync_copy(sel.at[pl.ds(0, FLUSH)],
                        plist.at[pl.ds(base + nfl * FLUSH, FLUSH)])

    total = nfl + jnp.where(off > 0, jnp.int32(1), jnp.int32(0))
    cbuf[...] = jnp.full((16,), total, jnp.int32)
    pltpu.sync_copy(cbuf, counts.at[w])


@functools.partial(
    pl.kernel,
    out_type=jax.ShapeDtypeStruct((N, D), jnp.float32),
    mesh=_sc_mesh,
    scratch_types=[
        pltpu.VMEM((CH,), jnp.int32),
        pltpu.VMEM((CH,), jnp.int32),
        pltpu.VMEM((CH,), jnp.int32),
        pltpu.VMEM((CH, D), jnp.float32),
        pltpu.VMEM((16,), jnp.int32),
        pltpu.VMEM_SHARED((N + 16, D), jnp.float32),
        pltpu.SemaphoreType.DMA,
    ],
    compiler_params=pltpu.CompilerParams(needs_layout_passes=False),
)
def _sc_agg(x_hbm, plist, counts, out_hbm, pbuf, srcv, dstv, rows, cbuf,
            agg, sem):
    c = lax.axis_index("c")
    s = lax.axis_index("s")
    w = c * NS + s

    def zrow(i, _):
        def zcol(j, _):
            rows[i, pl.ds(j * 16, 16)] = jnp.zeros((16,), jnp.float32)
            return 0
        return lax.fori_loop(0, D // 16, zcol, 0)

    lax.fori_loop(0, CH, zrow, 0)
    r0 = w * ROWS_PER_W

    @pl.when(w < NW - 1)
    def _zero_full():
        def zc(k, _):
            pltpu.sync_copy(rows, agg.at[pl.ds(r0 + k * CH, CH)])
            return 0
        lax.fori_loop(0, ROWS_PER_W // CH, zc, 0)

    @pl.when(w == NW - 1)
    def _zero_last():
        pltpu.sync_copy(rows, agg.at[pl.ds(r0, CH)])

    @pl.when(w == 0)
    def _zero_dummy():
        pltpu.sync_copy(rows.at[pl.ds(0, 16)], agg.at[pl.ds(N, 16)])

    plsc.subcore_barrier()

    pltpu.sync_copy(counts.at[w], cbuf)
    nchunk = cbuf[...][0] * (FLUSH // CH)
    base = w * CAP

    def body(k, _):
        o = base + k * CH
        pltpu.sync_copy(plist.at[pl.ds(o, CH)], pbuf)

        def unpack(j, _):
            v = pbuf[pl.ds(j * 16, 16)]
            srcv[pl.ds(j * 16, 16)] = lax.shift_right_logical(v, 14)
            dstv[pl.ds(j * 16, 16)] = jnp.bitwise_and(v, 16383)
            return 0

        lax.fori_loop(0, CH // 16, unpack, 0)
        pltpu.async_copy(x_hbm.at[srcv], rows, sem).wait()
        pltpu.sync_copy(rows, agg.at[dstv], add=True)
        return 0

    lax.fori_loop(0, nchunk, body, 0)

    plsc.subcore_barrier()

    @pl.when(w < NW - 1)
    def _out_full():
        pltpu.sync_copy(agg.at[pl.ds(r0, ROWS_PER_W)],
                        out_hbm.at[pl.ds(r0, ROWS_PER_W)])

    @pl.when(w == NW - 1)
    def _out_last():
        pltpu.sync_copy(agg.at[pl.ds(r0, CH)], out_hbm.at[pl.ds(r0, CH)])


def _dot(a, b):
    return jnp.dot(a, b, preferred_element_type=jnp.float32)


def _mlp_bn(h, Wa, ba, Wb, bb, g, be):
    h = jnp.maximum(_dot(h, Wa) + ba, 0.0)
    h = jnp.maximum(_dot(h, Wb) + bb, 0.0)
    m0 = jnp.mean(h, axis=0, keepdims=True)
    mean = m0 + jnp.mean(h - m0, axis=0, keepdims=True)
    ctr = h - mean
    var = jnp.mean(ctr * ctr, axis=0, keepdims=True)
    return ctr / jnp.sqrt(var + BN_EPS) * g + be


def _layer_body(eps_ref, x_ref, p_ref, Wa_ref, ba_ref, Wb_ref, bb_ref,
                g_ref, be_ref, o_ref):
    h = (1.0 + eps_ref[0, 0]) * x_ref[...] + p_ref[...]
    o_ref[...] = jnp.maximum(
        _mlp_bn(h, Wa_ref[...], ba_ref[...], Wb_ref[...], bb_ref[...],
                g_ref[...], be_ref[...]),
        0.0,
    )


def _final_body(eps_ref, x_ref, p_ref, Wa_ref, ba_ref, Wb_ref, bb_ref,
                g_ref, be_ref, Wl_ref, bl_ref, o_ref):
    h = (1.0 + eps_ref[0, 0]) * x_ref[...] + p_ref[...]
    h = jnp.maximum(
        _mlp_bn(h, Wa_ref[...], ba_ref[...], Wb_ref[...], bb_ref[...],
                g_ref[...], be_ref[...]),
        0.0,
    )
    o_ref[...] = _dot(h, Wl_ref[...]) + bl_ref[...]


def _tc_call(body, n_dense):
    return pl.pallas_call(
        body,
        out_shape=jax.ShapeDtypeStruct((N, D), jnp.float32),
        in_specs=[pl.BlockSpec(memory_space=pltpu.SMEM)]
        + [pl.BlockSpec(memory_space=pltpu.VMEM)] * n_dense,
        out_specs=pl.BlockSpec(memory_space=pltpu.VMEM),
    )


_layer = _tc_call(_layer_body, 8)
_final = _tc_call(_final_body, 10)


def kernel(x, edge_index, eps1, W1a, b1a, W1b, b1b, g1, be1, eps2, W2a, b2a,
           W2b, b2b, g2, be2, eps3, W3a, b3a, W3b, b3b, g3, be3, Wl, bl):
    src = edge_index[0].astype(jnp.int32)
    dst = edge_index[1].astype(jnp.int32)
    pad = SCAN_LEN - E
    ssc = jnp.concatenate([src, jnp.zeros((pad,), jnp.int32)])
    dsc = jnp.concatenate([dst, jnp.full((pad,), SCAN_SENT, jnp.int32)])
    plist, counts = _sc_prepass(ssc, dsc)

    vec = lambda v: jnp.reshape(v, (1, D))
    sca = lambda v: jnp.reshape(v, (1, 1))

    p = _sc_agg(x, plist, counts)
    h = _layer(sca(eps1), x, p, W1a, vec(b1a), W1b, vec(b1b), vec(g1), vec(be1))
    p = _sc_agg(h, plist, counts)
    h = _layer(sca(eps2), h, p, W2a, vec(b2a), W2b, vec(b2b), vec(g2), vec(be2))
    p = _sc_agg(h, plist, counts)
    return _final(sca(eps3), h, p, W3a, vec(b3a), W3b, vec(b3b), vec(g3),
                  vec(be3), Wl, vec(bl))

# --- scband reference (transcript-rebuilt; emitter-appended) ---
"""Pipeline reference for scband-gin-28741921144979 (READ-ONLY COPY).

The authoritative reference and input builder live on the scoring server;
editing this copy changes nothing except your own understanding.
"""

import jax, jax.numpy as jnp
import numpy as np

N = 10000
E = 320000
D_IN = 128
D_HID = 128
D_OUT = 128
BN_EPS = 1e-5


def _param(key, shape, scale=0.05):
    return jax.random.normal(key, shape, dtype=jnp.float32) * scale


def setup_inputs(seed: int = 0) -> dict:
    key = jax.random.key(seed)
    ks = jax.random.split(key, 24)
    inp = {}
    inp["x"] = jax.random.normal(ks[0], (N, D_IN), dtype=jnp.float32)
    inp["edge_index"] = jax.random.randint(ks[1], (2, E), 0, N, dtype=jnp.int64)
    # GINConv layer 1 (train_eps=True, eps init 0.0)
    inp["eps1"] = jnp.zeros((), dtype=jnp.float32)
    inp["W1a"] = _param(ks[2], (D_IN, D_HID))
    inp["b1a"] = jnp.zeros((D_HID,), dtype=jnp.float32)
    inp["W1b"] = _param(ks[3], (D_HID, D_HID))
    inp["b1b"] = jnp.zeros((D_HID,), dtype=jnp.float32)
    inp["g1"] = jnp.ones((D_HID,), dtype=jnp.float32)
    inp["be1"] = jnp.zeros((D_HID,), dtype=jnp.float32)
    # GINConv layer 2
    inp["eps2"] = jnp.zeros((), dtype=jnp.float32)
    inp["W2a"] = _param(ks[4], (D_HID, D_HID))
    inp["b2a"] = jnp.zeros((D_HID,), dtype=jnp.float32)
    inp["W2b"] = _param(ks[5], (D_HID, D_HID))
    inp["b2b"] = jnp.zeros((D_HID,), dtype=jnp.float32)
    inp["g2"] = jnp.ones((D_HID,), dtype=jnp.float32)
    inp["be2"] = jnp.zeros((D_HID,), dtype=jnp.float32)
    # GINConv layer 3
    inp["eps3"] = jnp.zeros((), dtype=jnp.float32)
    inp["W3a"] = _param(ks[6], (D_HID, D_HID))
    inp["b3a"] = jnp.zeros((D_HID,), dtype=jnp.float32)
    inp["W3b"] = _param(ks[7], (D_HID, D_HID))
    inp["b3b"] = jnp.zeros((D_HID,), dtype=jnp.float32)
    inp["g3"] = jnp.ones((D_HID,), dtype=jnp.float32)
    inp["be3"] = jnp.zeros((D_HID,), dtype=jnp.float32)
    # final linear
    inp["Wl"] = _param(ks[8], (D_HID, D_OUT))
    inp["bl"] = jnp.zeros((D_OUT,), dtype=jnp.float32)
    return inp


def _gin_conv(x, edge_index, eps, Wa, ba, Wb, bb, gamma, beta):
    src = edge_index[0]
    dst = edge_index[1]
    # sum aggregation of neighbor messages (scatter-add)
    agg = jnp.zeros((x.shape[0], x.shape[1]), dtype=x.dtype).at[dst].add(x[src])
    h = (1.0 + eps) * x + agg
    # mlp: Linear -> ReLU -> Linear -> ReLU -> BatchNorm1d (training-mode stats)
    h = jax.nn.relu(h @ Wa + ba)
    h = jax.nn.relu(h @ Wb + bb)
    mean = jnp.mean(h, axis=0)
    var = jnp.var(h, axis=0)
    h = (h - mean) / jnp.sqrt(var + BN_EPS) * gamma + beta
    return h


def reference(x, edge_index, eps1, W1a, b1a, W1b, b1b, g1, be1, eps2, W2a, b2a, W2b, b2b, g2, be2, eps3, W3a, b3a, W3b, b3b, g3, be3, Wl, bl):
    h = jax.nn.relu(_gin_conv(x, edge_index, eps1, W1a, b1a, W1b, b1b, g1, be1))
    h = jax.nn.relu(_gin_conv(h, edge_index, eps2, W2a, b2a, W2b, b2b, g2, be2))
    h = jax.nn.relu(_gin_conv(h, edge_index, eps3, W3a, b3a, W3b, b3b, g3, be3))
    return h @ Wl + bl

if __name__ == "__main__":
    import jax
    _d = setup_inputs()
    print(jax.jit(kernel)(*tuple(_d.values())))

</pallas_src>

<mosaic_0001>
#map = affine_map<(d0, d1) -> (0, 0)>
#map1 = affine_map<(d0, d1) -> (0)>
module attributes {stable_mosaic.version = 14 : i64} {
  func.func @_sc_agg(%arg0: i32, %arg1: i32, %arg2: memref<10000x128xf32, #tpu.memory_space<hbm>>, %arg3: memref<10240000xi32, #tpu.memory_space<hbm>>, %arg4: memref<32x16xi32, #tpu.memory_space<hbm>>, %arg5: memref<10000x128xf32, #tpu.memory_space<hbm>>, %arg6: memref<80xi32, #tpu.memory_space<vmem>>, %arg7: memref<80xi32, #tpu.memory_space<vmem>>, %arg8: memref<80xi32, #tpu.memory_space<vmem>>, %arg9: memref<80x128xf32, #tpu.memory_space<vmem>>, %arg10: memref<16xi32, #tpu.memory_space<vmem>>, %arg11: memref<10016x128xf32, #tpu.memory_space<vmem_shared>>, %arg12: memref<!tpu.dma_semaphore, #tpu.memory_space<semaphore_mem>>) attributes {dimension_semantics = [#tpu.dimension_semantics<core_parallel>, #tpu.dimension_semantics<subcore_parallel>], iteration_bounds = array<i64: 2, 16>, scalar_prefetch = 0 : i64, scratch_operands = 7 : i64, tpu.core_type = #tpu.core_type<sc_vector_subcore>, window_params = [{transform_indices = #map}, {transform_indices = #map1}, {transform_indices = #map}, {transform_indices = #map}]} {
    %mul3A = arith.constant 16 : i32
    %mul3A_0 = arith.muli %arg0, %mul3A : i32
    %add3A = arith.addi %mul3A_0, %arg1 : i32
    %scan3A = arith.constant 0 : i32
    %scan3A_1 = arith.constant 0 : i32
    %scan3A_2 = arith.constant 80 : i32
    %scan3A_3 = arith.addi %scan3A_1, %scan3A_2 : i32
    %scan3A_4 = arith.constant 1 : i32
    %scan3A_5 = scf.for %scan3A_47 = %scan3A_1 to %scan3A_3 step %scan3A_4 iter_args(%scan3A_48 = %scan3A) -> (i32)  : i32 {
      %scan3A_49 = arith.constant 0 : i32
      %scan3A_50 = arith.constant 0 : i32
      %scan3A_51 = arith.constant 8 : i32
      %scan3A_52 = arith.addi %scan3A_50, %scan3A_51 : i32
      %scan3A_53 = arith.constant 1 : i32
      %scan3A_54 = scf.for %scan3A_56 = %scan3A_50 to %scan3A_52 step %scan3A_53 iter_args(%scan3A_57 = %scan3A_49) -> (i32)  : i32 {
        %broadcast_in_dim3A = arith.constant 0.000000e+00 : f32
        %broadcast_in_dim3A_58 = vector.broadcast %broadcast_in_dim3A : f32 to vector<16xf32>
        %mul3A_59 = arith.constant 16 : i32
        %mul3A_60 = arith.muli %scan3A_56, %mul3A_59 : i32
        %swap3A = arith.index_cast %scan3A_47 : i32 to index
        %swap3A_61 = arith.index_cast %mul3A_60 : i32 to index
        %swap3A_62 = tpu.vector_load %arg9[%swap3A, %swap3A_61] {strides = array<i32>} : memref<80x128xf32, #tpu.memory_space<vmem>>, vector<16xf32>,
        tpu.vector_store %arg9[%swap3A, %swap3A_61], %broadcast_in_dim3A_58 {strides = array<i32>} : memref<80x128xf32, #tpu.memory_space<vmem>>, vector<16xf32>,
        %scan3A_63 = arith.constant 0 : i32
        scf.yield %scan3A_63 : i32
      }
      %scan3A_55 = arith.constant 8 : i32
      scf.yield %scan3A_54 : i32
    }
    %scan3A_6 = arith.constant 80 : i32
    %mul3A_7 = arith.constant 320 : i32
    %mul3A_8 = arith.muli %add3A, %mul3A_7 : i32
    %lt3A = arith.constant 31 : i32
    %lt3A_9 = arith.cmpi slt, %add3A, %lt3A : i32
    %convert_element_type3A = arith.extui %lt3A_9 : i1 to i32
    %cond3A = arith.constant 0 : i32
    %cond3A_10 = arith.cmpi ne, %convert_element_type3A, %cond3A : i32
    scf.if %cond3A_10 {
      %scan3A_47 = arith.constant 0 : i32
      %scan3A_48 = arith.constant 0 : i32
      %scan3A_49 = arith.constant 4 : i32
      %scan3A_50 = arith.addi %scan3A_48, %scan3A_49 : i32
      %scan3A_51 = arith.constant 1 : i32
      %scan3A_52 = scf.for %scan3A_54 = %scan3A_48 to %scan3A_50 step %scan3A_51 iter_args(%scan3A_55 = %scan3A_47) -> (i32)  : i32 {
        %mul3A_56 = arith.constant 80 : i32
        %mul3A_57 = arith.muli %scan3A_54, %mul3A_56 : i32
        %add3A_58 = arith.addi %mul3A_8, %mul3A_57 : i32
        "tpu.region"() ({
          %run_scoped3A = tpu.sem_alloc : memref<!tpu.dma_semaphore, #tpu.memory_space<semaphore_mem>>
          %dma_start3A = arith.constant 0 : i32
          %dma_start3A_60 = tpu.memref_slice %arg11[%add3A_58, %dma_start3A] : memref<10016x128xf32, #tpu.memory_space<vmem_shared>> -> memref<80x128xf32, #tpu.memory_space<vmem_shared>>
          %dma_start3A_61 = arith.constant 0 : i32
          %dma_start3A_62 = tpu.memref_slice %arg11[%add3A_58, %dma_start3A_61] : memref<10016x128xf32, #tpu.memory_space<vmem_shared>> -> memref<80x128xf32, #tpu.memory_space<vmem_shared>>
          tpu.enqueue_dma source(%arg9 : memref<80x128xf32, #tpu.memory_space<vmem>>) target(%dma_start3A_62 : memref<80x128xf32, #tpu.memory_space<vmem_shared>>) target_semaphore(%run_scoped3A : memref<!tpu.dma_semaphore, #tpu.memory_space<semaphore_mem>>)
          %dma_wait3A = arith.constant 0 : i32
          %dma_wait3A_63 = tpu.memref_slice %arg11[%add3A_58, %dma_wait3A] : memref<10016x128xf32, #tpu.memory_space<vmem_shared>> -> memref<80x128xf32, #tpu.memory_space<vmem_shared>>
          %dma_wait3A_64 = arith.constant 0 : i32
          %dma_wait3A_65 = tpu.memref_slice %arg11[%add3A_58, %dma_wait3A_64] : memref<10016x128xf32, #tpu.memory_space<vmem_shared>> -> memref<80x128xf32, #tpu.memory_space<vmem_shared>>
          tpu.wait_dma2 semaphore(%run_scoped3A : memref<!tpu.dma_semaphore, #tpu.memory_space<semaphore_mem>>) src(%arg9 : memref<80x128xf32, #tpu.memory_space<vmem>>) dst(%dma_wait3A_65 : memref<80x128xf32, #tpu.memory_space<vmem_shared>>)
          tpu.yield
        }) : () -> ()
        %scan3A_59 = arith.constant 0 : i32
        scf.yield %scan3A_59 : i32
      }
      %scan3A_53 = arith.constant 4 : i32
    } else {
    }
    %eq3A = arith.constant 31 : i32
    %eq3A_11 = arith.cmpi eq, %add3A, %eq3A : i32
    %convert_element_type3A_12 = arith.extui %eq3A_11 : i1 to i32
    %cond3A_13 = arith.constant 0 : i32
    %cond3A_14 = arith.cmpi ne, %convert_element_type3A_12, %cond3A_13 : i32
    scf.if %cond3A_14 {
      "tpu.region"() ({
        %run_scoped3A = tpu.sem_alloc : memref<!tpu.dma_semaphore, #tpu.memory_space<semaphore_mem>>
        %dma_start3A = arith.constant 0 : i32
        %dma_start3A_47 = tpu.memref_slice %arg11[%mul3A_8, %dma_start3A] : memref<10016x128xf32, #tpu.memory_space<vmem_shared>> -> memref<80x128xf32, #tpu.memory_space<vmem_shared>>
        %dma_start3A_48 = arith.constant 0 : i32
        %dma_start3A_49 = tpu.memref_slice %arg11[%mul3A_8, %dma_start3A_48] : memref<10016x128xf32, #tpu.memory_space<vmem_shared>> -> memref<80x128xf32, #tpu.memory_space<vmem_shared>>
        tpu.enqueue_dma source(%arg9 : memref<80x128xf32, #tpu.memory_space<vmem>>) target(%dma_start3A_49 : memref<80x128xf32, #tpu.memory_space<vmem_shared>>) target_semaphore(%run_scoped3A : memref<!tpu.dma_semaphore, #tpu.memory_space<semaphore_mem>>)
        %dma_wait3A = arith.constant 0 : i32
        %dma_wait3A_50 = tpu.memref_slice %arg11[%mul3A_8, %dma_wait3A] : memref<10016x128xf32, #tpu.memory_space<vmem_shared>> -> memref<80x128xf32, #tpu.memory_space<vmem_shared>>
        %dma_wait3A_51 = arith.constant 0 : i32
        %dma_wait3A_52 = tpu.memref_slice %arg11[%mul3A_8, %dma_wait3A_51] : memref<10016x128xf32, #tpu.memory_space<vmem_shared>> -> memref<80x128xf32, #tpu.memory_space<vmem_shared>>
        tpu.wait_dma2 semaphore(%run_scoped3A : memref<!tpu.dma_semaphore, #tpu.memory_space<semaphore_mem>>) src(%arg9 : memref<80x128xf32, #tpu.memory_space<vmem>>) dst(%dma_wait3A_52 : memref<80x128xf32, #tpu.memory_space<vmem_shared>>)
        tpu.yield
      }) : () -> ()
    } else {
    }
    %eq3A_15 = arith.constant 0 : i32
    %eq3A_16 = arith.cmpi eq, %add3A, %eq3A_15 : i32
    %convert_element_type3A_17 = arith.extui %eq3A_16 : i1 to i32
    %cond3A_18 = arith.constant 0 : i32
    %cond3A_19 = arith.cmpi ne, %convert_element_type3A_17, %cond3A_18 : i32
    scf.if %cond3A_19 {
      "tpu.region"() ({
        %run_scoped3A = tpu.sem_alloc : memref<!tpu.dma_semaphore, #tpu.memory_space<semaphore_mem>>
        %dma_start3A = arith.constant 0 : i32
        %dma_start3A_47 = arith.constant 0 : i32
        %dma_start3A_48 = tpu.memref_slice %arg9[%dma_start3A, %dma_start3A_47] : memref<80x128xf32, #tpu.memory_space<vmem>> -> memref<16x128xf32, #tpu.memory_space<vmem>>
        %dma_start3A_49 = arith.constant 10000 : i32
        %dma_start3A_50 = arith.constant 0 : i32
        %dma_start3A_51 = tpu.memref_slice %arg11[%dma_start3A_49, %dma_start3A_50] : memref<10016x128xf32, #tpu.memory_space<vmem_shared>> -> memref<16x128xf32, #tpu.memory_space<vmem_shared>>
        %dma_start3A_52 = arith.constant 10000 : i32
        %dma_start3A_53 = arith.constant 0 : i32
        %dma_start3A_54 = tpu.memref_slice %arg11[%dma_start3A_52, %dma_start3A_53] : memref<10016x128xf32, #tpu.memory_space<vmem_shared>> -> memref<16x128xf32, #tpu.memory_space<vmem_shared>>
        %dma_start3A_55 = arith.constant 0 : i32
        %dma_start3A_56 = arith.constant 0 : i32
        %dma_start3A_57 = tpu.memref_slice %arg9[%dma_start3A_55, %dma_start3A_56] : memref<80x128xf32, #tpu.memory_space<vmem>> -> memref<16x128xf32, #tpu.memory_space<vmem>>
        tpu.enqueue_dma source(%dma_start3A_57 : memref<16x128xf32, #tpu.memory_space<vmem>>) target(%dma_start3A_54 : memref<16x128xf32, #tpu.memory_space<vmem_shared>>) target_semaphore(%run_scoped3A : memref<!tpu.dma_semaphore, #tpu.memory_space<semaphore_mem>>)
        %dma_wait3A = arith.constant 0 : i32
        %dma_wait3A_58 = arith.constant 0 : i32
        %dma_wait3A_59 = tpu.memref_slice %arg9[%dma_wait3A, %dma_wait3A_58] : memref<80x128xf32, #tpu.memory_space<vmem>> -> memref<16x128xf32, #tpu.memory_space<vmem>>
        %dma_wait3A_60 = arith.constant 10000 : i32
        %dma_wait3A_61 = arith.constant 0 : i32
        %dma_wait3A_62 = tpu.memref_slice %arg11[%dma_wait3A_60, %dma_wait3A_61] : memref<10016x128xf32, #tpu.memory_space<vmem_shared>> -> memref<16x128xf32, #tpu.memory_space<vmem_shared>>
        %dma_wait3A_63 = arith.constant 10000 : i32
        %dma_wait3A_64 = arith.constant 0 : i32
        %dma_wait3A_65 = tpu.memref_slice %arg11[%dma_wait3A_63, %dma_wait3A_64] : memref<10016x128xf32, #tpu.memory_space<vmem_shared>> -> memref<16x128xf32, #tpu.memory_space<vmem_shared>>
        %dma_wait3A_66 = arith.constant 0 : i32
        %dma_wait3A_67 = arith.constant 0 : i32
        %dma_wait3A_68 = tpu.memref_slice %arg9[%dma_wait3A_66, %dma_wait3A_67] : memref<80x128xf32, #tpu.memory_space<vmem>> -> memref<16x128xf32, #tpu.memory_space<vmem>>
        tpu.wait_dma2 semaphore(%run_scoped3A : memref<!tpu.dma_semaphore, #tpu.memory_space<semaphore_mem>>) src(%dma_wait3A_68 : memref<16x128xf32, #tpu.memory_space<vmem>>) dst(%dma_wait3A_65 : memref<16x128xf32, #tpu.memory_space<vmem_shared>>)
        tpu.yield
      }) : () -> ()
    } else {
    }
    %barrier3A = arith.constant 0 : index
    tpu.barrier barrier_id(%barrier3A)
    "tpu.region"() ({
      %run_scoped3A = tpu.sem_alloc : memref<!tpu.dma_semaphore, #tpu.memory_space<semaphore_mem>>
      %dma_start3A = arith.constant 0 : i32
      %dma_start3A_47 = tpu.memref_slice %arg4[%add3A, %dma_start3A] : memref<32x16xi32, #tpu.memory_space<hbm>> -> memref<1x16xi32, #tpu.memory_space<hbm>>
      %dma_start3A_48 = tpu.memref_squeeze %dma_start3A_47 : memref<1x16xi32, #tpu.memory_space<hbm>> -> memref<16xi32, #tpu.memory_space<hbm>>
      %dma_start3A_49 = arith.constant 0 : i32
      %dma_start3A_50 = tpu.memref_slice %arg4[%add3A, %dma_start3A_49] : memref<32x16xi32, #tpu.memory_space<hbm>> -> memref<1x16xi32, #tpu.memory_space<hbm>>
      %dma_start3A_51 = tpu.memref_squeeze %dma_start3A_50 : memref<1x16xi32, #tpu.memory_space<hbm>> -> memref<16xi32, #tpu.memory_space<hbm>>
      tpu.enqueue_dma source(%dma_start3A_51 : memref<16xi32, #tpu.memory_space<hbm>>) target(%arg10 : memref<16xi32, #tpu.memory_space<vmem>>) target_semaphore(%run_scoped3A : memref<!tpu.dma_semaphore, #tpu.memory_space<semaphore_mem>>)
      %dma_wait3A = arith.constant 0 : i32
      %dma_wait3A_52 = tpu.memref_slice %arg4[%add3A, %dma_wait3A] : memref<32x16xi32, #tpu.memory_space<hbm>> -> memref<1x16xi32, #tpu.memory_space<hbm>>
      %dma_wait3A_53 = tpu.memref_squeeze %dma_wait3A_52 : memref<1x16xi32, #tpu.memory_space<hbm>> -> memref<16xi32, #tpu.memory_space<hbm>>
      %dma_wait3A_54 = arith.constant 0 : i32
      %dma_wait3A_55 = tpu.memref_slice %arg4[%add3A, %dma_wait3A_54] : memref<32x16xi32, #tpu.memory_space<hbm>> -> memref<1x16xi32, #tpu.memory_space<hbm>>
      %dma_wait3A_56 = tpu.memref_squeeze %dma_wait3A_55 : memref<1x16xi32, #tpu.memory_space<hbm>> -> memref<16xi32, #tpu.memory_space<hbm>>
      tpu.wait_dma2 semaphore(%run_scoped3A : memref<!tpu.dma_semaphore, #tpu.memory_space<semaphore_mem>>) src(%dma_wait3A_56 : memref<16xi32, #tpu.memory_space<hbm>>) dst(%arg10 : memref<16xi32, #tpu.memory_space<vmem>>)
      tpu.yield
    }) : () -> ()
    %get3A = arith.constant 0 : index
    %get3A_20 = tpu.vector_load %arg10[%get3A] {strides = array<i32>} : memref<16xi32, #tpu.memory_space<vmem>>, vector<16xi32>,
    %slice3A = vector.extract_strided_slice %get3A_20 {offsets = [0], sizes = [1], strides = [1]} : vector<16xi32> to vector<1xi32>
    %squeeze3A = vector.extract %slice3A[0] : i32 from vector<1xi32>
    %mul3A_21 = arith.constant 20 : i32
    %mul3A_22 = arith.muli %squeeze3A, %mul3A_21 : i32
    %mul3A_23 = arith.constant 320000 : i32
    %mul3A_24 = arith.muli %add3A, %mul3A_23 : i32
    %while3A = arith.constant 0 : i32
    %while3A_25 = arith.constant 0 : i32
    %while3A_26 = arith.subi %mul3A_22, %while3A : i32
    %while3A_27 = arith.addi %while3A, %while3A_26 : i32
    %while3A_28 = arith.constant 1 : i32
    %while3A_29 = arith.divsi %while3A_26, %while3A_28 : i32
    %while3A_30 = arith.muli %while3A_29, %while3A_28 : i32
    %while3A_31 = arith.addi %while3A, %while3A_30 : i32
    %while3A_32 = arith.constant 1 : i32
    %while3A_33 = scf.for %while3A_47 = %while3A to %while3A_31 step %while3A_32 iter_args(%while3A_48 = %while3A_25) -> (i32)  : i32 {
      %mul3A_49 = arith.constant 80 : i32
      %mul3A_50 = arith.muli %while3A_47, %mul3A_49 : i32
      %add3A_51 = arith.addi %mul3A_24, %mul3A_50 : i32
      "tpu.region"() ({
        %run_scoped3A = tpu.sem_alloc : memref<!tpu.dma_semaphore, #tpu.memory_space<semaphore_mem>>
        %dma_start3A_64 = tpu.memref_slice %arg3[%add3A_51] : memref<10240000xi32, #tpu.memory_space<hbm>> -> memref<80xi32, #tpu.memory_space<hbm>>
        %dma_start3A_65 = tpu.memref_slice %arg3[%add3A_51] : memref<10240000xi32, #tpu.memory_space<hbm>> -> memref<80xi32, #tpu.memory_space<hbm>>
        tpu.enqueue_dma source(%dma_start3A_65 : memref<80xi32, #tpu.memory_space<hbm>>) target(%arg6 : memref<80xi32, #tpu.memory_space<vmem>>) target_semaphore(%run_scoped3A : memref<!tpu.dma_semaphore, #tpu.memory_space<semaphore_mem>>)
        %dma_wait3A_66 = tpu.memref_slice %arg3[%add3A_51] : memref<10240000xi32, #tpu.memory_space<hbm>> -> memref<80xi32, #tpu.memory_space<hbm>>
        %dma_wait3A_67 = tpu.memref_slice %arg3[%add3A_51] : memref<10240000xi32, #tpu.memory_space<hbm>> -> memref<80xi32, #tpu.memory_space<hbm>>
        tpu.wait_dma2 semaphore(%run_scoped3A : memref<!tpu.dma_semaphore, #tpu.memory_space<semaphore_mem>>) src(%dma_wait3A_67 : memref<80xi32, #tpu.memory_space<hbm>>) dst(%arg6 : memref<80xi32, #tpu.memory_space<vmem>>)
        tpu.yield
      }) : () -> ()
      %scan3A_52 = arith.constant 0 : i32
      %scan3A_53 = arith.constant 0 : i32
      %scan3A_54 = arith.constant 5 : i32
      %scan3A_55 = arith.addi %scan3A_53, %scan3A_54 : i32
      %scan3A_56 = arith.constant 1 : i32
      %scan3A_57 = scf.for %scan3A_64 = %scan3A_53 to %scan3A_55 step %scan3A_56 iter_args(%scan3A_65 = %scan3A_52) -> (i32)  : i32 {
        %mul3A_66 = arith.constant 16 : i32
        %mul3A_67 = arith.muli %scan3A_64, %mul3A_66 : i32
        %get3A_68 = arith.index_cast %mul3A_67 : i32 to index
        %get3A_69 = tpu.vector_load %arg6[%get3A_68] {strides = array<i32>} : memref<80xi32, #tpu.memory_space<vmem>>, vector<16xi32>,
        %shift_right_logical3A = arith.constant 14 : i32
        %shift_right_logical3A_70 = vector.broadcast %shift_right_logical3A : i32 to vector<16xi32>
        %shift_right_logical3A_71 = arith.shrui %get3A_69, %shift_right_logical3A_70 : vector<16xi32>
        %mul3A_72 = arith.constant 16 : i32
        %mul3A_73 = arith.muli %scan3A_64, %mul3A_72 : i32
        %swap3A = arith.index_cast %mul3A_73 : i32 to index
        %swap3A_74 = tpu.vector_load %arg7[%swap3A] {strides = array<i32>} : memref<80xi32, #tpu.memory_space<vmem>>, vector<16xi32>,
        tpu.vector_store %arg7[%swap3A], %shift_right_logical3A_71 {strides = array<i32>} : memref<80xi32, #tpu.memory_space<vmem>>, vector<16xi32>,
        %and3A = arith.constant 16383 : i32
        %and3A_75 = vector.broadcast %and3A : i32 to vector<16xi32>
        %and3A_76 = arith.andi %get3A_69, %and3A_75 : vector<16xi32>
        %mul3A_77 = arith.constant 16 : i32
        %mul3A_78 = arith.muli %scan3A_64, %mul3A_77 : i32
        %swap3A_79 = arith.index_cast %mul3A_78 : i32 to index
        %swap3A_80 = tpu.vector_load %arg8[%swap3A_79] {strides = array<i32>} : memref<80xi32, #tpu.memory_space<vmem>>, vector<16xi32>,
        tpu.vector_store %arg8[%swap3A_79], %and3A_76 {strides = array<i32>} : memref<80xi32, #tpu.memory_space<vmem>>, vector<16xi32>,
        %scan3A_81 = arith.constant 0 : i32
        scf.yield %scan3A_81 : i32
      }
      %scan3A_58 = arith.constant 5 : i32
      %dma_start3A = arith.constant 0 : i32
      %dma_start3A_59 = arith.constant 0 : i32
      %dma_start3A_60 = tpu.memref_slice %arg2[%dma_start3A, %dma_start3A_59] : memref<10000x128xf32, #tpu.memory_space<hbm>> -> memref<10000x128xf32, #tpu.memory_space<hbm>>
      tpu.enqueue_indirect_dma source(%dma_start3A_60 : memref<10000x128xf32, #tpu.memory_space<hbm>>) target(%arg9 : memref<80x128xf32, #tpu.memory_space<vmem>>) offsets(%arg7 : memref<80xi32, #tpu.memory_space<vmem>>) semaphore(%arg12 : memref<!tpu.dma_semaphore, #tpu.memory_space<semaphore_mem>>)
      %dma_wait3A = arith.constant 0 : i32
      %dma_wait3A_61 = arith.constant 0 : i32
      %dma_wait3A_62 = tpu.memref_slice %arg2[%dma_wait3A, %dma_wait3A_61] : memref<10000x128xf32, #tpu.memory_space<hbm>> -> memref<10000x128xf32, #tpu.memory_space<hbm>>
      tpu.wait_indirect_dma semaphore(%arg12 : memref<!tpu.dma_semaphore, #tpu.memory_space<semaphore_mem>>) src(%dma_wait3A_62 : memref<10000x128xf32, #tpu.memory_space<hbm>>) dst(%arg9 : memref<80x128xf32, #tpu.memory_space<vmem>>)
      "tpu.region"() ({
        %run_scoped3A = tpu.sem_alloc : memref<!tpu.dma_semaphore, #tpu.memory_space<semaphore_mem>>
        %dma_start3A_64 = arith.constant 0 : i32
        %dma_start3A_65 = arith.constant 0 : i32
        %dma_start3A_66 = tpu.memref_slice %arg11[%dma_start3A_64, %dma_start3A_65] : memref<10016x128xf32, #tpu.memory_space<vmem_shared>> -> memref<10016x128xf32, #tpu.memory_space<vmem_shared>>
        tpu.enqueue_indirect_dma source(%arg9 : memref<80x128xf32, #tpu.memory_space<vmem>>) target(%dma_start3A_66 : memref<10016x128xf32, #tpu.memory_space<vmem_shared>>) offsets(%arg8 : memref<80xi32, #tpu.memory_space<vmem>>) semaphore(%run_scoped3A : memref<!tpu.dma_semaphore, #tpu.memory_space<semaphore_mem>>) {add = true}
        %dma_wait3A_67 = arith.constant 0 : i32
        %dma_wait3A_68 = arith.constant 0 : i32
        %dma_wait3A_69 = tpu.memref_slice %arg11[%dma_wait3A_67, %dma_wait3A_68] : memref<10016x128xf32, #tpu.memory_space<vmem_shared>> -> memref<10016x128xf32, #tpu.memory_space<vmem_shared>>
        tpu.wait_indirect_dma semaphore(%run_scoped3A : memref<!tpu.dma_semaphore, #tpu.memory_space<semaphore_mem>>) src(%arg9 : memref<80x128xf32, #tpu.memory_space<vmem>>) dst(%dma_wait3A_69 : memref<10016x128xf32, #tpu.memory_space<vmem_shared>>)
        tpu.yield
      }) : () -> ()
      %while3A_63 = arith.constant 0 : i32
      scf.yield %while3A_63 : i32
    }
    %while3A_34 = arith.constant 1 : i32
    %while3A_35 = scf.for %while3A_47 = %while3A_31 to %while3A_27 step %while3A_34 iter_args(%while3A_48 = %while3A_33) -> (i32)  : i32 {
      %mul3A_49 = arith.constant 80 : i32
      %mul3A_50 = arith.muli %while3A_47, %mul3A_49 : i32
      %add3A_51 = arith.addi %mul3A_24, %mul3A_50 : i32
      "tpu.region"() ({
        %run_scoped3A = tpu.sem_alloc : memref<!tpu.dma_semaphore, #tpu.memory_space<semaphore_mem>>
        %dma_start3A_64 = tpu.memref_slice %arg3[%add3A_51] : memref<10240000xi32, #tpu.memory_space<hbm>> -> memref<80xi32, #tpu.memory_space<hbm>>
        %dma_start3A_65 = tpu.memref_slice %arg3[%add3A_51] : memref<10240000xi32, #tpu.memory_space<hbm>> -> memref<80xi32, #tpu.memory_space<hbm>>
        tpu.enqueue_dma source(%dma_start3A_65 : memref<80xi32, #tpu.memory_space<hbm>>) target(%arg6 : memref<80xi32, #tpu.memory_space<vmem>>) target_semaphore(%run_scoped3A : memref<!tpu.dma_semaphore, #tpu.memory_space<semaphore_mem>>)
        %dma_wait3A_66 = tpu.memref_slice %arg3[%add3A_51] : memref<10240000xi32, #tpu.memory_space<hbm>> -> memref<80xi32, #tpu.memory_space<hbm>>
        %dma_wait3A_67 = tpu.memref_slice %arg3[%add3A_51] : memref<10240000xi32, #tpu.memory_space<hbm>> -> memref<80xi32, #tpu.memory_space<hbm>>
        tpu.wait_dma2 semaphore(%run_scoped3A : memref<!tpu.dma_semaphore, #tpu.memory_space<semaphore_mem>>) src(%dma_wait3A_67 : memref<80xi32, #tpu.memory_space<hbm>>) dst(%arg6 : memref<80xi32, #tpu.memory_space<vmem>>)
        tpu.yield
      }) : () -> ()
      %scan3A_52 = arith.constant 0 : i32
      %scan3A_53 = arith.constant 0 : i32
      %scan3A_54 = arith.constant 5 : i32
      %scan3A_55 = arith.addi %scan3A_53, %scan3A_54 : i32
      %scan3A_56 = arith.constant 1 : i32
      %scan3A_57 = scf.for %scan3A_64 = %scan3A_53 to %scan3A_55 step %scan3A_56 iter_args(%scan3A_65 = %scan3A_52) -> (i32)  : i32 {
        %mul3A_66 = arith.constant 16 : i32
        %mul3A_67 = arith.muli %scan3A_64, %mul3A_66 : i32
        %get3A_68 = arith.index_cast %mul3A_67 : i32 to index
        %get3A_69 = tpu.vector_load %arg6[%get3A_68] {strides = array<i32>} : memref<80xi32, #tpu.memory_space<vmem>>, vector<16xi32>,
        %shift_right_logical3A = arith.constant 14 : i32
        %shift_right_logical3A_70 = vector.broadcast %shift_right_logical3A : i32 to vector<16xi32>
        %shift_right_logical3A_71 = arith.shrui %get3A_69, %shift_right_logical3A_70 : vector<16xi32>
        %mul3A_72 = arith.constant 16 : i32
        %mul3A_73 = arith.muli %scan3A_64, %mul3A_72 : i32
        %swap3A = arith.index_cast %mul3A_73 : i32 to index
        %swap3A_74 = tpu.vector_load %arg7[%swap3A] {strides = array<i32>} : memref<80xi32, #tpu.memory_space<vmem>>, vector<16xi32>,
        tpu.vector_store %arg7[%swap3A], %shift_right_logical3A_71 {strides = array<i32>} : memref<80xi32, #tpu.memory_space<vmem>>, vector<16xi32>,
        %and3A = arith.constant 16383 : i32
        %and3A_75 = vector.broadcast %and3A : i32 to vector<16xi32>
        %and3A_76 = arith.andi %get3A_69, %and3A_75 : vector<16xi32>
        %mul3A_77 = arith.constant 16 : i32
        %mul3A_78 = arith.muli %scan3A_64, %mul3A_77 : i32
        %swap3A_79 = arith.index_cast %mul3A_78 : i32 to index
        %swap3A_80 = tpu.vector_load %arg8[%swap3A_79] {strides = array<i32>} : memref<80xi32, #tpu.memory_space<vmem>>, vector<16xi32>,
        tpu.vector_store %arg8[%swap3A_79], %and3A_76 {strides = array<i32>} : memref<80xi32, #tpu.memory_space<vmem>>, vector<16xi32>,
        %scan3A_81 = arith.constant 0 : i32
        scf.yield %scan3A_81 : i32
      }
      %scan3A_58 = arith.constant 5 : i32
      %dma_start3A = arith.constant 0 : i32
      %dma_start3A_59 = arith.constant 0 : i32
      %dma_start3A_60 = tpu.memref_slice %arg2[%dma_start3A, %dma_start3A_59] : memref<10000x128xf32, #tpu.memory_space<hbm>> -> memref<10000x128xf32, #tpu.memory_space<hbm>>
      tpu.enqueue_indirect_dma source(%dma_start3A_60 : memref<10000x128xf32, #tpu.memory_space<hbm>>) target(%arg9 : memref<80x128xf32, #tpu.memory_space<vmem>>) offsets(%arg7 : memref<80xi32, #tpu.memory_space<vmem>>) semaphore(%arg12 : memref<!tpu.dma_semaphore, #tpu.memory_space<semaphore_mem>>)
      %dma_wait3A = arith.constant 0 : i32
      %dma_wait3A_61 = arith.constant 0 : i32
      %dma_wait3A_62 = tpu.memref_slice %arg2[%dma_wait3A, %dma_wait3A_61] : memref<10000x128xf32, #tpu.memory_space<hbm>> -> memref<10000x128xf32, #tpu.memory_space<hbm>>
      tpu.wait_indirect_dma semaphore(%arg12 : memref<!tpu.dma_semaphore, #tpu.memory_space<semaphore_mem>>) src(%dma_wait3A_62 : memref<10000x128xf32, #tpu.memory_space<hbm>>) dst(%arg9 : memref<80x128xf32, #tpu.memory_space<vmem>>)
      "tpu.region"() ({
        %run_scoped3A = tpu.sem_alloc : memref<!tpu.dma_semaphore, #tpu.memory_space<semaphore_mem>>
        %dma_start3A_64 = arith.constant 0 : i32
        %dma_start3A_65 = arith.constant 0 : i32
        %dma_start3A_66 = tpu.memref_slice %arg11[%dma_start3A_64, %dma_start3A_65] : memref<10016x128xf32, #tpu.memory_space<vmem_shared>> -> memref<10016x128xf32, #tpu.memory_space<vmem_shared>>
        tpu.enqueue_indirect_dma source(%arg9 : memref<80x128xf32, #tpu.memory_space<vmem>>) target(%dma_start3A_66 : memref<10016x128xf32, #tpu.memory_space<vmem_shared>>) offsets(%arg8 : memref<80xi32, #tpu.memory_space<vmem>>) semaphore(%run_scoped3A : memref<!tpu.dma_semaphore, #tpu.memory_space<semaphore_mem>>) {add = true}
        %dma_wait3A_67 = arith.constant 0 : i32
        %dma_wait3A_68 = arith.constant 0 : i32
        %dma_wait3A_69 = tpu.memref_slice %arg11[%dma_wait3A_67, %dma_wait3A_68] : memref<10016x128xf32, #tpu.memory_space<vmem_shared>> -> memref<10016x128xf32, #tpu.memory_space<vmem_shared>>
        tpu.wait_indirect_dma semaphore(%run_scoped3A : memref<!tpu.dma_semaphore, #tpu.memory_space<semaphore_mem>>) src(%arg9 : memref<80x128xf32, #tpu.memory_space<vmem>>) dst(%dma_wait3A_69 : memref<10016x128xf32, #tpu.memory_space<vmem_shared>>)
        tpu.yield
      }) : () -> ()
      %while3A_63 = arith.constant 0 : i32
      scf.yield %while3A_63 : i32
    }
    %barrier3A_36 = arith.constant 0 : index
    tpu.barrier barrier_id(%barrier3A_36)
    %lt3A_37 = arith.constant 31 : i32
    %lt3A_38 = arith.cmpi slt, %add3A, %lt3A_37 : i32
    %convert_element_type3A_39 = arith.extui %lt3A_38 : i1 to i32
    %cond3A_40 = arith.constant 0 : i32
    %cond3A_41 = arith.cmpi ne, %convert_element_type3A_39, %cond3A_40 : i32
    scf.if %cond3A_41 {
      "tpu.region"() ({
        %run_scoped3A = tpu.sem_alloc : memref<!tpu.dma_semaphore, #tpu.memory_space<semaphore_mem>>
        %dma_start3A = arith.constant 0 : i32
        %dma_start3A_47 = tpu.memref_slice %arg5[%mul3A_8, %dma_start3A] : memref<10000x128xf32, #tpu.memory_space<hbm>> -> memref<320x128xf32, #tpu.memory_space<hbm>>
        %dma_start3A_48 = arith.constant 0 : i32
        %dma_start3A_49 = tpu.memref_slice %arg11[%mul3A_8, %dma_start3A_48] : memref<10016x128xf32, #tpu.memory_space<vmem_shared>> -> memref<320x128xf32, #tpu.memory_space<vmem_shared>>
        tpu.enqueue_dma source(%dma_start3A_49 : memref<320x128xf32, #tpu.memory_space<vmem_shared>>) target(%dma_start3A_47 : memref<320x128xf32, #tpu.memory_space<hbm>>) target_semaphore(%run_scoped3A : memref<!tpu.dma_semaphore, #tpu.memory_space<semaphore_mem>>)
        %dma_wait3A = arith.constant 0 : i32
        %dma_wait3A_50 = tpu.memref_slice %arg5[%mul3A_8, %dma_wait3A] : memref<10000x128xf32, #tpu.memory_space<hbm>> -> memref<320x128xf32, #tpu.memory_space<hbm>>
        %dma_wait3A_51 = arith.constant 0 : i32
        %dma_wait3A_52 = tpu.memref_slice %arg11[%mul3A_8, %dma_wait3A_51] : memref<10016x128xf32, #tpu.memory_space<vmem_shared>> -> memref<320x128xf32, #tpu.memory_space<vmem_shared>>
        tpu.wait_dma2 semaphore(%run_scoped3A : memref<!tpu.dma_semaphore, #tpu.memory_space<semaphore_mem>>) src(%dma_wait3A_52 : memref<320x128xf32, #tpu.memory_space<vmem_shared>>) dst(%dma_wait3A_50 : memref<320x128xf32, #tpu.memory_space<hbm>>)
        tpu.yield
      }) : () -> ()
    } else {
    }
    %eq3A_42 = arith.constant 31 : i32
    %eq3A_43 = arith.cmpi eq, %add3A, %eq3A_42 : i32
    %convert_element_type3A_44 = arith.extui %eq3A_43 : i1 to i32
    %cond3A_45 = arith.constant 0 : i32
    %cond3A_46 = arith.cmpi ne, %convert_element_type3A_44, %cond3A_45 : i32
    scf.if %cond3A_46 {
      "tpu.region"() ({
        %run_scoped3A = tpu.sem_alloc : memref<!tpu.dma_semaphore, #tpu.memory_space<semaphore_mem>>
        %dma_start3A = arith.constant 0 : i32
        %dma_start3A_47 = tpu.memref_slice %arg5[%mul3A_8, %dma_start3A] : memref<10000x128xf32, #tpu.memory_space<hbm>> -> memref<80x128xf32, #tpu.memory_space<hbm>>
        %dma_start3A_48 = arith.constant 0 : i32
        %dma_start3A_49 = tpu.memref_slice %arg11[%mul3A_8, %dma_start3A_48] : memref<10016x128xf32, #tpu.memory_space<vmem_shared>> -> memref<80x128xf32, #tpu.memory_space<vmem_shared>>
        tpu.enqueue_dma source(%dma_start3A_49 : memref<80x128xf32, #tpu.memory_space<vmem_shared>>) target(%dma_start3A_47 : memref<80x128xf32, #tpu.memory_space<hbm>>) target_semaphore(%run_scoped3A : memref<!tpu.dma_semaphore, #tpu.memory_space<semaphore_mem>>)
        %dma_wait3A = arith.constant 0 : i32
        %dma_wait3A_50 = tpu.memref_slice %arg5[%mul3A_8, %dma_wait3A] : memref<10000x128xf32, #tpu.memory_space<hbm>> -> memref<80x128xf32, #tpu.memory_space<hbm>>
        %dma_wait3A_51 = arith.constant 0 : i32
        %dma_wait3A_52 = tpu.memref_slice %arg11[%mul3A_8, %dma_wait3A_51] : memref<10016x128xf32, #tpu.memory_space<vmem_shared>> -> memref<80x128xf32, #tpu.memory_space<vmem_shared>>
        tpu.wait_dma2 semaphore(%run_scoped3A : memref<!tpu.dma_semaphore, #tpu.memory_space<semaphore_mem>>) src(%dma_wait3A_52 : memref<80x128xf32, #tpu.memory_space<vmem_shared>>) dst(%dma_wait3A_50 : memref<80x128xf32, #tpu.memory_space<hbm>>)
        tpu.yield
      }) : () -> ()
    } else {
    }
    return
  }
}

#map = affine_map<(d0, d1) -> (0, 0)>
#map1 = affine_map<(d0, d1) -> (0)>
module attributes {stable_mosaic.version = 14 : i64} {
  func.func @_sc_agg(%arg0: i32, %arg1: i32, %arg2: memref<10000x128xf32, #tpu.memory_space<hbm>>, %arg3: memref<10240000xi32, #tpu.memory_space<hbm>>, %arg4: memref<32x16xi32, #tpu.memory_space<hbm>>, %arg5: memref<10000x128xf32, #tpu.memory_space<hbm>>, %arg6: memref<80xi32, #tpu.memory_space<vmem>>, %arg7: memref<80xi32, #tpu.memory_space<vmem>>, %arg8: memref<80xi32, #tpu.memory_space<vmem>>, %arg9: memref<80x128xf32, #tpu.memory_space<vmem>>, %arg10: memref<16xi32, #tpu.memory_space<vmem>>, %arg11: memref<10016x128xf32, #tpu.memory_space<vmem_shared>>, %arg12: memref<!tpu.dma_semaphore, #tpu.memory_space<semaphore_mem>>) attributes {dimension_semantics = [#tpu.dimension_semantics<core_parallel>, #tpu.dimension_semantics<subcore_parallel>], iteration_bounds = array<i64: 2, 16>, scalar_prefetch = 0 : i64, scratch_operands = 7 : i64, tpu.core_type = #tpu.core_type<sc_vector_subcore>, window_params = [{transform_indices = #map}, {transform_indices = #map1}, {transform_indices = #map}, {transform_indices = #map}]} {
    %mul3A = arith.constant 16 : i32
    %mul3A_0 = arith.muli %arg0, %mul3A : i32
    %add3A = arith.addi %mul3A_0, %arg1 : i32
    %scan3A = arith.constant 0 : i32
    %scan3A_1 = arith.constant 0 : i32
    %scan3A_2 = arith.constant 80 : i32
    %scan3A_3 = arith.addi %scan3A_1, %scan3A_2 : i32
    %scan3A_4 = arith.constant 1 : i32
    %scan3A_5 = scf.for %scan3A_47 = %scan3A_1 to %scan3A_3 step %scan3A_4 iter_args(%scan3A_48 = %scan3A) -> (i32)  : i32 {
      %scan3A_49 = arith.constant 0 : i32
      %scan3A_50 = arith.constant 0 : i32
      %scan3A_51 = arith.constant 8 : i32
      %scan3A_52 = arith.addi %scan3A_50, %scan3A_51 : i32
      %scan3A_53 = arith.constant 1 : i32
      %scan3A_54 = scf.for %scan3A_56 = %scan3A_50 to %scan3A_52 step %scan3A_53 iter_args(%scan3A_57 = %scan3A_49) -> (i32)  : i32 {
        %broadcast_in_dim3A = arith.constant 0.000000e+00 : f32
        %broadcast_in_dim3A_58 = vector.broadcast %broadcast_in_dim3A : f32 to vector<16xf32>
        %mul3A_59 = arith.constant 16 : i32
        %mul3A_60 = arith.muli %scan3A_56, %mul3A_59 : i32
        %swap3A = arith.index_cast %scan3A_47 : i32 to index
        %swap3A_61 = arith.index_cast %mul3A_60 : i32 to index
        %swap3A_62 = tpu.vector_load %arg9[%swap3A, %swap3A_61] {strides = array<i32>} : memref<80x128xf32, #tpu.memory_space<vmem>>, vector<16xf32>,
        tpu.vector_store %arg9[%swap3A, %swap3A_61], %broadcast_in_dim3A_58 {strides = array<i32>} : memref<80x128xf32, #tpu.memory_space<vmem>>, vector<16xf32>,
        %scan3A_63 = arith.constant 0 : i32
        scf.yield %scan3A_63 : i32
      }
      %scan3A_55 = arith.constant 8 : i32
      scf.yield %scan3A_54 : i32
    }
    %scan3A_6 = arith.constant 80 : i32
    %mul3A_7 = arith.constant 320 : i32
    %mul3A_8 = arith.muli %add3A, %mul3A_7 : i32
    %lt3A = arith.constant 31 : i32
    %lt3A_9 = arith.cmpi slt, %add3A, %lt3A : i32
    %convert_element_type3A = arith.extui %lt3A_9 : i1 to i32
    %cond3A = arith.constant 0 : i32
    %cond3A_10 = arith.cmpi ne, %convert_element_type3A, %cond3A : i32
    scf.if %cond3A_10 {
      %scan3A_47 = arith.constant 0 : i32
      %scan3A_48 = arith.constant 0 : i32
      %scan3A_49 = arith.constant 4 : i32
      %scan3A_50 = arith.addi %scan3A_48, %scan3A_49 : i32
      %scan3A_51 = arith.constant 1 : i32
      %scan3A_52 = scf.for %scan3A_54 = %scan3A_48 to %scan3A_50 step %scan3A_51 iter_args(%scan3A_55 = %scan3A_47) -> (i32)  : i32 {
        %mul3A_56 = arith.constant 80 : i32
        %mul3A_57 = arith.muli %scan3A_54, %mul3A_56 : i32
        %add3A_58 = arith.addi %mul3A_8, %mul3A_57 : i32
        "tpu.region"() ({
          %run_scoped3A = tpu.sem_alloc : memref<!tpu.dma_semaphore, #tpu.memory_space<semaphore_mem>>
          %dma_start3A = arith.constant 0 : i32
          %dma_start3A_60 = tpu.memref_slice %arg11[%add3A_58, %dma_start3A] : memref<10016x128xf32, #tpu.memory_space<vmem_shared>> -> memref<80x128xf32, #tpu.memory_space<vmem_shared>>
          %dma_start3A_61 = arith.constant 0 : i32
          %dma_start3A_62 = tpu.memref_slice %arg11[%add3A_58, %dma_start3A_61] : memref<10016x128xf32, #tpu.memory_space<vmem_shared>> -> memref<80x128xf32, #tpu.memory_space<vmem_shared>>
          tpu.enqueue_dma source(%arg9 : memref<80x128xf32, #tpu.memory_space<vmem>>) target(%dma_start3A_62 : memref<80x128xf32, #tpu.memory_space<vmem_shared>>) target_semaphore(%run_scoped3A : memref<!tpu.dma_semaphore, #tpu.memory_space<semaphore_mem>>)
          %dma_wait3A = arith.constant 0 : i32
          %dma_wait3A_63 = tpu.memref_slice %arg11[%add3A_58, %dma_wait3A] : memref<10016x128xf32, #tpu.memory_space<vmem_shared>> -> memref<80x128xf32, #tpu.memory_space<vmem_shared>>
          %dma_wait3A_64 = arith.constant 0 : i32
          %dma_wait3A_65 = tpu.memref_slice %arg11[%add3A_58, %dma_wait3A_64] : memref<10016x128xf32, #tpu.memory_space<vmem_shared>> -> memref<80x128xf32, #tpu.memory_space<vmem_shared>>
          tpu.wait_dma2 semaphore(%run_scoped3A : memref<!tpu.dma_semaphore, #tpu.memory_space<semaphore_mem>>) src(%arg9 : memref<80x128xf32, #tpu.memory_space<vmem>>) dst(%dma_wait3A_65 : memref<80x128xf32, #tpu.memory_space<vmem_shared>>)
          tpu.yield
        }) : () -> ()
        %scan3A_59 = arith.constant 0 : i32
        scf.yield %scan3A_59 : i32
      }
      %scan3A_53 = arith.constant 4 : i32
    } else {
    }
    %eq3A = arith.constant 31 : i32
    %eq3A_11 = arith.cmpi eq, %add3A, %eq3A : i32
    %convert_element_type3A_12 = arith.extui %eq3A_11 : i1 to i32
    %cond3A_13 = arith.constant 0 : i32
    %cond3A_14 = arith.cmpi ne, %convert_element_type3A_12, %cond3A_13 : i32
    scf.if %cond3A_14 {
      "tpu.region"() ({
        %run_scoped3A = tpu.sem_alloc : memref<!tpu.dma_semaphore, #tpu.memory_space<semaphore_mem>>
        %dma_start3A = arith.constant 0 : i32
        %dma_start3A_47 = tpu.memref_slice %arg11[%mul3A_8, %dma_start3A] : memref<10016x128xf32, #tpu.memory_space<vmem_shared>> -> memref<80x128xf32, #tpu.memory_space<vmem_shared>>
        %dma_start3A_48 = arith.constant 0 : i32
        %dma_start3A_49 = tpu.memref_slice %arg11[%mul3A_8, %dma_start3A_48] : memref<10016x128xf32, #tpu.memory_space<vmem_shared>> -> memref<80x128xf32, #tpu.memory_space<vmem_shared>>
        tpu.enqueue_dma source(%arg9 : memref<80x128xf32, #tpu.memory_space<vmem>>) target(%dma_start3A_49 : memref<80x128xf32, #tpu.memory_space<vmem_shared>>) target_semaphore(%run_scoped3A : memref<!tpu.dma_semaphore, #tpu.memory_space<semaphore_mem>>)
        %dma_wait3A = arith.constant 0 : i32
        %dma_wait3A_50 = tpu.memref_slice %arg11[%mul3A_8, %dma_wait3A] : memref<10016x128xf32, #tpu.memory_space<vmem_shared>> -> memref<80x128xf32, #tpu.memory_space<vmem_shared>>
        %dma_wait3A_51 = arith.constant 0 : i32
        %dma_wait3A_52 = tpu.memref_slice %arg11[%mul3A_8, %dma_wait3A_51] : memref<10016x128xf32, #tpu.memory_space<vmem_shared>> -> memref<80x128xf32, #tpu.memory_space<vmem_shared>>
        tpu.wait_dma2 semaphore(%run_scoped3A : memref<!tpu.dma_semaphore, #tpu.memory_space<semaphore_mem>>) src(%arg9 : memref<80x128xf32, #tpu.memory_space<vmem>>) dst(%dma_wait3A_52 : memref<80x128xf32, #tpu.memory_space<vmem_shared>>)
        tpu.yield
      }) : () -> ()
    } else {
    }
    %eq3A_15 = arith.constant 0 : i32
    %eq3A_16 = arith.cmpi eq, %add3A, %eq3A_15 : i32
    %convert_element_type3A_17 = arith.extui %eq3A_16 : i1 to i32
    %cond3A_18 = arith.constant 0 : i32
    %cond3A_19 = arith.cmpi ne, %convert_element_type3A_17, %cond3A_18 : i32
    scf.if %cond3A_19 {
      "tpu.region"() ({
        %run_scoped3A = tpu.sem_alloc : memref<!tpu.dma_semaphore, #tpu.memory_space<semaphore_mem>>
        %dma_start3A = arith.constant 0 : i32
        %dma_start3A_47 = arith.constant 0 : i32
        %dma_start3A_48 = tpu.memref_slice %arg9[%dma_start3A, %dma_start3A_47] : memref<80x128xf32, #tpu.memory_space<vmem>> -> memref<16x128xf32, #tpu.memory_space<vmem>>
        %dma_start3A_49 = arith.constant 10000 : i32
        %dma_start3A_50 = arith.constant 0 : i32
        %dma_start3A_51 = tpu.memref_slice %arg11[%dma_start3A_49, %dma_start3A_50] : memref<10016x128xf32, #tpu.memory_space<vmem_shared>> -> memref<16x128xf32, #tpu.memory_space<vmem_shared>>
        %dma_start3A_52 = arith.constant 10000 : i32
        %dma_start3A_53 = arith.constant 0 : i32
        %dma_start3A_54 = tpu.memref_slice %arg11[%dma_start3A_52, %dma_start3A_53] : memref<10016x128xf32, #tpu.memory_space<vmem_shared>> -> memref<16x128xf32, #tpu.memory_space<vmem_shared>>
        %dma_start3A_55 = arith.constant 0 : i32
        %dma_start3A_56 = arith.constant 0 : i32
        %dma_start3A_57 = tpu.memref_slice %arg9[%dma_start3A_55, %dma_start3A_56] : memref<80x128xf32, #tpu.memory_space<vmem>> -> memref<16x128xf32, #tpu.memory_space<vmem>>
        tpu.enqueue_dma source(%dma_start3A_57 : memref<16x128xf32, #tpu.memory_space<vmem>>) target(%dma_start3A_54 : memref<16x128xf32, #tpu.memory_space<vmem_shared>>) target_semaphore(%run_scoped3A : memref<!tpu.dma_semaphore, #tpu.memory_space<semaphore_mem>>)
        %dma_wait3A = arith.constant 0 : i32
        %dma_wait3A_58 = arith.constant 0 : i32
        %dma_wait3A_59 = tpu.memref_slice %arg9[%dma_wait3A, %dma_wait3A_58] : memref<80x128xf32, #tpu.memory_space<vmem>> -> memref<16x128xf32, #tpu.memory_space<vmem>>
        %dma_wait3A_60 = arith.constant 10000 : i32
        %dma_wait3A_61 = arith.constant 0 : i32
        %dma_wait3A_62 = tpu.memref_slice %arg11[%dma_wait3A_60, %dma_wait3A_61] : memref<10016x128xf32, #tpu.memory_space<vmem_shared>> -> memref<16x128xf32, #tpu.memory_space<vmem_shared>>
        %dma_wait3A_63 = arith.constant 10000 : i32
        %dma_wait3A_64 = arith.constant 0 : i32
        %dma_wait3A_65 = tpu.memref_slice %arg11[%dma_wait3A_63, %dma_wait3A_64] : memref<10016x128xf32, #tpu.memory_space<vmem_shared>> -> memref<16x128xf32, #tpu.memory_space<vmem_shared>>
        %dma_wait3A_66 = arith.constant 0 : i32
        %dma_wait3A_67 = arith.constant 0 : i32
        %dma_wait3A_68 = tpu.memref_slice %arg9[%dma_wait3A_66, %dma_wait3A_67] : memref<80x128xf32, #tpu.memory_space<vmem>> -> memref<16x128xf32, #tpu.memory_space<vmem>>
        tpu.wait_dma2 semaphore(%run_scoped3A : memref<!tpu.dma_semaphore, #tpu.memory_space<semaphore_mem>>) src(%dma_wait3A_68 : memref<16x128xf32, #tpu.memory_space<vmem>>) dst(%dma_wait3A_65 : memref<16x128xf32, #tpu.memory_space<vmem_shared>>)
        tpu.yield
      }) : () -> ()
    } else {
    }
    %barrier3A = arith.constant 0 : index
    tpu.barrier barrier_id(%barrier3A)
    "tpu.region"() ({
      %run_scoped3A = tpu.sem_alloc : memref<!tpu.dma_semaphore, #tpu.memory_space<semaphore_mem>>
      %dma_start3A = arith.constant 0 : i32
      %dma_start3A_47 = tpu.memref_slice %arg4[%add3A, %dma_start3A] : memref<32x16xi32, #tpu.memory_space<hbm>> -> memref<1x16xi32, #tpu.memory_space<hbm>>
      %dma_start3A_48 = tpu.memref_squeeze %dma_start3A_47 : memref<1x16xi32, #tpu.memory_space<hbm>> -> memref<16xi32, #tpu.memory_space<hbm>>
      %dma_start3A_49 = arith.constant 0 : i32
      %dma_start3A_50 = tpu.memref_slice %arg4[%add3A, %dma_start3A_49] : memref<32x16xi32, #tpu.memory_space<hbm>> -> memref<1x16xi32, #tpu.memory_space<hbm>>
      %dma_start3A_51 = tpu.memref_squeeze %dma_start3A_50 : memref<1x16xi32, #tpu.memory_space<hbm>> -> memref<16xi32, #tpu.memory_space<hbm>>
      tpu.enqueue_dma source(%dma_start3A_51 : memref<16xi32, #tpu.memory_space<hbm>>) target(%arg10 : memref<16xi32, #tpu.memory_space<vmem>>) target_semaphore(%run_scoped3A : memref<!tpu.dma_semaphore, #tpu.memory_space<semaphore_mem>>)
      %dma_wait3A = arith.constant 0 : i32
      %dma_wait3A_52 = tpu.memref_slice %arg4[%add3A, %dma_wait3A] : memref<32x16xi32, #tpu.memory_space<hbm>> -> memref<1x16xi32, #tpu.memory_space<hbm>>
      %dma_wait3A_53 = tpu.memref_squeeze %dma_wait3A_52 : memref<1x16xi32, #tpu.memory_space<hbm>> -> memref<16xi32, #tpu.memory_space<hbm>>
      %dma_wait3A_54 = arith.constant 0 : i32
      %dma_wait3A_55 = tpu.memref_slice %arg4[%add3A, %dma_wait3A_54] : memref<32x16xi32, #tpu.memory_space<hbm>> -> memref<1x16xi32, #tpu.memory_space<hbm>>
      %dma_wait3A_56 = tpu.memref_squeeze %dma_wait3A_55 : memref<1x16xi32, #tpu.memory_space<hbm>> -> memref<16xi32, #tpu.memory_space<hbm>>
      tpu.wait_dma2 semaphore(%run_scoped3A : memref<!tpu.dma_semaphore, #tpu.memory_space<semaphore_mem>>) src(%dma_wait3A_56 : memref<16xi32, #tpu.memory_space<hbm>>) dst(%arg10 : memref<16xi32, #tpu.memory_space<vmem>>)
      tpu.yield
    }) : () -> ()
    %get3A = arith.constant 0 : index
    %get3A_20 = tpu.vector_load %arg10[%get3A] {strides = array<i32>} : memref<16xi32, #tpu.memory_space<vmem>>, vector<16xi32>,
    %slice3A = vector.extract_strided_slice %get3A_20 {offsets = [0], sizes = [1], strides = [1]} : vector<16xi32> to vector<1xi32>
    %squeeze3A = vector.extract %slice3A[0] : i32 from vector<1xi32>
    %mul3A_21 = arith.constant 20 : i32
    %mul3A_22 = arith.muli %squeeze3A, %mul3A_21 : i32
    %mul3A_23 = arith.constant 320000 : i32
    %mul3A_24 = arith.muli %add3A, %mul3A_23 : i32
    %while3A = arith.constant 0 : i32
    %while3A_25 = arith.constant 0 : i32
    %while3A_26 = arith.subi %mul3A_22, %while3A : i32
    %while3A_27 = arith.addi %while3A, %while3A_26 : i32
    %while3A_28 = arith.constant 1 : i32
    %while3A_29 = arith.divsi %while3A_26, %while3A_28 : i32
    %while3A_30 = arith.muli %while3A_29, %while3A_28 : i32
    %while3A_31 = arith.addi %while3A, %while3A_30 : i32
    %while3A_32 = arith.constant 1 : i32
    %while3A_33 = scf.for %while3A_47 = %while3A to %while3A_31 step %while3A_32 iter_args(%while3A_48 = %while3A_25) -> (i32)  : i32 {
      %mul3A_49 = arith.constant 80 : i32
      %mul3A_50 = arith.muli %while3A_47, %mul3A_49 : i32
      %add3A_51 = arith.addi %mul3A_24, %mul3A_50 : i32
      "tpu.region"() ({
        %run_scoped3A = tpu.sem_alloc : memref<!tpu.dma_semaphore, #tpu.memory_space<semaphore_mem>>
        %dma_start3A_64 = tpu.memref_slice %arg3[%add3A_51] : memref<10240000xi32, #tpu.memory_space<hbm>> -> memref<80xi32, #tpu.memory_space<hbm>>
        %dma_start3A_65 = tpu.memref_slice %arg3[%add3A_51] : memref<10240000xi32, #tpu.memory_space<hbm>> -> memref<80xi32, #tpu.memory_space<hbm>>
        tpu.enqueue_dma source(%dma_start3A_65 : memref<80xi32, #tpu.memory_space<hbm>>) target(%arg6 : memref<80xi32, #tpu.memory_space<vmem>>) target_semaphore(%run_scoped3A : memref<!tpu.dma_semaphore, #tpu.memory_space<semaphore_mem>>)
        %dma_wait3A_66 = tpu.memref_slice %arg3[%add3A_51] : memref<10240000xi32, #tpu.memory_space<hbm>> -> memref<80xi32, #tpu.memory_space<hbm>>
        %dma_wait3A_67 = tpu.memref_slice %arg3[%add3A_51] : memref<10240000xi32, #tpu.memory_space<hbm>> -> memref<80xi32, #tpu.memory_space<hbm>>
        tpu.wait_dma2 semaphore(%run_scoped3A : memref<!tpu.dma_semaphore, #tpu.memory_space<semaphore_mem>>) src(%dma_wait3A_67 : memref<80xi32, #tpu.memory_space<hbm>>) dst(%arg6 : memref<80xi32, #tpu.memory_space<vmem>>)
        tpu.yield
      }) : () -> ()
      %scan3A_52 = arith.constant 0 : i32
      %scan3A_53 = arith.constant 0 : i32
      %scan3A_54 = arith.constant 5 : i32
      %scan3A_55 = arith.addi %scan3A_53, %scan3A_54 : i32
      %scan3A_56 = arith.constant 1 : i32
      %scan3A_57 = scf.for %scan3A_64 = %scan3A_53 to %scan3A_55 step %scan3A_56 iter_args(%scan3A_65 = %scan3A_52) -> (i32)  : i32 {
        %mul3A_66 = arith.constant 16 : i32
        %mul3A_67 = arith.muli %scan3A_64, %mul3A_66 : i32
        %get3A_68 = arith.index_cast %mul3A_67 : i32 to index
        %get3A_69 = tpu.vector_load %arg6[%get3A_68] {strides = array<i32>} : memref<80xi32, #tpu.memory_space<vmem>>, vector<16xi32>,
        %shift_right_logical3A = arith.constant 14 : i32
        %shift_right_logical3A_70 = vector.broadcast %shift_right_logical3A : i32 to vector<16xi32>
        %shift_right_logical3A_71 = arith.shrui %get3A_69, %shift_right_logical3A_70 : vector<16xi32>
        %mul3A_72 = arith.constant 16 : i32
        %mul3A_73 = arith.muli %scan3A_64, %mul3A_72 : i32
        %swap3A = arith.index_cast %mul3A_73 : i32 to index
        %swap3A_74 = tpu.vector_load %arg7[%swap3A] {strides = array<i32>} : memref<80xi32, #tpu.memory_space<vmem>>, vector<16xi32>,
        tpu.vector_store %arg7[%swap3A], %shift_right_logical3A_71 {strides = array<i32>} : memref<80xi32, #tpu.memory_space<vmem>>, vector<16xi32>,
        %and3A = arith.constant 16383 : i32
        %and3A_75 = vector.broadcast %and3A : i32 to vector<16xi32>
        %and3A_76 = arith.andi %get3A_69, %and3A_75 : vector<16xi32>
        %mul3A_77 = arith.constant 16 : i32
        %mul3A_78 = arith.muli %scan3A_64, %mul3A_77 : i32
        %swap3A_79 = arith.index_cast %mul3A_78 : i32 to index
        %swap3A_80 = tpu.vector_load %arg8[%swap3A_79] {strides = array<i32>} : memref<80xi32, #tpu.memory_space<vmem>>, vector<16xi32>,
        tpu.vector_store %arg8[%swap3A_79], %and3A_76 {strides = array<i32>} : memref<80xi32, #tpu.memory_space<vmem>>, vector<16xi32>,
        %scan3A_81 = arith.constant 0 : i32
        scf.yield %scan3A_81 : i32
      }
      %scan3A_58 = arith.constant 5 : i32
      %dma_start3A = arith.constant 0 : i32
      %dma_start3A_59 = arith.constant 0 : i32
      %dma_start3A_60 = tpu.memref_slice %arg2[%dma_start3A, %dma_start3A_59] : memref<10000x128xf32, #tpu.memory_space<hbm>> -> memref<10000x128xf32, #tpu.memory_space<hbm>>
      tpu.enqueue_indirect_dma source(%dma_start3A_60 : memref<10000x128xf32, #tpu.memory_space<hbm>>) target(%arg9 : memref<80x128xf32, #tpu.memory_space<vmem>>) offsets(%arg7 : memref<80xi32, #tpu.memory_space<vmem>>) semaphore(%arg12 : memref<!tpu.dma_semaphore, #tpu.memory_space<semaphore_mem>>)
      %dma_wait3A = arith.constant 0 : i32
      %dma_wait3A_61 = arith.constant 0 : i32
      %dma_wait3A_62 = tpu.memref_slice %arg2[%dma_wait3A, %dma_wait3A_61] : memref<10000x128xf32, #tpu.memory_space<hbm>> -> memref<10000x128xf32, #tpu.memory_space<hbm>>
      tpu.wait_indirect_dma semaphore(%arg12 : memref<!tpu.dma_semaphore, #tpu.memory_space<semaphore_mem>>) src(%dma_wait3A_62 : memref<10000x128xf32, #tpu.memory_space<hbm>>) dst(%arg9 : memref<80x128xf32, #tpu.memory_space<vmem>>)
      "tpu.region"() ({
        %run_scoped3A = tpu.sem_alloc : memref<!tpu.dma_semaphore, #tpu.memory_space<semaphore_mem>>
        %dma_start3A_64 = arith.constant 0 : i32
        %dma_start3A_65 = arith.constant 0 : i32
        %dma_start3A_66 = tpu.memref_slice %arg11[%dma_start3A_64, %dma_start3A_65] : memref<10016x128xf32, #tpu.memory_space<vmem_shared>> -> memref<10016x128xf32, #tpu.memory_space<vmem_shared>>
        tpu.enqueue_indirect_dma source(%arg9 : memref<80x128xf32, #tpu.memory_space<vmem>>) target(%dma_start3A_66 : memref<10016x128xf32, #tpu.memory_space<vmem_shared>>) offsets(%arg8 : memref<80xi32, #tpu.memory_space<vmem>>) semaphore(%run_scoped3A : memref<!tpu.dma_semaphore, #tpu.memory_space<semaphore_mem>>) {add = true}
        %dma_wait3A_67 = arith.constant 0 : i32
        %dma_wait3A_68 = arith.constant 0 : i32
        %dma_wait3A_69 = tpu.memref_slice %arg11[%dma_wait3A_67, %dma_wait3A_68] : memref<10016x128xf32, #tpu.memory_space<vmem_shared>> -> memref<10016x128xf32, #tpu.memory_space<vmem_shared>>
        tpu.wait_indirect_dma semaphore(%run_scoped3A : memref<!tpu.dma_semaphore, #tpu.memory_space<semaphore_mem>>) src(%arg9 : memref<80x128xf32, #tpu.memory_space<vmem>>) dst(%dma_wait3A_69 : memref<10016x128xf32, #tpu.memory_space<vmem_shared>>)
        tpu.yield
      }) : () -> ()
      %while3A_63 = arith.constant 0 : i32
      scf.yield %while3A_63 : i32
    }
    %while3A_34 = arith.constant 1 : i32
    %while3A_35 = scf.for %while3A_47 = %while3A_31 to %while3A_27 step %while3A_34 iter_args(%while3A_48 = %while3A_33) -> (i32)  : i32 {
      %mul3A_49 = arith.constant 80 : i32
      %mul3A_50 = arith.muli %while3A_47, %mul3A_49 : i32
      %add3A_51 = arith.addi %mul3A_24, %mul3A_50 : i32
      "tpu.region"() ({
        %run_scoped3A = tpu.sem_alloc : memref<!tpu.dma_semaphore, #tpu.memory_space<semaphore_mem>>
        %dma_start3A_64 = tpu.memref_slice %arg3[%add3A_51] : memref<10240000xi32, #tpu.memory_space<hbm>> -> memref<80xi32, #tpu.memory_space<hbm>>
        %dma_start3A_65 = tpu.memref_slice %arg3[%add3A_51] : memref<10240000xi32, #tpu.memory_space<hbm>> -> memref<80xi32, #tpu.memory_space<hbm>>
        tpu.enqueue_dma source(%dma_start3A_65 : memref<80xi32, #tpu.memory_space<hbm>>) target(%arg6 : memref<80xi32, #tpu.memory_space<vmem>>) target_semaphore(%run_scoped3A : memref<!tpu.dma_semaphore, #tpu.memory_space<semaphore_mem>>)
        %dma_wait3A_66 = tpu.memref_slice %arg3[%add3A_51] : memref<10240000xi32, #tpu.memory_space<hbm>> -> memref<80xi32, #tpu.memory_space<hbm>>
        %dma_wait3A_67 = tpu.memref_slice %arg3[%add3A_51] : memref<10240000xi32, #tpu.memory_space<hbm>> -> memref<80xi32, #tpu.memory_space<hbm>>
        tpu.wait_dma2 semaphore(%run_scoped3A : memref<!tpu.dma_semaphore, #tpu.memory_space<semaphore_mem>>) src(%dma_wait3A_67 : memref<80xi32, #tpu.memory_space<hbm>>) dst(%arg6 : memref<80xi32, #tpu.memory_space<vmem>>)
        tpu.yield
      }) : () -> ()
      %scan3A_52 = arith.constant 0 : i32
      %scan3A_53 = arith.constant 0 : i32
      %scan3A_54 = arith.constant 5 : i32
      %scan3A_55 = arith.addi %scan3A_53, %scan3A_54 : i32
      %scan3A_56 = arith.constant 1 : i32
      %scan3A_57 = scf.for %scan3A_64 = %scan3A_53 to %scan3A_55 step %scan3A_56 iter_args(%scan3A_65 = %scan3A_52) -> (i32)  : i32 {
        %mul3A_66 = arith.constant 16 : i32
        %mul3A_67 = arith.muli %scan3A_64, %mul3A_66 : i32
        %get3A_68 = arith.index_cast %mul3A_67 : i32 to index
        %get3A_69 = tpu.vector_load %arg6[%get3A_68] {strides = array<i32>} : memref<80xi32, #tpu.memory_space<vmem>>, vector<16xi32>,
        %shift_right_logical3A = arith.constant 14 : i32
        %shift_right_logical3A_70 = vector.broadcast %shift_right_logical3A : i32 to vector<16xi32>
        %shift_right_logical3A_71 = arith.shrui %get3A_69, %shift_right_logical3A_70 : vector<16xi32>
        %mul3A_72 = arith.constant 16 : i32
        %mul3A_73 = arith.muli %scan3A_64, %mul3A_72 : i32
        %swap3A = arith.index_cast %mul3A_73 : i32 to index
        %swap3A_74 = tpu.vector_load %arg7[%swap3A] {strides = array<i32>} : memref<80xi32, #tpu.memory_space<vmem>>, vector<16xi32>,
        tpu.vector_store %arg7[%swap3A], %shift_right_logical3A_71 {strides = array<i32>} : memref<80xi32, #tpu.memory_space<vmem>>, vector<16xi32>,
        %and3A = arith.constant 16383 : i32
        %and3A_75 = vector.broadcast %and3A : i32 to vector<16xi32>
        %and3A_76 = arith.andi %get3A_69, %and3A_75 : vector<16xi32>
        %mul3A_77 = arith.constant 16 : i32
        %mul3A_78 = arith.muli %scan3A_64, %mul3A_77 : i32
        %swap3A_79 = arith.index_cast %mul3A_78 : i32 to index
        %swap3A_80 = tpu.vector_load %arg8[%swap3A_79] {strides = array<i32>} : memref<80xi32, #tpu.memory_space<vmem>>, vector<16xi32>,
        tpu.vector_store %arg8[%swap3A_79], %and3A_76 {strides = array<i32>} : memref<80xi32, #tpu.memory_space<vmem>>, vector<16xi32>,
        %scan3A_81 = arith.constant 0 : i32
        scf.yield %scan3A_81 : i32
      }
      %scan3A_58 = arith.constant 5 : i32
      %dma_start3A = arith.constant 0 : i32
      %dma_start3A_59 = arith.constant 0 : i32
      %dma_start3A_60 = tpu.memref_slice %arg2[%dma_start3A, %dma_start3A_59] : memref<10000x128xf32, #tpu.memory_space<hbm>> -> memref<10000x128xf32, #tpu.memory_space<hbm>>
      tpu.enqueue_indirect_dma source(%dma_start3A_60 : memref<10000x128xf32, #tpu.memory_space<hbm>>) target(%arg9 : memref<80x128xf32, #tpu.memory_space<vmem>>) offsets(%arg7 : memref<80xi32, #tpu.memory_space<vmem>>) semaphore(%arg12 : memref<!tpu.dma_semaphore, #tpu.memory_space<semaphore_mem>>)
      %dma_wait3A = arith.constant 0 : i32
      %dma_wait3A_61 = arith.constant 0 : i32
      %dma_wait3A_62 = tpu.memref_slice %arg2[%dma_wait3A, %dma_wait3A_61] : memref<10000x128xf32, #tpu.memory_space<hbm>> -> memref<10000x128xf32, #tpu.memory_space<hbm>>
      tpu.wait_indirect_dma semaphore(%arg12 : memref<!tpu.dma_semaphore, #tpu.memory_space<semaphore_mem>>) src(%dma_wait3A_62 : memref<10000x128xf32, #tpu.memory_space<hbm>>) dst(%arg9 : memref<80x128xf32, #tpu.memory_space<vmem>>)
      "tpu.region"() ({
        %run_scoped3A = tpu.sem_alloc : memref<!tpu.dma_semaphore, #tpu.memory_space<semaphore_mem>>
        %dma_start3A_64 = arith.constant 0 : i32
        %dma_start3A_65 = arith.constant 0 : i32
        %dma_start3A_66 = tpu.memref_slice %arg11[%dma_start3A_64, %dma_start3A_65] : memref<10016x128xf32, #tpu.memory_space<vmem_shared>> -> memref<10016x128xf32, #tpu.memory_space<vmem_shared>>
        tpu.enqueue_indirect_dma source(%arg9 : memref<80x128xf32, #tpu.memory_space<vmem>>) target(%dma_start3A_66 : memref<10016x128xf32, #tpu.memory_space<vmem_shared>>) offsets(%arg8 : memref<80xi32, #tpu.memory_space<vmem>>) semaphore(%run_scoped3A : memref<!tpu.dma_semaphore, #tpu.memory_space<semaphore_mem>>) {add = true}
        %dma_wait3A_67 = arith.constant 0 : i32
        %dma_wait3A_68 = arith.constant 0 : i32
        %dma_wait3A_69 = tpu.memref_slice %arg11[%dma_wait3A_67, %dma_wait3A_68] : memref<10016x128xf32, #tpu.memory_space<vmem_shared>> -> memref<10016x128xf32, #tpu.memory_space<vmem_shared>>
        tpu.wait_indirect_dma semaphore(%run_scoped3A : memref<!tpu.dma_semaphore, #tpu.memory_space<semaphore_mem>>) src(%arg9 : memref<80x128xf32, #tpu.memory_space<vmem>>) dst(%dma_wait3A_69 : memref<10016x128xf32, #tpu.memory_space<vmem_shared>>)
        tpu.yield
      }) : () -> ()
      %while3A_63 = arith.constant 0 : i32
      scf.yield %while3A_63 : i32
    }
    %barrier3A_36 = arith.constant 0 : index
    tpu.barrier barrier_id(%barrier3A_36)
    %lt3A_37 = arith.constant 31 : i32
    %lt3A_38 = arith.cmpi slt, %add3A, %lt3A_37 : i32
    %convert_element_type3A_39 = arith.extui %lt3A_38 : i1 to i32
    %cond3A_40 = arith.constant 0 : i32
    %cond3A_41 = arith.cmpi ne, %convert_element_type3A_39, %cond3A_40 : i32
    scf.if %cond3A_41 {
      "tpu.region"() ({
        %run_scoped3A = tpu.sem_alloc : memref<!tpu.dma_semaphore, #tpu.memory_space<semaphore_mem>>
        %dma_start3A = arith.constant 0 : i32
        %dma_start3A_47 = tpu.memref_slice %arg5[%mul3A_8, %dma_start3A] : memref<10000x128xf32, #tpu.memory_space<hbm>> -> memref<320x128xf32, #tpu.memory_space<hbm>>
        %dma_start3A_48 = arith.constant 0 : i32
        %dma_start3A_49 = tpu.memref_slice %arg11[%mul3A_8, %dma_start3A_48] : memref<10016x128xf32, #tpu.memory_space<vmem_shared>> -> memref<320x128xf32, #tpu.memory_space<vmem_shared>>
        tpu.enqueue_dma source(%dma_start3A_49 : memref<320x128xf32, #tpu.memory_space<vmem_shared>>) target(%dma_start3A_47 : memref<320x128xf32, #tpu.memory_space<hbm>>) target_semaphore(%run_scoped3A : memref<!tpu.dma_semaphore, #tpu.memory_space<semaphore_mem>>)
        %dma_wait3A = arith.constant 0 : i32
        %dma_wait3A_50 = tpu.memref_slice %arg5[%mul3A_8, %dma_wait3A] : memref<10000x128xf32, #tpu.memory_space<hbm>> -> memref<320x128xf32, #tpu.memory_space<hbm>>
        %dma_wait3A_51 = arith.constant 0 : i32
        %dma_wait3A_52 = tpu.memref_slice %arg11[%mul3A_8, %dma_wait3A_51] : memref<10016x128xf32, #tpu.memory_space<vmem_shared>> -> memref<320x128xf32, #tpu.memory_space<vmem_shared>>
        tpu.wait_dma2 semaphore(%run_scoped3A : memref<!tpu.dma_semaphore, #tpu.memory_space<semaphore_mem>>) src(%dma_wait3A_52 : memref<320x128xf32, #tpu.memory_space<vmem_shared>>) dst(%dma_wait3A_50 : memref<320x128xf32, #tpu.memory_space<hbm>>)
        tpu.yield
      }) : () -> ()
    } else {
    }
    %eq3A_42 = arith.constant 31 : i32
    %eq3A_43 = arith.cmpi eq, %add3A, %eq3A_42 : i32
    %convert_element_type3A_44 = arith.extui %eq3A_43 : i1 to i32
    %cond3A_45 = arith.constant 0 : i32
    %cond3A_46 = arith.cmpi ne, %convert_element_type3A_44, %cond3A_45 : i32
    scf.if %cond3A_46 {
      "tpu.region"() ({
        %run_scoped3A = tpu.sem_alloc : memref<!tpu.dma_semaphore, #tpu.memory_space<semaphore_mem>>
        %dma_start3A = arith.constant 0 : i32
        %dma_start3A_47 = tpu.memref_slice %arg5[%mul3A_8, %dma_start3A] : memref<10000x128xf32, #tpu.memory_space<hbm>> -> memref<80x128xf32, #tpu.memory_space<hbm>>
        %dma_start3A_48 = arith.constant 0 : i32
        %dma_start3A_49 = tpu.memref_slice %arg11[%mul3A_8, %dma_start3A_48] : memref<10016x128xf32, #tpu.memory_space<vmem_shared>> -> memref<80x128xf32, #tpu.memory_space<vmem_shared>>
        tpu.enqueue_dma source(%dma_start3A_49 : memref<80x128xf32, #tpu.memory_space<vmem_shared>>) target(%dma_start3A_47 : memref<80x128xf32, #tpu.memory_space<hbm>>) target_semaphore(%run_scoped3A : memref<!tpu.dma_semaphore, #tpu.memory_space<semaphore_mem>>)
        %dma_wait3A = arith.constant 0 : i32
        %dma_wait3A_50 = tpu.memref_slice %arg5[%mul3A_8, %dma_wait3A] : memref<10000x128xf32, #tpu.memory_space<hbm>> -> memref<80x128xf32, #tpu.memory_space<hbm>>
        %dma_wait3A_51 = arith.constant 0 : i32
        %dma_wait3A_52 = tpu.memref_slice %arg11[%mul3A_8, %dma_wait3A_51] : memref<10016x128xf32, #tpu.memory_space<vmem_shared>> -> memref<80x128xf32, #tpu.memory_space<vmem_shared>>
        tpu.wait_dma2 semaphore(%run_scoped3A : memref<!tpu.dma_semaphore, #tpu.memory_space<semaphore_mem>>) src(%dma_wait3A_52 : memref<80x128xf32, #tpu.memory_space<vmem_shared>>) dst(%dma_wait3A_50 : memref<80x128xf32, #tpu.memory_space<hbm>>)
        tpu.yield
      }) : () -> ()
    } else {
    }
    return
  }
}

#map = affine_map<(d0, d1) -> (0)>
#map1 = affine_map<(d0, d1) -> (0, 0)>
module attributes {stable_mosaic.version = 14 : i64} {
  func.func @_sc_prepass(%arg0: i32, %arg1: i32, %arg2: memref<323584xi32, #tpu.memory_space<hbm>>, %arg3: memref<323584xi32, #tpu.memory_space<hbm>>, %arg4: memref<10240000xi32, #tpu.memory_space<hbm>>, %arg5: memref<32x16xi32, #tpu.memory_space<hbm>>, %arg6: memref<2x4096xi32, #tpu.memory_space<vmem>>, %arg7: memref<2x4096xi32, #tpu.memory_space<vmem>>, %arg8: memref<5760xi32, #tpu.memory_space<vmem>>, %arg9: memref<16xi32, #tpu.memory_space<vmem>>, %arg10: memref<!tpu.dma_semaphore, #tpu.memory_space<semaphore_mem>>, %arg11: memref<!tpu.dma_semaphore, #tpu.memory_space<semaphore_mem>>) attributes {dimension_semantics = [#tpu.dimension_semantics<core_parallel>, #tpu.dimension_semantics<subcore_parallel>], iteration_bounds = array<i64: 2, 16>, scalar_prefetch = 0 : i64, scratch_operands = 6 : i64, tpu.core_type = #tpu.core_type<sc_vector_subcore>, window_params = [{transform_indices = #map}, {transform_indices = #map}, {transform_indices = #map}, {transform_indices = #map1}]} {
    %mul3A = arith.constant 16 : i32
    %mul3A_0 = arith.muli %arg0, %mul3A : i32
    %add3A = arith.addi %mul3A_0, %arg1 : i32
    %mul3A_1 = arith.constant 320000 : i32
    %mul3A_2 = arith.muli %add3A, %mul3A_1 : i32
    %dma_start3A = arith.constant 0 : i32
    %dma_start3A_3 = arith.constant 0 : i32
    %dma_start3A_4 = tpu.memref_slice %arg6[%dma_start3A, %dma_start3A_3] : memref<2x4096xi32, #tpu.memory_space<vmem>> -> memref<1x4096xi32, #tpu.memory_space<vmem>>
    %dma_start3A_5 = tpu.memref_squeeze %dma_start3A_4 : memref<1x4096xi32, #tpu.memory_space<vmem>> -> memref<4096xi32, #tpu.memory_space<vmem>>
    %dma_start3A_6 = arith.constant 0 : i32
    %dma_start3A_7 = tpu.memref_slice %arg2[%dma_start3A_6] : memref<323584xi32, #tpu.memory_space<hbm>> -> memref<4096xi32, #tpu.memory_space<hbm>>
    %dma_start3A_8 = arith.constant 0 : i32
    %dma_start3A_9 = tpu.memref_slice %arg6[%dma_start3A, %dma_start3A_8] : memref<2x4096xi32, #tpu.memory_space<vmem>> -> memref<1x4096xi32, #tpu.memory_space<vmem>>
    %dma_start3A_10 = tpu.memref_squeeze %dma_start3A_9 : memref<1x4096xi32, #tpu.memory_space<vmem>> -> memref<4096xi32, #tpu.memory_space<vmem>>
    %dma_start3A_11 = arith.constant 0 : i32
    %dma_start3A_12 = tpu.memref_slice %arg2[%dma_start3A_11] : memref<323584xi32, #tpu.memory_space<hbm>> -> memref<4096xi32, #tpu.memory_space<hbm>>
    tpu.enqueue_dma source(%dma_start3A_12 : memref<4096xi32, #tpu.memory_space<hbm>>) target(%dma_start3A_10 : memref<4096xi32, #tpu.memory_space<vmem>>) target_semaphore(%arg10 : memref<!tpu.dma_semaphore, #tpu.memory_space<semaphore_mem>>)
    %dma_start3A_13 = arith.constant 0 : i32
    %dma_start3A_14 = arith.constant 0 : i32
    %dma_start3A_15 = tpu.memref_slice %arg7[%dma_start3A_13, %dma_start3A_14] : memref<2x4096xi32, #tpu.memory_space<vmem>> -> memref<1x4096xi32, #tpu.memory_space<vmem>>
    %dma_start3A_16 = tpu.memref_squeeze %dma_start3A_15 : memref<1x4096xi32, #tpu.memory_space<vmem>> -> memref<4096xi32, #tpu.memory_space<vmem>>
    %dma_start3A_17 = arith.constant 0 : i32
    %dma_start3A_18 = tpu.memref_slice %arg3[%dma_start3A_17] : memref<323584xi32, #tpu.memory_space<hbm>> -> memref<4096xi32, #tpu.memory_space<hbm>>
    %dma_start3A_19 = arith.constant 0 : i32
    %dma_start3A_20 = tpu.memref_slice %arg7[%dma_start3A_13, %dma_start3A_19] : memref<2x4096xi32, #tpu.memory_space<vmem>> -> memref<1x4096xi32, #tpu.memory_space<vmem>>
    %dma_start3A_21 = tpu.memref_squeeze %dma_start3A_20 : memref<1x4096xi32, #tpu.memory_space<vmem>> -> memref<4096xi32, #tpu.memory_space<vmem>>
    %dma_start3A_22 = arith.constant 0 : i32
    %dma_start3A_23 = tpu.memref_slice %arg3[%dma_start3A_22] : memref<323584xi32, #tpu.memory_space<hbm>> -> memref<4096xi32, #tpu.memory_space<hbm>>
    tpu.enqueue_dma source(%dma_start3A_23 : memref<4096xi32, #tpu.memory_space<hbm>>) target(%dma_start3A_21 : memref<4096xi32, #tpu.memory_space<vmem>>) target_semaphore(%arg11 : memref<!tpu.dma_semaphore, #tpu.memory_space<semaphore_mem>>)
    %scan3A = arith.constant 0 : i32
    %scan3A_24 = arith.constant 0 : i32
    %scan3A_25 = arith.constant 0 : i32
    %scan3A_26 = arith.constant 79 : i32
    %scan3A_27 = arith.addi %scan3A_25, %scan3A_26 : i32
    %scan3A_28 = arith.constant 1 : i32
    %scan3A_29:2 = scf.for %scan3A_38 = %scan3A_25 to %scan3A_27 step %scan3A_28 iter_args(%scan3A_39 = %scan3A, %scan3A_40 = %scan3A_24) -> (i32, i32)  : i32 {
      %rem3A = arith.constant 2 : i32
      %rem3A_41 = arith.remsi %scan3A_38, %rem3A : i32
      %add3A_42 = arith.constant 1 : i32
      %add3A_43 = arith.addi %scan3A_38, %add3A_42 : i32
      %lt3A = arith.constant 79 : i32
      %lt3A_44 = arith.cmpi slt, %add3A_43, %lt3A : i32
      %convert_element_type3A_45 = arith.extui %lt3A_44 : i1 to i32
      %cond3A_46 = arith.constant 0 : i32
      %cond3A_47 = arith.cmpi ne, %convert_element_type3A_45, %cond3A_46 : i32
      scf.if %cond3A_47 {
        %add3A_73 = arith.constant 1 : i32
        %add3A_74 = arith.addi %scan3A_38, %add3A_73 : i32
        %add3A_75 = arith.constant 1 : i32
        %add3A_76 = arith.addi %scan3A_38, %add3A_75 : i32
        %rem3A_77 = arith.constant 2 : i32
        %rem3A_78 = arith.remsi %add3A_76, %rem3A_77 : i32
        %mul3A_79 = arith.constant 4096 : i32
        %mul3A_80 = arith.muli %add3A_74, %mul3A_79 : i32
        %dma_start3A_81 = arith.constant 0 : i32
        %dma_start3A_82 = tpu.memref_slice %arg6[%rem3A_78, %dma_start3A_81] : memref<2x4096xi32, #tpu.memory_space<vmem>> -> memref<1x4096xi32, #tpu.memory_space<vmem>>
        %dma_start3A_83 = tpu.memref_squeeze %dma_start3A_82 : memref<1x4096xi32, #tpu.memory_space<vmem>> -> memref<4096xi32, #tpu.memory_space<vmem>>
        %dma_start3A_84 = tpu.memref_slice %arg2[%mul3A_80] : memref<323584xi32, #tpu.memory_space<hbm>> -> memref<4096xi32, #tpu.memory_space<hbm>>
        %dma_start3A_85 = arith.constant 0 : i32
        %dma_start3A_86 = tpu.memref_slice %arg6[%rem3A_78, %dma_start3A_85] : memref<2x4096xi32, #tpu.memory_space<vmem>> -> memref<1x4096xi32, #tpu.memory_space<vmem>>
        %dma_start3A_87 = tpu.memref_squeeze %dma_start3A_86 : memref<1x4096xi32, #tpu.memory_space<vmem>> -> memref<4096xi32, #tpu.memory_space<vmem>>
        %dma_start3A_88 = tpu.memref_slice %arg2[%mul3A_80] : memref<323584xi32, #tpu.memory_space<hbm>> -> memref<4096xi32, #tpu.memory_space<hbm>>
        tpu.enqueue_dma source(%dma_start3A_88 : memref<4096xi32, #tpu.memory_space<hbm>>) target(%dma_start3A_87 : memref<4096xi32, #tpu.memory_space<vmem>>) target_semaphore(%arg10 : memref<!tpu.dma_semaphore, #tpu.memory_space<semaphore_mem>>)
        %mul3A_89 = arith.constant 4096 : i32
        %mul3A_90 = arith.muli %add3A_74, %mul3A_89 : i32
        %dma_start3A_91 = arith.constant 0 : i32
        %dma_start3A_92 = tpu.memref_slice %arg7[%rem3A_78, %dma_start3A_91] : memref<2x4096xi32, #tpu.memory_space<vmem>> -> memref<1x4096xi32, #tpu.memory_space<vmem>>
        %dma_start3A_93 = tpu.memref_squeeze %dma_start3A_92 : memref<1x4096xi32, #tpu.memory_space<vmem>> -> memref<4096xi32, #tpu.memory_space<vmem>>
        %dma_start3A_94 = tpu.memref_slice %arg3[%mul3A_90] : memref<323584xi32, #tpu.memory_space<hbm>> -> memref<4096xi32, #tpu.memory_space<hbm>>
        %dma_start3A_95 = arith.constant 0 : i32
        %dma_start3A_96 = tpu.memref_slice %arg7[%rem3A_78, %dma_start3A_95] : memref<2x4096xi32, #tpu.memory_space<vmem>> -> memref<1x4096xi32, #tpu.memory_space<vmem>>
        %dma_start3A_97 = tpu.memref_squeeze %dma_start3A_96 : memref<1x4096xi32, #tpu.memory_space<vmem>> -> memref<4096xi32, #tpu.memory_space<vmem>>
        %dma_start3A_98 = tpu.memref_slice %arg3[%mul3A_90] : memref<323584xi32, #tpu.memory_space<hbm>> -> memref<4096xi32, #tpu.memory_space<hbm>>
        tpu.enqueue_dma source(%dma_start3A_98 : memref<4096xi32, #tpu.memory_space<hbm>>) target(%dma_start3A_97 : memref<4096xi32, #tpu.memory_space<vmem>>) target_semaphore(%arg11 : memref<!tpu.dma_semaphore, #tpu.memory_space<semaphore_mem>>)
      } else {
      }
      %dma_wait3A = arith.constant 0 : i32
      %dma_wait3A_48 = tpu.memref_slice %arg6[%rem3A_41, %dma_wait3A] : memref<2x4096xi32, #tpu.memory_space<vmem>> -> memref<1x4096xi32, #tpu.memory_space<vmem>>
      %dma_wait3A_49 = tpu.memref_squeeze %dma_wait3A_48 : memref<1x4096xi32, #tpu.memory_space<vmem>> -> memref<4096xi32, #tpu.memory_space<vmem>>
      %dma_wait3A_50 = arith.constant 0 : i32
      %dma_wait3A_51 = tpu.memref_slice %arg2[%dma_wait3A_50] : memref<323584xi32, #tpu.memory_space<hbm>> -> memref<4096xi32, #tpu.memory_space<hbm>>
      %dma_wait3A_52 = arith.constant 0 : i32
      %dma_wait3A_53 = tpu.memref_slice %arg6[%rem3A_41, %dma_wait3A_52] : memref<2x4096xi32, #tpu.memory_space<vmem>> -> memref<1x4096xi32, #tpu.memory_space<vmem>>
      %dma_wait3A_54 = tpu.memref_squeeze %dma_wait3A_53 : memref<1x4096xi32, #tpu.memory_space<vmem>> -> memref<4096xi32, #tpu.memory_space<vmem>>
      %dma_wait3A_55 = arith.constant 0 : i32
      %dma_wait3A_56 = tpu.memref_slice %arg2[%dma_wait3A_55] : memref<323584xi32, #tpu.memory_space<hbm>> -> memref<4096xi32, #tpu.memory_space<hbm>>
      tpu.wait_dma2 semaphore(%arg10 : memref<!tpu.dma_semaphore, #tpu.memory_space<semaphore_mem>>) src(%dma_wait3A_56 : memref<4096xi32, #tpu.memory_space<hbm>>) dst(%dma_wait3A_54 : memref<4096xi32, #tpu.memory_space<vmem>>)
      %dma_wait3A_57 = arith.constant 0 : i32
      %dma_wait3A_58 = tpu.memref_slice %arg7[%rem3A_41, %dma_wait3A_57] : memref<2x4096xi32, #tpu.memory_space<vmem>> -> memref<1x4096xi32, #tpu.memory_space<vmem>>
      %dma_wait3A_59 = tpu.memref_squeeze %dma_wait3A_58 : memref<1x4096xi32, #tpu.memory_space<vmem>> -> memref<4096xi32, #tpu.memory_space<vmem>>
      %dma_wait3A_60 = arith.constant 0 : i32
      %dma_wait3A_61 = tpu.memref_slice %arg3[%dma_wait3A_60] : memref<323584xi32, #tpu.memory_space<hbm>> -> memref<4096xi32, #tpu.memory_space<hbm>>
      %dma_wait3A_62 = arith.constant 0 : i32
      %dma_wait3A_63 = tpu.memref_slice %arg7[%rem3A_41, %dma_wait3A_62] : memref<2x4096xi32, #tpu.memory_space<vmem>> -> memref<1x4096xi32, #tpu.memory_space<vmem>>
      %dma_wait3A_64 = tpu.memref_squeeze %dma_wait3A_63 : memref<1x4096xi32, #tpu.memory_space<vmem>> -> memref<4096xi32, #tpu.memory_space<vmem>>
      %dma_wait3A_65 = arith.constant 0 : i32
      %dma_wait3A_66 = tpu.memref_slice %arg3[%dma_wait3A_65] : memref<323584xi32, #tpu.memory_space<hbm>> -> memref<4096xi32, #tpu.memory_space<hbm>>
      tpu.wait_dma2 semaphore(%arg11 : memref<!tpu.dma_semaphore, #tpu.memory_space<semaphore_mem>>) src(%dma_wait3A_66 : memref<4096xi32, #tpu.memory_space<hbm>>) dst(%dma_wait3A_64 : memref<4096xi32, #tpu.memory_space<vmem>>)
      %scan3A_67 = arith.constant 0 : i32
      %scan3A_68 = arith.constant 256 : i32
      %scan3A_69 = arith.addi %scan3A_67, %scan3A_68 : i32
      %scan3A_70 = arith.constant 1 : i32
      %scan3A_71 = scf.for %scan3A_73 = %scan3A_67 to %scan3A_69 step %scan3A_70 iter_args(%scan3A_74 = %scan3A_39) -> (i32)  : i32 {
        %mul3A_75 = arith.constant 16 : i32
        %mul3A_76 = arith.muli %scan3A_73, %mul3A_75 : i32
        %get3A = arith.index_cast %rem3A_41 : i32 to index
        %get3A_77 = arith.index_cast %mul3A_76 : i32 to index
        %get3A_78 = tpu.vector_load %arg7[%get3A, %get3A_77] {strides = array<i32>} : memref<2x4096xi32, #tpu.memory_space<vmem>>, vector<16xi32>,
        %mul3A_79 = arith.constant 16 : i32
        %mul3A_80 = arith.muli %scan3A_73, %mul3A_79 : i32
        %get3A_81 = arith.index_cast %rem3A_41 : i32 to index
        %get3A_82 = arith.index_cast %mul3A_80 : i32 to index
        %get3A_83 = tpu.vector_load %arg6[%get3A_81, %get3A_82] {strides = array<i32>} : memref<2x4096xi32, #tpu.memory_space<vmem>>, vector<16xi32>,
        %mul3A_84 = arith.constant 13108 : i32
        %mul3A_85 = vector.broadcast %mul3A_84 : i32 to vector<16xi32>
        %mul3A_86 = arith.muli %get3A_78, %mul3A_85 : vector<16xi32>
        %shift_right_logical3A = arith.constant 22 : i32
        %shift_right_logical3A_87 = vector.broadcast %shift_right_logical3A : i32 to vector<16xi32>
        %shift_right_logical3A_88 = arith.shrui %mul3A_86, %shift_right_logical3A_87 : vector<16xi32>
        %eq3A = vector.broadcast %add3A : i32 to vector<16xi32>
        %eq3A_89 = arith.cmpi eq, %shift_right_logical3A_88, %eq3A : vector<16xi32>
        %shift_left3A = arith.constant 14 : i32
        %shift_left3A_90 = vector.broadcast %shift_left3A : i32 to vector<16xi32>
        %shift_left3A_91 = arith.shli %get3A_83, %shift_left3A_90 : vector<16xi32>
        %or3A = arith.ori %shift_left3A_91, %get3A_78 : vector<16xi32>
        %broadcast_in_dim3A_92 = arith.constant 0 : i32
        %broadcast_in_dim3A_93 = vector.broadcast %broadcast_in_dim3A_92 : i32 to vector<16xi32>
        %broadcast_in_dim3A_94 = arith.constant 1 : i32
        %broadcast_in_dim3A_95 = vector.broadcast %broadcast_in_dim3A_94 : i32 to vector<16xi32>
        %select_n3A_96 = arith.select %eq3A_89, %broadcast_in_dim3A_95, %broadcast_in_dim3A_93 : vector<16xi1>, vector<16xi32>
        %broadcast_in_dim3A_97 = arith.constant true
        %broadcast_in_dim3A_98 = vector.broadcast %broadcast_in_dim3A_97 : i1 to vector<16xi1>
        %masked_cumsum3A = tpu.scan <sum>, %select_n3A_96 masked %broadcast_in_dim3A_98 : vector<16xi32>, vector<16xi1> -> vector<16xi32>
        %sub3A = arith.subi %masked_cumsum3A, %select_n3A_96 : vector<16xi32>
        %add3A_99 = vector.broadcast %scan3A_74 : i32 to vector<16xi32>
        %add3A_100 = arith.addi %sub3A, %add3A_99 : vector<16xi32>
        tpu.vector_store_idx %arg8[%add3A_100], %or3A masked %eq3A_89 : memref<5760xi32, #tpu.memory_space<vmem>>[vector<16xi32>], vector<16xi32>, vector<16xi1>
        %all_reduce_population_count3A = tpu.all_reduce %eq3A_89 {dim = 0 : i64, kind = #tpu.reduction_kind<sum>} : vector<16xi1> -> vector<16xi32>
        %slice3A = vector.extract_strided_slice %all_reduce_population_count3A {offsets = [0], sizes = [1], strides = [1]} : vector<16xi32> to vector<1xi32>
        %squeeze3A = vector.extract %slice3A[0] : i32 from vector<1xi32>
        %add3A_101 = arith.addi %scan3A_74, %squeeze3A : i32
        scf.yield %add3A_101 : i32
      }
      %scan3A_72 = arith.constant 256 : i32
      %while3A:2 = scf.while (%while3A_73 = %scan3A_71, %while3A_74 = %scan3A_40) : (i32, i32) -> (i32, i32) {
        %ge3A = arith.constant 1600 : i32
        %ge3A_75 = arith.cmpi sge, %while3A_73, %ge3A : i32
        scf.condition(%ge3A_75) %while3A_73, %while3A_74 : i32, i32
      } do {
      ^bb0(%while3A_73: i32, %while3A_74: i32):
        %mul3A_75 = arith.constant 1600 : i32
        %mul3A_76 = arith.muli %while3A_74, %mul3A_75 : i32
        %add3A_77 = arith.addi %mul3A_2, %mul3A_76 : i32
        "tpu.region"() ({
          %run_scoped3A = tpu.sem_alloc : memref<!tpu.dma_semaphore, #tpu.memory_space<semaphore_mem>>
          %dma_start3A_98 = arith.constant 0 : i32
          %dma_start3A_99 = tpu.memref_slice %arg8[%dma_start3A_98] : memref<5760xi32, #tpu.memory_space<vmem>> -> memref<1600xi32, #tpu.memory_space<vmem>>
          %dma_start3A_100 = tpu.memref_slice %arg4[%add3A_77] : memref<10240000xi32, #tpu.memory_space<hbm>> -> memref<1600xi32, #tpu.memory_space<hbm>>
          %dma_start3A_101 = tpu.memref_slice %arg4[%add3A_77] : memref<10240000xi32, #tpu.memory_space<hbm>> -> memref<1600xi32, #tpu.memory_space<hbm>>
          %dma_start3A_102 = arith.constant 0 : i32
          %dma_start3A_103 = tpu.memref_slice %arg8[%dma_start3A_102] : memref<5760xi32, #tpu.memory_space<vmem>> -> memref<1600xi32, #tpu.memory_space<vmem>>
          tpu.enqueue_dma source(%dma_start3A_103 : memref<1600xi32, #tpu.memory_space<vmem>>) target(%dma_start3A_101 : memref<1600xi32, #tpu.memory_space<hbm>>) target_semaphore(%run_scoped3A : memref<!tpu.dma_semaphore, #tpu.memory_space<semaphore_mem>>)
          %dma_wait3A_104 = arith.constant 0 : i32
          %dma_wait3A_105 = tpu.memref_slice %arg8[%dma_wait3A_104] : memref<5760xi32, #tpu.memory_space<vmem>> -> memref<1600xi32, #tpu.memory_space<vmem>>
          %dma_wait3A_106 = tpu.memref_slice %arg4[%add3A_77] : memref<10240000xi32, #tpu.memory_space<hbm>> -> memref<1600xi32, #tpu.memory_space<hbm>>
          %dma_wait3A_107 = tpu.memref_slice %arg4[%add3A_77] : memref<10240000xi32, #tpu.memory_space<hbm>> -> memref<1600xi32, #tpu.memory_space<hbm>>
          %dma_wait3A_108 = arith.constant 0 : i32
          %dma_wait3A_109 = tpu.memref_slice %arg8[%dma_wait3A_108] : memref<5760xi32, #tpu.memory_space<vmem>> -> memref<1600xi32, #tpu.memory_space<vmem>>
          tpu.wait_dma2 semaphore(%run_scoped3A : memref<!tpu.dma_semaphore, #tpu.memory_space<semaphore_mem>>) src(%dma_wait3A_109 : memref<1600xi32, #tpu.memory_space<vmem>>) dst(%dma_wait3A_107 : memref<1600xi32, #tpu.memory_space<hbm>>)
          tpu.yield
        }) : () -> ()
        %sub3A = arith.constant 1600 : i32
        %sub3A_78 = arith.subi %while3A_73, %sub3A : i32
        %add3A_79 = arith.constant 15 : i32
        %add3A_80 = arith.addi %sub3A_78, %add3A_79 : i32
        %shift_right_logical3A = arith.constant 4 : i32
        %shift_right_logical3A_81 = arith.shrui %add3A_80, %shift_right_logical3A : i32
        %while3A_82 = arith.constant 0 : i32
        %while3A_83 = arith.constant 0 : i32
        %while3A_84 = arith.subi %shift_right_logical3A_81, %while3A_82 : i32
        %while3A_85 = arith.addi %while3A_82, %while3A_84 : i32
        %while3A_86 = arith.constant 1 : i32
        %while3A_87 = arith.divsi %while3A_84, %while3A_86 : i32
        %while3A_88 = arith.muli %while3A_87, %while3A_86 : i32
        %while3A_89 = arith.addi %while3A_82, %while3A_88 : i32
        %while3A_90 = arith.constant 1 : i32
        %while3A_91 = scf.for %while3A_98 = %while3A_82 to %while3A_89 step %while3A_90 iter_args(%while3A_99 = %while3A_83) -> (i32)  : i32 {
          %mul3A_100 = arith.constant 16 : i32
          %mul3A_101 = arith.muli %while3A_98, %mul3A_100 : i32
          %add3A_102 = arith.constant 1600 : i32
          %add3A_103 = arith.addi %add3A_102, %mul3A_101 : i32
          %get3A = arith.index_cast %add3A_103 : i32 to index
          %get3A_104 = tpu.vector_load %arg8[%get3A] {strides = array<i32>} : memref<5760xi32, #tpu.memory_space<vmem>>, vector<16xi32>,
          %mul3A_105 = arith.constant 16 : i32
          %mul3A_106 = arith.muli %while3A_98, %mul3A_105 : i32
          %swap3A_107 = arith.index_cast %mul3A_106 : i32 to index
          %swap3A_108 = tpu.vector_load %arg8[%swap3A_107] {strides = array<i32>} : memref<5760xi32, #tpu.memory_space<vmem>>, vector<16xi32>,
          tpu.vector_store %arg8[%swap3A_107], %get3A_104 {strides = array<i32>} : memref<5760xi32, #tpu.memory_space<vmem>>, vector<16xi32>,
          %while3A_109 = arith.constant 0 : i32
          scf.yield %while3A_109 : i32
        }
        %while3A_92 = arith.constant 1 : i32
        %while3A_93 = scf.for %while3A_98 = %while3A_89 to %while3A_85 step %while3A_92 iter_args(%while3A_99 = %while3A_91) -> (i32)  : i32 {
          %mul3A_100 = arith.constant 16 : i32
          %mul3A_101 = arith.muli %while3A_98, %mul3A_100 : i32
          %add3A_102 = arith.constant 1600 : i32
          %add3A_103 = arith.addi %add3A_102, %mul3A_101 : i32
          %get3A = arith.index_cast %add3A_103 : i32 to index
          %get3A_104 = tpu.vector_load %arg8[%get3A] {strides = array<i32>} : memref<5760xi32, #tpu.memory_space<vmem>>, vector<16xi32>,
          %mul3A_105 = arith.constant 16 : i32
          %mul3A_106 = arith.muli %while3A_98, %mul3A_105 : i32
          %swap3A_107 = arith.index_cast %mul3A_106 : i32 to index
          %swap3A_108 = tpu.vector_load %arg8[%swap3A_107] {strides = array<i32>} : memref<5760xi32, #tpu.memory_space<vmem>>, vector<16xi32>,
          tpu.vector_store %arg8[%swap3A_107], %get3A_104 {strides = array<i32>} : memref<5760xi32, #tpu.memory_space<vmem>>, vector<16xi32>,
          %while3A_109 = arith.constant 0 : i32
          scf.yield %while3A_109 : i32
        }
        %sub3A_94 = arith.constant 1600 : i32
        %sub3A_95 = arith.subi %while3A_73, %sub3A_94 : i32
        %add3A_96 = arith.constant 1 : i32
        %add3A_97 = arith.addi %while3A_74, %add3A_96 : i32
        scf.yield %sub3A_95, %add3A_97 : i32, i32
      }
      scf.yield %while3A#0, %while3A#1 : i32, i32
    }
    %scan3A_30 = arith.constant 79 : i32
    %gt3A = arith.constant 0 : i32
    %gt3A_31 = arith.cmpi sgt, %scan3A_29#0, %gt3A : i32
    %convert_element_type3A = arith.extui %gt3A_31 : i1 to i32
    %cond3A = arith.constant 0 : i32
    %cond3A_32 = arith.cmpi ne, %convert_element_type3A, %cond3A : i32
    scf.if %cond3A_32 {
      %not3A = arith.constant 15 : i32
      %not3A_38 = arith.constant -1 : i32
      %not3A_39 = arith.xori %not3A, %not3A_38 : i32
      %and3A = arith.andi %scan3A_29#0, %not3A_39 : i32
      %iota3A = tpu.iota {dimensions = array<i32: 0>} : vector<16xi32>
      %sub3A = arith.subi %scan3A_29#0, %and3A : i32
      %ge3A = vector.broadcast %sub3A : i32 to vector<16xi32>
      %ge3A_40 = arith.cmpi sge, %iota3A, %ge3A : vector<16xi32>
      %get3A = arith.index_cast %and3A : i32 to index
      %get3A_41 = tpu.vector_load %arg8[%get3A] {strides = array<i32>} : memref<5760xi32, #tpu.memory_space<vmem>>, vector<16xi32>,
      %jit3A_42 = arith.constant 10000 : i32
      %broadcast_in_dim3A_43 = vector.broadcast %jit3A_42 : i32 to vector<16xi32>
      %select_n3A_44 = arith.select %ge3A_40, %broadcast_in_dim3A_43, %get3A_41 : vector<16xi1>, vector<16xi32>
      %swap3A_45 = arith.index_cast %and3A : i32 to index
      %swap3A_46 = tpu.vector_load %arg8[%swap3A_45] {strides = array<i32>} : memref<5760xi32, #tpu.memory_space<vmem>>, vector<16xi32>,
      tpu.vector_store %arg8[%swap3A_45], %select_n3A_44 {strides = array<i32>} : memref<5760xi32, #tpu.memory_space<vmem>>, vector<16xi32>,
      %sub3A_47 = arith.constant 1600 : i32
      %sub3A_48 = arith.subi %sub3A_47, %and3A : i32
      %sub3A_49 = arith.constant 16 : i32
      %sub3A_50 = arith.subi %sub3A_48, %sub3A_49 : i32
      %shift_right_logical3A = arith.constant 4 : i32
      %shift_right_logical3A_51 = arith.shrui %sub3A_50, %shift_right_logical3A : i32
      %while3A = arith.constant 0 : i32
      %while3A_52 = arith.constant 0 : i32
      %while3A_53 = arith.subi %shift_right_logical3A_51, %while3A : i32
      %while3A_54 = arith.addi %while3A, %while3A_53 : i32
      %while3A_55 = arith.constant 1 : i32
      %while3A_56 = arith.divsi %while3A_53, %while3A_55 : i32
      %while3A_57 = arith.muli %while3A_56, %while3A_55 : i32
      %while3A_58 = arith.addi %while3A, %while3A_57 : i32
      %while3A_59 = arith.constant 1 : i32
      %while3A_60 = scf.for %while3A_66 = %while3A to %while3A_58 step %while3A_59 iter_args(%while3A_67 = %while3A_52) -> (i32)  : i32 {
        %broadcast_in_dim3A_68 = arith.constant 10000 : i32
        %broadcast_in_dim3A_69 = vector.broadcast %broadcast_in_dim3A_68 : i32 to vector<16xi32>
        %add3A_70 = arith.constant 16 : i32
        %add3A_71 = arith.addi %and3A, %add3A_70 : i32
        %mul3A_72 = arith.constant 16 : i32
        %mul3A_73 = arith.muli %while3A_66, %mul3A_72 : i32
        %add3A_74 = arith.addi %add3A_71, %mul3A_73 : i32
        %swap3A_75 = arith.index_cast %add3A_74 : i32 to index
        %swap3A_76 = tpu.vector_load %arg8[%swap3A_75] {strides = array<i32>} : memref<5760xi32, #tpu.memory_space<vmem>>, vector<16xi32>,
        tpu.vector_store %arg8[%swap3A_75], %broadcast_in_dim3A_69 {strides = array<i32>} : memref<5760xi32, #tpu.memory_space<vmem>>, vector<16xi32>,
        %while3A_77 = arith.constant 0 : i32
        scf.yield %while3A_77 : i32
      }
      %while3A_61 = arith.constant 1 : i32
      %while3A_62 = scf.for %while3A_66 = %while3A_58 to %while3A_54 step %while3A_61 iter_args(%while3A_67 = %while3A_60) -> (i32)  : i32 {
        %broadcast_in_dim3A_68 = arith.constant 10000 : i32
        %broadcast_in_dim3A_69 = vector.broadcast %broadcast_in_dim3A_68 : i32 to vector<16xi32>
        %add3A_70 = arith.constant 16 : i32
        %add3A_71 = arith.addi %and3A, %add3A_70 : i32
        %mul3A_72 = arith.constant 16 : i32
        %mul3A_73 = arith.muli %while3A_66, %mul3A_72 : i32
        %add3A_74 = arith.addi %add3A_71, %mul3A_73 : i32
        %swap3A_75 = arith.index_cast %add3A_74 : i32 to index
        %swap3A_76 = tpu.vector_load %arg8[%swap3A_75] {strides = array<i32>} : memref<5760xi32, #tpu.memory_space<vmem>>, vector<16xi32>,
        tpu.vector_store %arg8[%swap3A_75], %broadcast_in_dim3A_69 {strides = array<i32>} : memref<5760xi32, #tpu.memory_space<vmem>>, vector<16xi32>,
        %while3A_77 = arith.constant 0 : i32
        scf.yield %while3A_77 : i32
      }
      %mul3A_63 = arith.constant 1600 : i32
      %mul3A_64 = arith.muli %scan3A_29#1, %mul3A_63 : i32
      %add3A_65 = arith.addi %mul3A_2, %mul3A_64 : i32
      "tpu.region"() ({
        %run_scoped3A = tpu.sem_alloc : memref<!tpu.dma_semaphore, #tpu.memory_space<semaphore_mem>>
        %dma_start3A_66 = arith.constant 0 : i32
        %dma_start3A_67 = tpu.memref_slice %arg8[%dma_start3A_66] : memref<5760xi32, #tpu.memory_space<vmem>> -> memref<1600xi32, #tpu.memory_space<vmem>>
        %dma_start3A_68 = tpu.memref_slice %arg4[%add3A_65] : memref<10240000xi32, #tpu.memory_space<hbm>> -> memref<1600xi32, #tpu.memory_space<hbm>>
        %dma_start3A_69 = tpu.memref_slice %arg4[%add3A_65] : memref<10240000xi32, #tpu.memory_space<hbm>> -> memref<1600xi32, #tpu.memory_space<hbm>>
        %dma_start3A_70 = arith.constant 0 : i32
        %dma_start3A_71 = tpu.memref_slice %arg8[%dma_start3A_70] : memref<5760xi32, #tpu.memory_space<vmem>> -> memref<1600xi32, #tpu.memory_space<vmem>>
        tpu.enqueue_dma source(%dma_start3A_71 : memref<1600xi32, #tpu.memory_space<vmem>>) target(%dma_start3A_69 : memref<1600xi32, #tpu.memory_space<hbm>>) target_semaphore(%run_scoped3A : memref<!tpu.dma_semaphore, #tpu.memory_space<semaphore_mem>>)
        %dma_wait3A = arith.constant 0 : i32
        %dma_wait3A_72 = tpu.memref_slice %arg8[%dma_wait3A] : memref<5760xi32, #tpu.memory_space<vmem>> -> memref<1600xi32, #tpu.memory_space<vmem>>
        %dma_wait3A_73 = tpu.memref_slice %arg4[%add3A_65] : memref<10240000xi32, #tpu.memory_space<hbm>> -> memref<1600xi32, #tpu.memory_space<hbm>>
        %dma_wait3A_74 = tpu.memref_slice %arg4[%add3A_65] : memref<10240000xi32, #tpu.memory_space<hbm>> -> memref<1600xi32, #tpu.memory_space<hbm>>
        %dma_wait3A_75 = arith.constant 0 : i32
        %dma_wait3A_76 = tpu.memref_slice %arg8[%dma_wait3A_75] : memref<5760xi32, #tpu.memory_space<vmem>> -> memref<1600xi32, #tpu.memory_space<vmem>>
        tpu.wait_dma2 semaphore(%run_scoped3A : memref<!tpu.dma_semaphore, #tpu.memory_space<semaphore_mem>>) src(%dma_wait3A_76 : memref<1600xi32, #tpu.memory_space<vmem>>) dst(%dma_wait3A_74 : memref<1600xi32, #tpu.memory_space<hbm>>)
        tpu.yield
      }) : () -> ()
    } else {
    }
    %gt3A_33 = arith.constant 0 : i32
    %gt3A_34 = arith.cmpi sgt, %scan3A_29#0, %gt3A_33 : i32
    %jit3A = arith.constant 1 : i32
    %jit3A_35 = arith.constant 0 : i32
    %select_n3A = arith.select %gt3A_34, %jit3A, %jit3A_35 : i32
    %add3A_36 = arith.addi %scan3A_29#1, %select_n3A : i32
    %broadcast_in_dim3A = vector.broadcast %add3A_36 : i32 to vector<16xi32>
    %swap3A = arith.constant 0 : index
    %swap3A_37 = tpu.vector_load %arg9[%swap3A] {strides = array<i32>} : memref<16xi32, #tpu.memory_space<vmem>>, vector<16xi32>,
    tpu.vector_store %arg9[%swap3A], %broadcast_in_dim3A {strides = array<i32>} : memref<16xi32, #tpu.memory_space<vmem>>, vector<16xi32>,
    "tpu.region"() ({
      %run_scoped3A = tpu.sem_alloc : memref<!tpu.dma_semaphore, #tpu.memory_space<semaphore_mem>>
      %dma_start3A_38 = arith.constant 0 : i32
      %dma_start3A_39 = tpu.memref_slice %arg5[%add3A, %dma_start3A_38] : memref<32x16xi32, #tpu.memory_space<hbm>> -> memref<1x16xi32, #tpu.memory_space<hbm>>
      %dma_start3A_40 = tpu.memref_squeeze %dma_start3A_39 : memref<1x16xi32, #tpu.memory_space<hbm>> -> memref<16xi32, #tpu.memory_space<hbm>>
      %dma_start3A_41 = arith.constant 0 : i32
      %dma_start3A_42 = tpu.memref_slice %arg5[%add3A, %dma_start3A_41] : memref<32x16xi32, #tpu.memory_space<hbm>> -> memref<1x16xi32, #tpu.memory_space<hbm>>
      %dma_start3A_43 = tpu.memref_squeeze %dma_start3A_42 : memref<1x16xi32, #tpu.memory_space<hbm>> -> memref<16xi32, #tpu.memory_space<hbm>>
      tpu.enqueue_dma source(%arg9 : memref<16xi32, #tpu.memory_space<vmem>>) target(%dma_start3A_43 : memref<16xi32, #tpu.memory_space<hbm>>) target_semaphore(%run_scoped3A : memref<!tpu.dma_semaphore, #tpu.memory_space<semaphore_mem>>)
      %dma_wait3A = arith.constant 0 : i32
      %dma_wait3A_44 = tpu.memref_slice %arg5[%add3A, %dma_wait3A] : memref<32x16xi32, #tpu.memory_space<hbm>> -> memref<1x16xi32, #tpu.memory_space<hbm>>
      %dma_wait3A_45 = tpu.memref_squeeze %dma_wait3A_44 : memref<1x16xi32, #tpu.memory_space<hbm>> -> memref<16xi32, #tpu.memory_space<hbm>>
      %dma_wait3A_46 = arith.constant 0 : i32
      %dma_wait3A_47 = tpu.memref_slice %arg5[%add3A, %dma_wait3A_46] : memref<32x16xi32, #tpu.memory_space<hbm>> -> memref<1x16xi32, #tpu.memory_space<hbm>>
      %dma_wait3A_48 = tpu.memref_squeeze %dma_wait3A_47 : memref<1x16xi32, #tpu.memory_space<hbm>> -> memref<16xi32, #tpu.memory_space<hbm>>
      tpu.wait_dma2 semaphore(%run_scoped3A : memref<!tpu.dma_semaphore, #tpu.memory_space<semaphore_mem>>) src(%arg9 : memref<16xi32, #tpu.memory_space<vmem>>) dst(%dma_wait3A_48 : memref<16xi32, #tpu.memory_space<hbm>>)
      tpu.yield
    }) : () -> ()
    return
  }
}

#map = affine_map<(d0, d1) -> (0, 0)>
#map1 = affine_map<(d0, d1) -> (0)>
module attributes {stable_mosaic.version = 14 : i64} {
  func.func @_sc_agg(%arg0: i32, %arg1: i32, %arg2: memref<10000x128xf32, #tpu.memory_space<hbm>>, %arg3: memref<10240000xi32, #tpu.memory_space<hbm>>, %arg4: memref<32x16xi32, #tpu.memory_space<hbm>>, %arg5: memref<10000x128xf32, #tpu.memory_space<hbm>>, %arg6: memref<80xi32, #tpu.memory_space<vmem>>, %arg7: memref<80xi32, #tpu.memory_space<vmem>>, %arg8: memref<80xi32, #tpu.memory_space<vmem>>, %arg9: memref<80x128xf32, #tpu.memory_space<vmem>>, %arg10: memref<16xi32, #tpu.memory_space<vmem>>, %arg11: memref<10016x128xf32, #tpu.memory_space<vmem_shared>>, %arg12: memref<!tpu.dma_semaphore, #tpu.memory_space<semaphore_mem>>) attributes {dimension_semantics = [#tpu.dimension_semantics<core_parallel>, #tpu.dimension_semantics<subcore_parallel>], iteration_bounds = array<i64: 2, 16>, scalar_prefetch = 0 : i64, scratch_operands = 7 : i64, tpu.core_type = #tpu.core_type<sc_vector_subcore>, window_params = [{transform_indices = #map}, {transform_indices = #map1}, {transform_indices = #map}, {transform_indices = #map}]} {
    %mul3A = arith.constant 16 : i32
    %mul3A_0 = arith.muli %arg0, %mul3A : i32
    %add3A = arith.addi %mul3A_0, %arg1 : i32
    %scan3A = arith.constant 0 : i32
    %scan3A_1 = arith.constant 0 : i32
    %scan3A_2 = arith.constant 80 : i32
    %scan3A_3 = arith.addi %scan3A_1, %scan3A_2 : i32
    %scan3A_4 = arith.constant 1 : i32
    %scan3A_5 = scf.for %scan3A_47 = %scan3A_1 to %scan3A_3 step %scan3A_4 iter_args(%scan3A_48 = %scan3A) -> (i32)  : i32 {
      %scan3A_49 = arith.constant 0 : i32
      %scan3A_50 = arith.constant 0 : i32
      %scan3A_51 = arith.constant 8 : i32
      %scan3A_52 = arith.addi %scan3A_50, %scan3A_51 : i32
      %scan3A_53 = arith.constant 1 : i32
      %scan3A_54 = scf.for %scan3A_56 = %scan3A_50 to %scan3A_52 step %scan3A_53 iter_args(%scan3A_57 = %scan3A_49) -> (i32)  : i32 {
        %broadcast_in_dim3A = arith.constant 0.000000e+00 : f32
        %broadcast_in_dim3A_58 = vector.broadcast %broadcast_in_dim3A : f32 to vector<16xf32>
        %mul3A_59 = arith.constant 16 : i32
        %mul3A_60 = arith.muli %scan3A_56, %mul3A_59 : i32
        %swap3A = arith.index_cast %scan3A_47 : i32 to index
        %swap3A_61 = arith.index_cast %mul3A_60 : i32 to index
        %swap3A_62 = tpu.vector_load %arg9[%swap3A, %swap3A_61] {strides = array<i32>} : memref<80x128xf32, #tpu.memory_space<vmem>>, vector<16xf32>,
        tpu.vector_store %arg9[%swap3A, %swap3A_61], %broadcast_in_dim3A_58 {strides = array<i32>} : memref<80x128xf32, #tpu.memory_space<vmem>>, vector<16xf32>,
        %scan3A_63 = arith.constant 0 : i32
        scf.yield %scan3A_63 : i32
      }
      %scan3A_55 = arith.constant 8 : i32
      scf.yield %scan3A_54 : i32
    }
    %scan3A_6 = arith.constant 80 : i32
    %mul3A_7 = arith.constant 320 : i32
    %mul3A_8 = arith.muli %add3A, %mul3A_7 : i32
    %lt3A = arith.constant 31 : i32
    %lt3A_9 = arith.cmpi slt, %add3A, %lt3A : i32
    %convert_element_type3A = arith.extui %lt3A_9 : i1 to i32
    %cond3A = arith.constant 0 : i32
    %cond3A_10 = arith.cmpi ne, %convert_element_type3A, %cond3A : i32
    scf.if %cond3A_10 {
      %scan3A_47 = arith.constant 0 : i32
      %scan3A_48 = arith.constant 0 : i32
      %scan3A_49 = arith.constant 4 : i32
      %scan3A_50 = arith.addi %scan3A_48, %scan3A_49 : i32
      %scan3A_51 = arith.constant 1 : i32
      %scan3A_52 = scf.for %scan3A_54 = %scan3A_48 to %scan3A_50 step %scan3A_51 iter_args(%scan3A_55 = %scan3A_47) -> (i32)  : i32 {
        %mul3A_56 = arith.constant 80 : i32
        %mul3A_57 = arith.muli %scan3A_54, %mul3A_56 : i32
        %add3A_58 = arith.addi %mul3A_8, %mul3A_57 : i32
        "tpu.region"() ({
          %run_scoped3A = tpu.sem_alloc : memref<!tpu.dma_semaphore, #tpu.memory_space<semaphore_mem>>
          %dma_start3A = arith.constant 0 : i32
          %dma_start3A_60 = tpu.memref_slice %arg11[%add3A_58, %dma_start3A] : memref<10016x128xf32, #tpu.memory_space<vmem_shared>> -> memref<80x128xf32, #tpu.memory_space<vmem_shared>>
          %dma_start3A_61 = arith.constant 0 : i32
          %dma_start3A_62 = tpu.memref_slice %arg11[%add3A_58, %dma_start3A_61] : memref<10016x128xf32, #tpu.memory_space<vmem_shared>> -> memref<80x128xf32, #tpu.memory_space<vmem_shared>>
          tpu.enqueue_dma source(%arg9 : memref<80x128xf32, #tpu.memory_space<vmem>>) target(%dma_start3A_62 : memref<80x128xf32, #tpu.memory_space<vmem_shared>>) target_semaphore(%run_scoped3A : memref<!tpu.dma_semaphore, #tpu.memory_space<semaphore_mem>>)
          %dma_wait3A = arith.constant 0 : i32
          %dma_wait3A_63 = tpu.memref_slice %arg11[%add3A_58, %dma_wait3A] : memref<10016x128xf32, #tpu.memory_space<vmem_shared>> -> memref<80x128xf32, #tpu.memory_space<vmem_shared>>
          %dma_wait3A_64 = arith.constant 0 : i32
          %dma_wait3A_65 = tpu.memref_slice %arg11[%add3A_58, %dma_wait3A_64] : memref<10016x128xf32, #tpu.memory_space<vmem_shared>> -> memref<80x128xf32, #tpu.memory_space<vmem_shared>>
          tpu.wait_dma2 semaphore(%run_scoped3A : memref<!tpu.dma_semaphore, #tpu.memory_space<semaphore_mem>>) src(%arg9 : memref<80x128xf32, #tpu.memory_space<vmem>>) dst(%dma_wait3A_65 : memref<80x128xf32, #tpu.memory_space<vmem_shared>>)
          tpu.yield
        }) : () -> ()
        %scan3A_59 = arith.constant 0 : i32
        scf.yield %scan3A_59 : i32
      }
      %scan3A_53 = arith.constant 4 : i32
    } else {
    }
    %eq3A = arith.constant 31 : i32
    %eq3A_11 = arith.cmpi eq, %add3A, %eq3A : i32
    %convert_element_type3A_12 = arith.extui %eq3A_11 : i1 to i32
    %cond3A_13 = arith.constant 0 : i32
    %cond3A_14 = arith.cmpi ne, %convert_element_type3A_12, %cond3A_13 : i32
    scf.if %cond3A_14 {
      "tpu.region"() ({
        %run_scoped3A = tpu.sem_alloc : memref<!tpu.dma_semaphore, #tpu.memory_space<semaphore_mem>>
        %dma_start3A = arith.constant 0 : i32
        %dma_start3A_47 = tpu.memref_slice %arg11[%mul3A_8, %dma_start3A] : memref<10016x128xf32, #tpu.memory_space<vmem_shared>> -> memref<80x128xf32, #tpu.memory_space<vmem_shared>>
        %dma_start3A_48 = arith.constant 0 : i32
        %dma_start3A_49 = tpu.memref_slice %arg11[%mul3A_8, %dma_start3A_48] : memref<10016x128xf32, #tpu.memory_space<vmem_shared>> -> memref<80x128xf32, #tpu.memory_space<vmem_shared>>
        tpu.enqueue_dma source(%arg9 : memref<80x128xf32, #tpu.memory_space<vmem>>) target(%dma_start3A_49 : memref<80x128xf32, #tpu.memory_space<vmem_shared>>) target_semaphore(%run_scoped3A : memref<!tpu.dma_semaphore, #tpu.memory_space<semaphore_mem>>)
        %dma_wait3A = arith.constant 0 : i32
        %dma_wait3A_50 = tpu.memref_slice %arg11[%mul3A_8, %dma_wait3A] : memref<10016x128xf32, #tpu.memory_space<vmem_shared>> -> memref<80x128xf32, #tpu.memory_space<vmem_shared>>
        %dma_wait3A_51 = arith.constant 0 : i32
        %dma_wait3A_52 = tpu.memref_slice %arg11[%mul3A_8, %dma_wait3A_51] : memref<10016x128xf32, #tpu.memory_space<vmem_shared>> -> memref<80x128xf32, #tpu.memory_space<vmem_shared>>
        tpu.wait_dma2 semaphore(%run_scoped3A : memref<!tpu.dma_semaphore, #tpu.memory_space<semaphore_mem>>) src(%arg9 : memref<80x128xf32, #tpu.memory_space<vmem>>) dst(%dma_wait3A_52 : memref<80x128xf32, #tpu.memory_space<vmem_shared>>)
        tpu.yield
      }) : () -> ()
    } else {
    }
    %eq3A_15 = arith.constant 0 : i32
    %eq3A_16 = arith.cmpi eq, %add3A, %eq3A_15 : i32
    %convert_element_type3A_17 = arith.extui %eq3A_16 : i1 to i32
    %cond3A_18 = arith.constant 0 : i32
    %cond3A_19 = arith.cmpi ne, %convert_element_type3A_17, %cond3A_18 : i32
    scf.if %cond3A_19 {
      "tpu.region"() ({
        %run_scoped3A = tpu.sem_alloc : memref<!tpu.dma_semaphore, #tpu.memory_space<semaphore_mem>>
        %dma_start3A = arith.constant 0 : i32
        %dma_start3A_47 = arith.constant 0 : i32
        %dma_start3A_48 = tpu.memref_slice %arg9[%dma_start3A, %dma_start3A_47] : memref<80x128xf32, #tpu.memory_space<vmem>> -> memref<16x128xf32, #tpu.memory_space<vmem>>
        %dma_start3A_49 = arith.constant 10000 : i32
        %dma_start3A_50 = arith.constant 0 : i32
        %dma_start3A_51 = tpu.memref_slice %arg11[%dma_start3A_49, %dma_start3A_50] : memref<10016x128xf32, #tpu.memory_space<vmem_shared>> -> memref<16x128xf32, #tpu.memory_space<vmem_shared>>
        %dma_start3A_52 = arith.constant 10000 : i32
        %dma_start3A_53 = arith.constant 0 : i32
        %dma_start3A_54 = tpu.memref_slice %arg11[%dma_start3A_52, %dma_start3A_53] : memref<10016x128xf32, #tpu.memory_space<vmem_shared>> -> memref<16x128xf32, #tpu.memory_space<vmem_shared>>
        %dma_start3A_55 = arith.constant 0 : i32
        %dma_start3A_56 = arith.constant 0 : i32
        %dma_start3A_57 = tpu.memref_slice %arg9[%dma_start3A_55, %dma_start3A_56] : memref<80x128xf32, #tpu.memory_space<vmem>> -> memref<16x128xf32, #tpu.memory_space<vmem>>
        tpu.enqueue_dma source(%dma_start3A_57 : memref<16x128xf32, #tpu.memory_space<vmem>>) target(%dma_start3A_54 : memref<16x128xf32, #tpu.memory_space<vmem_shared>>) target_semaphore(%run_scoped3A : memref<!tpu.dma_semaphore, #tpu.memory_space<semaphore_mem>>)
        %dma_wait3A = arith.constant 0 : i32
        %dma_wait3A_58 = arith.constant 0 : i32
        %dma_wait3A_59 = tpu.memref_slice %arg9[%dma_wait3A, %dma_wait3A_58] : memref<80x128xf32, #tpu.memory_space<vmem>> -> memref<16x128xf32, #tpu.memory_space<vmem>>
        %dma_wait3A_60 = arith.constant 10000 : i32
        %dma_wait3A_61 = arith.constant 0 : i32
        %dma_wait3A_62 = tpu.memref_slice %arg11[%dma_wait3A_60, %dma_wait3A_61] : memref<10016x128xf32, #tpu.memory_space<vmem_shared>> -> memref<16x128xf32, #tpu.memory_space<vmem_shared>>
        %dma_wait3A_63 = arith.constant 10000 : i32
        %dma_wait3A_64 = arith.constant 0 : i32
        %dma_wait3A_65 = tpu.memref_slice %arg11[%dma_wait3A_63, %dma_wait3A_64] : memref<10016x128xf32, #tpu.memory_space<vmem_shared>> -> memref<16x128xf32, #tpu.memory_space<vmem_shared>>
        %dma_wait3A_66 = arith.constant 0 : i32
        %dma_wait3A_67 = arith.constant 0 : i32
        %dma_wait3A_68 = tpu.memref_slice %arg9[%dma_wait3A_66, %dma_wait3A_67] : memref<80x128xf32, #tpu.memory_space<vmem>> -> memref<16x128xf32, #tpu.memory_space<vmem>>
        tpu.wait_dma2 semaphore(%run_scoped3A : memref<!tpu.dma_semaphore, #tpu.memory_space<semaphore_mem>>) src(%dma_wait3A_68 : memref<16x128xf32, #tpu.memory_space<vmem>>) dst(%dma_wait3A_65 : memref<16x128xf32, #tpu.memory_space<vmem_shared>>)
        tpu.yield
      }) : () -> ()
    } else {
    }
    %barrier3A = arith.constant 0 : index
    tpu.barrier barrier_id(%barrier3A)
    "tpu.region"() ({
      %run_scoped3A = tpu.sem_alloc : memref<!tpu.dma_semaphore, #tpu.memory_space<semaphore_mem>>
      %dma_start3A = arith.constant 0 : i32
      %dma_start3A_47 = tpu.memref_slice %arg4[%add3A, %dma_start3A] : memref<32x16xi32, #tpu.memory_space<hbm>> -> memref<1x16xi32, #tpu.memory_space<hbm>>
      %dma_start3A_48 = tpu.memref_squeeze %dma_start3A_47 : memref<1x16xi32, #tpu.memory_space<hbm>> -> memref<16xi32, #tpu.memory_space<hbm>>
      %dma_start3A_49 = arith.constant 0 : i32
      %dma_start3A_50 = tpu.memref_slice %arg4[%add3A, %dma_start3A_49] : memref<32x16xi32, #tpu.memory_space<hbm>> -> memref<1x16xi32, #tpu.memory_space<hbm>>
      %dma_start3A_51 = tpu.memref_squeeze %dma_start3A_50 : memref<1x16xi32, #tpu.memory_space<hbm>> -> memref<16xi32, #tpu.memory_space<hbm>>
      tpu.enqueue_dma source(%dma_start3A_51 : memref<16xi32, #tpu.memory_space<hbm>>) target(%arg10 : memref<16xi32, #tpu.memory_space<vmem>>) target_semaphore(%run_scoped3A : memref<!tpu.dma_semaphore, #tpu.memory_space<semaphore_mem>>)
      %dma_wait3A = arith.constant 0 : i32
      %dma_wait3A_52 = tpu.memref_slice %arg4[%add3A, %dma_wait3A] : memref<32x16xi32, #tpu.memory_space<hbm>> -> memref<1x16xi32, #tpu.memory_space<hbm>>
      %dma_wait3A_53 = tpu.memref_squeeze %dma_wait3A_52 : memref<1x16xi32, #tpu.memory_space<hbm>> -> memref<16xi32, #tpu.memory_space<hbm>>
      %dma_wait3A_54 = arith.constant 0 : i32
      %dma_wait3A_55 = tpu.memref_slice %arg4[%add3A, %dma_wait3A_54] : memref<32x16xi32, #tpu.memory_space<hbm>> -> memref<1x16xi32, #tpu.memory_space<hbm>>
      %dma_wait3A_56 = tpu.memref_squeeze %dma_wait3A_55 : memref<1x16xi32, #tpu.memory_space<hbm>> -> memref<16xi32, #tpu.memory_space<hbm>>
      tpu.wait_dma2 semaphore(%run_scoped3A : memref<!tpu.dma_semaphore, #tpu.memory_space<semaphore_mem>>) src(%dma_wait3A_56 : memref<16xi32, #tpu.memory_space<hbm>>) dst(%arg10 : memref<16xi32, #tpu.memory_space<vmem>>)
      tpu.yield
    }) : () -> ()
    %get3A = arith.constant 0 : index
    %get3A_20 = tpu.vector_load %arg10[%get3A] {strides = array<i32>} : memref<16xi32, #tpu.memory_space<vmem>>, vector<16xi32>,
    %slice3A = vector.extract_strided_slice %get3A_20 {offsets = [0], sizes = [1], strides = [1]} : vector<16xi32> to vector<1xi32>
    %squeeze3A = vector.extract %slice3A[0] : i32 from vector<1xi32>
    %mul3A_21 = arith.constant 20 : i32
    %mul3A_22 = arith.muli %squeeze3A, %mul3A_21 : i32
    %mul3A_23 = arith.constant 320000 : i32
    %mul3A_24 = arith.muli %add3A, %mul3A_23 : i32
    %while3A = arith.constant 0 : i32
    %while3A_25 = arith.constant 0 : i32
    %while3A_26 = arith.subi %mul3A_22, %while3A : i32
    %while3A_27 = arith.addi %while3A, %while3A_26 : i32
    %while3A_28 = arith.constant 1 : i32
    %while3A_29 = arith.divsi %while3A_26, %while3A_28 : i32
    %while3A_30 = arith.muli %while3A_29, %while3A_28 : i32
    %while3A_31 = arith.addi %while3A, %while3A_30 : i32
    %while3A_32 = arith.constant 1 : i32
    %while3A_33 = scf.for %while3A_47 = %while3A to %while3A_31 step %while3A_32 iter_args(%while3A_48 = %while3A_25) -> (i32)  : i32 {
      %mul3A_49 = arith.constant 80 : i32
      %mul3A_50 = arith.muli %while3A_47, %mul3A_49 : i32
      %add3A_51 = arith.addi %mul3A_24, %mul3A_50 : i32
      "tpu.region"() ({
        %run_scoped3A = tpu.sem_alloc : memref<!tpu.dma_semaphore, #tpu.memory_space<semaphore_mem>>
        %dma_start3A_64 = tpu.memref_slice %arg3[%add3A_51] : memref<10240000xi32, #tpu.memory_space<hbm>> -> memref<80xi32, #tpu.memory_space<hbm>>
        %dma_start3A_65 = tpu.memref_slice %arg3[%add3A_51] : memref<10240000xi32, #tpu.memory_space<hbm>> -> memref<80xi32, #tpu.memory_space<hbm>>
        tpu.enqueue_dma source(%dma_start3A_65 : memref<80xi32, #tpu.memory_space<hbm>>) target(%arg6 : memref<80xi32, #tpu.memory_space<vmem>>) target_semaphore(%run_scoped3A : memref<!tpu.dma_semaphore, #tpu.memory_space<semaphore_mem>>)
        %dma_wait3A_66 = tpu.memref_slice %arg3[%add3A_51] : memref<10240000xi32, #tpu.memory_space<hbm>> -> memref<80xi32, #tpu.memory_space<hbm>>
        %dma_wait3A_67 = tpu.memref_slice %arg3[%add3A_51] : memref<10240000xi32, #tpu.memory_space<hbm>> -> memref<80xi32, #tpu.memory_space<hbm>>
        tpu.wait_dma2 semaphore(%run_scoped3A : memref<!tpu.dma_semaphore, #tpu.memory_space<semaphore_mem>>) src(%dma_wait3A_67 : memref<80xi32, #tpu.memory_space<hbm>>) dst(%arg6 : memref<80xi32, #tpu.memory_space<vmem>>)
        tpu.yield
      }) : () -> ()
      %scan3A_52 = arith.constant 0 : i32
      %scan3A_53 = arith.constant 0 : i32
      %scan3A_54 = arith.constant 5 : i32
      %scan3A_55 = arith.addi %scan3A_53, %scan3A_54 : i32
      %scan3A_56 = arith.constant 1 : i32
      %scan3A_57 = scf.for %scan3A_64 = %scan3A_53 to %scan3A_55 step %scan3A_56 iter_args(%scan3A_65 = %scan3A_52) -> (i32)  : i32 {
        %mul3A_66 = arith.constant 16 : i32
        %mul3A_67 = arith.muli %scan3A_64, %mul3A_66 : i32
        %get3A_68 = arith.index_cast %mul3A_67 : i32 to index
        %get3A_69 = tpu.vector_load %arg6[%get3A_68] {strides = array<i32>} : memref<80xi32, #tpu.memory_space<vmem>>, vector<16xi32>,
        %shift_right_logical3A = arith.constant 14 : i32
        %shift_right_logical3A_70 = vector.broadcast %shift_right_logical3A : i32 to vector<16xi32>
        %shift_right_logical3A_71 = arith.shrui %get3A_69, %shift_right_logical3A_70 : vector<16xi32>
        %mul3A_72 = arith.constant 16 : i32
        %mul3A_73 = arith.muli %scan3A_64, %mul3A_72 : i32
        %swap3A = arith.index_cast %mul3A_73 : i32 to index
        %swap3A_74 = tpu.vector_load %arg7[%swap3A] {strides = array<i32>} : memref<80xi32, #tpu.memory_space<vmem>>, vector<16xi32>,
        tpu.vector_store %arg7[%swap3A], %shift_right_logical3A_71 {strides = array<i32>} : memref<80xi32, #tpu.memory_space<vmem>>, vector<16xi32>,
        %and3A = arith.constant 16383 : i32
        %and3A_75 = vector.broadcast %and3A : i32 to vector<16xi32>
        %and3A_76 = arith.andi %get3A_69, %and3A_75 : vector<16xi32>
        %mul3A_77 = arith.constant 16 : i32
        %mul3A_78 = arith.muli %scan3A_64, %mul3A_77 : i32
        %swap3A_79 = arith.index_cast %mul3A_78 : i32 to index
        %swap3A_80 = tpu.vector_load %arg8[%swap3A_79] {strides = array<i32>} : memref<80xi32, #tpu.memory_space<vmem>>, vector<16xi32>,
        tpu.vector_store %arg8[%swap3A_79], %and3A_76 {strides = array<i32>} : memref<80xi32, #tpu.memory_space<vmem>>, vector<16xi32>,
        %scan3A_81 = arith.constant 0 : i32
        scf.yield %scan3A_81 : i32
      }
      %scan3A_58 = arith.constant 5 : i32
      %dma_start3A = arith.constant 0 : i32
      %dma_start3A_59 = arith.constant 0 : i32
      %dma_start3A_60 = tpu.memref_slice %arg2[%dma_start3A, %dma_start3A_59] : memref<10000x128xf32, #tpu.memory_space<hbm>> -> memref<10000x128xf32, #tpu.memory_space<hbm>>
      tpu.enqueue_indirect_dma source(%dma_start3A_60 : memref<10000x128xf32, #tpu.memory_space<hbm>>) target(%arg9 : memref<80x128xf32, #tpu.memory_space<vmem>>) offsets(%arg7 : memref<80xi32, #tpu.memory_space<vmem>>) semaphore(%arg12 : memref<!tpu.dma_semaphore, #tpu.memory_space<semaphore_mem>>)
      %dma_wait3A = arith.constant 0 : i32
      %dma_wait3A_61 = arith.constant 0 : i32
      %dma_wait3A_62 = tpu.memref_slice %arg2[%dma_wait3A, %dma_wait3A_61] : memref<10000x128xf32, #tpu.memory_space<hbm>> -> memref<10000x128xf32, #tpu.memory_space<hbm>>
      tpu.wait_indirect_dma semaphore(%arg12 : memref<!tpu.dma_semaphore, #tpu.memory_space<semaphore_mem>>) src(%dma_wait3A_62 : memref<10000x128xf32, #tpu.memory_space<hbm>>) dst(%arg9 : memref<80x128xf32, #tpu.memory_space<vmem>>)
      "tpu.region"() ({
        %run_scoped3A = tpu.sem_alloc : memref<!tpu.dma_semaphore, #tpu.memory_space<semaphore_mem>>
        %dma_start3A_64 = arith.constant 0 : i32
        %dma_start3A_65 = arith.constant 0 : i32
        %dma_start3A_66 = tpu.memref_slice %arg11[%dma_start3A_64, %dma_start3A_65] : memref<10016x128xf32, #tpu.memory_space<vmem_shared>> -> memref<10016x128xf32, #tpu.memory_space<vmem_shared>>
        tpu.enqueue_indirect_dma source(%arg9 : memref<80x128xf32, #tpu.memory_space<vmem>>) target(%dma_start3A_66 : memref<10016x128xf32, #tpu.memory_space<vmem_shared>>) offsets(%arg8 : memref<80xi32, #tpu.memory_space<vmem>>) semaphore(%run_scoped3A : memref<!tpu.dma_semaphore, #tpu.memory_space<semaphore_mem>>) {add = true}
        %dma_wait3A_67 = arith.constant 0 : i32
        %dma_wait3A_68 = arith.constant 0 : i32
        %dma_wait3A_69 = tpu.memref_slice %arg11[%dma_wait3A_67, %dma_wait3A_68] : memref<10016x128xf32, #tpu.memory_space<vmem_shared>> -> memref<10016x128xf32, #tpu.memory_space<vmem_shared>>
        tpu.wait_indirect_dma semaphore(%run_scoped3A : memref<!tpu.dma_semaphore, #tpu.memory_space<semaphore_mem>>) src(%arg9 : memref<80x128xf32, #tpu.memory_space<vmem>>) dst(%dma_wait3A_69 : memref<10016x128xf32, #tpu.memory_space<vmem_shared>>)
        tpu.yield
      }) : () -> ()
      %while3A_63 = arith.constant 0 : i32
      scf.yield %while3A_63 : i32
    }
    %while3A_34 = arith.constant 1 : i32
    %while3A_35 = scf.for %while3A_47 = %while3A_31 to %while3A_27 step %while3A_34 iter_args(%while3A_48 = %while3A_33) -> (i32)  : i32 {
      %mul3A_49 = arith.constant 80 : i32
      %mul3A_50 = arith.muli %while3A_47, %mul3A_49 : i32
      %add3A_51 = arith.addi %mul3A_24, %mul3A_50 : i32
      "tpu.region"() ({
        %run_scoped3A = tpu.sem_alloc : memref<!tpu.dma_semaphore, #tpu.memory_space<semaphore_mem>>
        %dma_start3A_64 = tpu.memref_slice %arg3[%add3A_51] : memref<10240000xi32, #tpu.memory_space<hbm>> -> memref<80xi32, #tpu.memory_space<hbm>>
        %dma_start3A_65 = tpu.memref_slice %arg3[%add3A_51] : memref<10240000xi32, #tpu.memory_space<hbm>> -> memref<80xi32, #tpu.memory_space<hbm>>
        tpu.enqueue_dma source(%dma_start3A_65 : memref<80xi32, #tpu.memory_space<hbm>>) target(%arg6 : memref<80xi32, #tpu.memory_space<vmem>>) target_semaphore(%run_scoped3A : memref<!tpu.dma_semaphore, #tpu.memory_space<semaphore_mem>>)
        %dma_wait3A_66 = tpu.memref_slice %arg3[%add3A_51] : memref<10240000xi32, #tpu.memory_space<hbm>> -> memref<80xi32, #tpu.memory_space<hbm>>
        %dma_wait3A_67 = tpu.memref_slice %arg3[%add3A_51] : memref<10240000xi32, #tpu.memory_space<hbm>> -> memref<80xi32, #tpu.memory_space<hbm>>
        tpu.wait_dma2 semaphore(%run_scoped3A : memref<!tpu.dma_semaphore, #tpu.memory_space<semaphore_mem>>) src(%dma_wait3A_67 : memref<80xi32, #tpu.memory_space<hbm>>) dst(%arg6 : memref<80xi32, #tpu.memory_space<vmem>>)
        tpu.yield
      }) : () -> ()
      %scan3A_52 = arith.constant 0 : i32
      %scan3A_53 = arith.constant 0 : i32
      %scan3A_54 = arith.constant 5 : i32
      %scan3A_55 = arith.addi %scan3A_53, %scan3A_54 : i32
      %scan3A_56 = arith.constant 1 : i32
      %scan3A_57 = scf.for %scan3A_64 = %scan3A_53 to %scan3A_55 step %scan3A_56 iter_args(%scan3A_65 = %scan3A_52) -> (i32)  : i32 {
        %mul3A_66 = arith.constant 16 : i32
        %mul3A_67 = arith.muli %scan3A_64, %mul3A_66 : i32
        %get3A_68 = arith.index_cast %mul3A_67 : i32 to index
        %get3A_69 = tpu.vector_load %arg6[%get3A_68] {strides = array<i32>} : memref<80xi32, #tpu.memory_space<vmem>>, vector<16xi32>,
        %shift_right_logical3A = arith.constant 14 : i32
        %shift_right_logical3A_70 = vector.broadcast %shift_right_logical3A : i32 to vector<16xi32>
        %shift_right_logical3A_71 = arith.shrui %get3A_69, %shift_right_logical3A_70 : vector<16xi32>
        %mul3A_72 = arith.constant 16 : i32
        %mul3A_73 = arith.muli %scan3A_64, %mul3A_72 : i32
        %swap3A = arith.index_cast %mul3A_73 : i32 to index
        %swap3A_74 = tpu.vector_load %arg7[%swap3A] {strides = array<i32>} : memref<80xi32, #tpu.memory_space<vmem>>, vector<16xi32>,
        tpu.vector_store %arg7[%swap3A], %shift_right_logical3A_71 {strides = array<i32>} : memref<80xi32, #tpu.memory_space<vmem>>, vector<16xi32>,
        %and3A = arith.constant 16383 : i32
        %and3A_75 = vector.broadcast %and3A : i32 to vector<16xi32>
        %and3A_76 = arith.andi %get3A_69, %and3A_75 : vector<16xi32>
        %mul3A_77 = arith.constant 16 : i32
        %mul3A_78 = arith.muli %scan3A_64, %mul3A_77 : i32
        %swap3A_79 = arith.index_cast %mul3A_78 : i32 to index
        %swap3A_80 = tpu.vector_load %arg8[%swap3A_79] {strides = array<i32>} : memref<80xi32, #tpu.memory_space<vmem>>, vector<16xi32>,
        tpu.vector_store %arg8[%swap3A_79], %and3A_76 {strides = array<i32>} : memref<80xi32, #tpu.memory_space<vmem>>, vector<16xi32>,
        %scan3A_81 = arith.constant 0 : i32
        scf.yield %scan3A_81 : i32
      }
      %scan3A_58 = arith.constant 5 : i32
      %dma_start3A = arith.constant 0 : i32
      %dma_start3A_59 = arith.constant 0 : i32
      %dma_start3A_60 = tpu.memref_slice %arg2[%dma_start3A, %dma_start3A_59] : memref<10000x128xf32, #tpu.memory_space<hbm>> -> memref<10000x128xf32, #tpu.memory_space<hbm>>
      tpu.enqueue_indirect_dma source(%dma_start3A_60 : memref<10000x128xf32, #tpu.memory_space<hbm>>) target(%arg9 : memref<80x128xf32, #tpu.memory_space<vmem>>) offsets(%arg7 : memref<80xi32, #tpu.memory_space<vmem>>) semaphore(%arg12 : memref<!tpu.dma_semaphore, #tpu.memory_space<semaphore_mem>>)
      %dma_wait3A = arith.constant 0 : i32
      %dma_wait3A_61 = arith.constant 0 : i32
      %dma_wait3A_62 = tpu.memref_slice %arg2[%dma_wait3A, %dma_wait3A_61] : memref<10000x128xf32, #tpu.memory_space<hbm>> -> memref<10000x128xf32, #tpu.memory_space<hbm>>
      tpu.wait_indirect_dma semaphore(%arg12 : memref<!tpu.dma_semaphore, #tpu.memory_space<semaphore_mem>>) src(%dma_wait3A_62 : memref<10000x128xf32, #tpu.memory_space<hbm>>) dst(%arg9 : memref<80x128xf32, #tpu.memory_space<vmem>>)
      "tpu.region"() ({
        %run_scoped3A = tpu.sem_alloc : memref<!tpu.dma_semaphore, #tpu.memory_space<semaphore_mem>>
        %dma_start3A_64 = arith.constant 0 : i32
        %dma_start3A_65 = arith.constant 0 : i32
        %dma_start3A_66 = tpu.memref_slice %arg11[%dma_start3A_64, %dma_start3A_65] : memref<10016x128xf32, #tpu.memory_space<vmem_shared>> -> memref<10016x128xf32, #tpu.memory_space<vmem_shared>>
        tpu.enqueue_indirect_dma source(%arg9 : memref<80x128xf32, #tpu.memory_space<vmem>>) target(%dma_start3A_66 : memref<10016x128xf32, #tpu.memory_space<vmem_shared>>) offsets(%arg8 : memref<80xi32, #tpu.memory_space<vmem>>) semaphore(%run_scoped3A : memref<!tpu.dma_semaphore, #tpu.memory_space<semaphore_mem>>) {add = true}
        %dma_wait3A_67 = arith.constant 0 : i32
        %dma_wait3A_68 = arith.constant 0 : i32
        %dma_wait3A_69 = tpu.memref_slice %arg11[%dma_wait3A_67, %dma_wait3A_68] : memref<10016x128xf32, #tpu.memory_space<vmem_shared>> -> memref<10016x128xf32, #tpu.memory_space<vmem_shared>>
        tpu.wait_indirect_dma semaphore(%run_scoped3A : memref<!tpu.dma_semaphore, #tpu.memory_space<semaphore_mem>>) src(%arg9 : memref<80x128xf32, #tpu.memory_space<vmem>>) dst(%dma_wait3A_69 : memref<10016x128xf32, #tpu.memory_space<vmem_shared>>)
        tpu.yield
      }) : () -> ()
      %while3A_63 = arith.constant 0 : i32
      scf.yield %while3A_63 : i32
    }
    %barrier3A_36 = arith.constant 0 : index
    tpu.barrier barrier_id(%barrier3A_36)
    %lt3A_37 = arith.constant 31 : i32
    %lt3A_38 = arith.cmpi slt, %add3A, %lt3A_37 : i32
    %convert_element_type3A_39 = arith.extui %lt3A_38 : i1 to i32
    %cond3A_40 = arith.constant 0 : i32
    %cond3A_41 = arith.cmpi ne, %convert_element_type3A_39, %cond3A_40 : i32
    scf.if %cond3A_41 {
      "tpu.region"() ({
        %run_scoped3A = tpu.sem_alloc : memref<!tpu.dma_semaphore, #tpu.memory_space<semaphore_mem>>
        %dma_start3A = arith.constant 0 : i32
        %dma_start3A_47 = tpu.memref_slice %arg5[%mul3A_8, %dma_start3A] : memref<10000x128xf32, #tpu.memory_space<hbm>> -> memref<320x128xf32, #tpu.memory_space<hbm>>
        %dma_start3A_48 = arith.constant 0 : i32
        %dma_start3A_49 = tpu.memref_slice %arg11[%mul3A_8, %dma_start3A_48] : memref<10016x128xf32, #tpu.memory_space<vmem_shared>> -> memref<320x128xf32, #tpu.memory_space<vmem_shared>>
        tpu.enqueue_dma source(%dma_start3A_49 : memref<320x128xf32, #tpu.memory_space<vmem_shared>>) target(%dma_start3A_47 : memref<320x128xf32, #tpu.memory_space<hbm>>) target_semaphore(%run_scoped3A : memref<!tpu.dma_semaphore, #tpu.memory_space<semaphore_mem>>)
        %dma_wait3A = arith.constant 0 : i32
        %dma_wait3A_50 = tpu.memref_slice %arg5[%mul3A_8, %dma_wait3A] : memref<10000x128xf32, #tpu.memory_space<hbm>> -> memref<320x128xf32, #tpu.memory_space<hbm>>
        %dma_wait3A_51 = arith.constant 0 : i32
        %dma_wait3A_52 = tpu.memref_slice %arg11[%mul3A_8, %dma_wait3A_51] : memref<10016x128xf32, #tpu.memory_space<vmem_shared>> -> memref<320x128xf32, #tpu.memory_space<vmem_shared>>
        tpu.wait_dma2 semaphore(%run_scoped3A : memref<!tpu.dma_semaphore, #tpu.memory_space<semaphore_mem>>) src(%dma_wait3A_52 : memref<320x128xf32, #tpu.memory_space<vmem_shared>>) dst(%dma_wait3A_50 : memref<320x128xf32, #tpu.memory_space<hbm>>)
        tpu.yield
      }) : () -> ()
    } else {
    }
    %eq3A_42 = arith.constant 31 : i32
    %eq3A_43 = arith.cmpi eq, %add3A, %eq3A_42 : i32
    %convert_element_type3A_44 = arith.extui %eq3A_43 : i1 to i32
    %cond3A_45 = arith.constant 0 : i32
    %cond3A_46 = arith.cmpi ne, %convert_element_type3A_44, %cond3A_45 : i32
    scf.if %cond3A_46 {
      "tpu.region"() ({
        %run_scoped3A = tpu.sem_alloc : memref<!tpu.dma_semaphore, #tpu.memory_space<semaphore_mem>>
        %dma_start3A = arith.constant 0 : i32
        %dma_start3A_47 = tpu.memref_slice %arg5[%mul3A_8, %dma_start3A] : memref<10000x128xf32, #tpu.memory_space<hbm>> -> memref<80x128xf32, #tpu.memory_space<hbm>>
        %dma_start3A_48 = arith.constant 0 : i32
        %dma_start3A_49 = tpu.memref_slice %arg11[%mul3A_8, %dma_start3A_48] : memref<10016x128xf32, #tpu.memory_space<vmem_shared>> -> memref<80x128xf32, #tpu.memory_space<vmem_shared>>
        tpu.enqueue_dma source(%dma_start3A_49 : memref<80x128xf32, #tpu.memory_space<vmem_shared>>) target(%dma_start3A_47 : memref<80x128xf32, #tpu.memory_space<hbm>>) target_semaphore(%run_scoped3A : memref<!tpu.dma_semaphore, #tpu.memory_space<semaphore_mem>>)
        %dma_wait3A = arith.constant 0 : i32
        %dma_wait3A_50 = tpu.memref_slice %arg5[%mul3A_8, %dma_wait3A] : memref<10000x128xf32, #tpu.memory_space<hbm>> -> memref<80x128xf32, #tpu.memory_space<hbm>>
        %dma_wait3A_51 = arith.constant 0 : i32
        %dma_wait3A_52 = tpu.memref_slice %arg11[%mul3A_8, %dma_wait3A_51] : memref<10016x128xf32, #tpu.memory_space<vmem_shared>> -> memref<80x128xf32, #tpu.memory_space<vmem_shared>>
        tpu.wait_dma2 semaphore(%run_scoped3A : memref<!tpu.dma_semaphore, #tpu.memory_space<semaphore_mem>>) src(%dma_wait3A_52 : memref<80x128xf32, #tpu.memory_space<vmem_shared>>) dst(%dma_wait3A_50 : memref<80x128xf32, #tpu.memory_space<hbm>>)
        tpu.yield
      }) : () -> ()
    } else {
    }
    return
  }
}

module attributes {stable_mosaic.version = 14 : i64} {
  func.func @_final_body(%arg0: memref<1x1xf32, #tpu.memory_space<smem>>, %arg1: memref<10000x128xf32, #tpu.memory_space<vmem>>, %arg2: memref<10000x128xf32, #tpu.memory_space<vmem>>, %arg3: memref<128x128xf32, #tpu.memory_space<vmem>>, %arg4: memref<1x128xf32, #tpu.memory_space<vmem>>, %arg5: memref<128x128xf32, #tpu.memory_space<vmem>>, %arg6: memref<1x128xf32, #tpu.memory_space<vmem>>, %arg7: memref<1x128xf32, #tpu.memory_space<vmem>>, %arg8: memref<1x128xf32, #tpu.memory_space<vmem>>, %arg9: memref<128x128xf32, #tpu.memory_space<vmem>>, %arg10: memref<1x128xf32, #tpu.memory_space<vmem>>, %arg11: memref<10000x128xf32, #tpu.memory_space<vmem>>) attributes {dimension_semantics = [], scalar_prefetch = 0 : i64, scratch_operands = 0 : i64, tpu.core_type = #tpu.core_type<tc>} {
    %get3A = arith.constant 0 : index
    %get3A_0 = arith.constant 0 : index
    %get3A_1 = memref.load %arg0[%get3A, %get3A_0] : memref<1x1xf32, #tpu.memory_space<smem>>
    %add3A = arith.constant 1.000000e+00 : f32
    %add3A_2 = arith.addf %add3A, %get3A_1 : f32
    %get3A_3 = arith.constant 0 : index
    %get3A_4 = arith.constant 0 : index
    %get3A_5 = vector.load %arg1[%get3A_3, %get3A_4] : memref<10000x128xf32, #tpu.memory_space<vmem>>, vector<10000x128xf32>
    %mul3A = vector.broadcast %add3A_2 : f32 to vector<10000x128xf32>
    %mul3A_6 = arith.mulf %mul3A, %get3A_5 : vector<10000x128xf32>
    %get3A_7 = arith.constant 0 : index
    %get3A_8 = arith.constant 0 : index
    %get3A_9 = vector.load %arg2[%get3A_7, %get3A_8] : memref<10000x128xf32, #tpu.memory_space<vmem>>, vector<10000x128xf32>
    %add3A_10 = arith.addf %mul3A_6, %get3A_9 : vector<10000x128xf32>
    %get3A_11 = arith.constant 0 : index
    %get3A_12 = arith.constant 0 : index
    %get3A_13 = vector.load %arg3[%get3A_11, %get3A_12] : memref<128x128xf32, #tpu.memory_space<vmem>>, vector<128x128xf32>
    %get3A_14 = arith.constant 0 : index
    %get3A_15 = arith.constant 0 : index
    %get3A_16 = vector.load %arg4[%get3A_14, %get3A_15] : memref<1x128xf32, #tpu.memory_space<vmem>>, vector<1x128xf32>
    %get3A_17 = arith.constant 0 : index
    %get3A_18 = arith.constant 0 : index
    %get3A_19 = vector.load %arg5[%get3A_17, %get3A_18] : memref<128x128xf32, #tpu.memory_space<vmem>>, vector<128x128xf32>
    %get3A_20 = arith.constant 0 : index
    %get3A_21 = arith.constant 0 : index
    %get3A_22 = vector.load %arg6[%get3A_20, %get3A_21] : memref<1x128xf32, #tpu.memory_space<vmem>>, vector<1x128xf32>
    %get3A_23 = arith.constant 0 : index
    %get3A_24 = arith.constant 0 : index
    %get3A_25 = vector.load %arg7[%get3A_23, %get3A_24] : memref<1x128xf32, #tpu.memory_space<vmem>>, vector<1x128xf32>
    %get3A_26 = arith.constant 0 : index
    %get3A_27 = arith.constant 0 : index
    %get3A_28 = vector.load %arg8[%get3A_26, %get3A_27] : memref<1x128xf32, #tpu.memory_space<vmem>>, vector<1x128xf32>
    %dot_general3A = arith.constant dense<0.000000e+00> : vector<10000x128xf32>
    %dot_general3A_29 = tpu.matmul %add3A_10, %get3A_13, %dot_general3A {dimension_numbers = #tpu.dot_dimension_numbers<[1], [0], [0], [1], [0, 0, 1, 1], [], []>, transpose_lhs_hint = false} : vector<10000x128xf32>, vector<128x128xf32>, vector<10000x128xf32> -> vector<10000x128xf32>
    %add3A_30 = vector.broadcast %get3A_16 : vector<1x128xf32> to vector<10000x128xf32>
    %add3A_31 = arith.addf %dot_general3A_29, %add3A_30 : vector<10000x128xf32>
    %max3A = arith.constant 0.000000e+00 : f32
    %max3A_32 = vector.broadcast %max3A : f32 to vector<10000x128xf32>
    %max3A_33 = arith.maximumf %add3A_31, %max3A_32 : vector<10000x128xf32>
    %dot_general3A_34 = arith.constant dense<0.000000e+00> : vector<10000x128xf32>
    %dot_general3A_35 = tpu.matmul %max3A_33, %get3A_19, %dot_general3A_34 {dimension_numbers = #tpu.dot_dimension_numbers<[1], [0], [0], [1], [0, 0, 1, 1], [], []>, transpose_lhs_hint = false} : vector<10000x128xf32>, vector<128x128xf32>, vector<10000x128xf32> -> vector<10000x128xf32>
    %add3A_36 = vector.broadcast %get3A_22 : vector<1x128xf32> to vector<10000x128xf32>
    %add3A_37 = arith.addf %dot_general3A_35, %add3A_36 : vector<10000x128xf32>
    %max3A_38 = arith.constant 0.000000e+00 : f32
    %max3A_39 = vector.broadcast %max3A_38 : f32 to vector<10000x128xf32>
    %max3A_40 = arith.maximumf %add3A_37, %max3A_39 : vector<10000x128xf32>
    %reduce_sum3A = arith.constant dense<0.000000e+00> : vector<128xf32>
    %reduce_sum3A_41 = vector.multi_reduction <add>, %max3A_40, %reduce_sum3A [0] : vector<10000x128xf32> to vector<128xf32>
    %broadcast_in_dim3A = vector.shape_cast %reduce_sum3A_41 : vector<128xf32> to vector<1x128xf32>
    %div3A = arith.constant 1.000000e+04 : f32
    %div3A_42 = vector.broadcast %div3A : f32 to vector<1x128xf32>
    %div3A_43 = arith.divf %broadcast_in_dim3A, %div3A_42 : vector<1x128xf32>
    %sub3A = vector.broadcast %div3A_43 : vector<1x128xf32> to vector<10000x128xf32>
    %sub3A_44 = arith.subf %max3A_40, %sub3A : vector<10000x128xf32>
    %reduce_sum3A_45 = arith.constant dense<0.000000e+00> : vector<128xf32>
    %reduce_sum3A_46 = vector.multi_reduction <add>, %sub3A_44, %reduce_sum3A_45 [0] : vector<10000x128xf32> to vector<128xf32>
    %broadcast_in_dim3A_47 = vector.shape_cast %reduce_sum3A_46 : vector<128xf32> to vector<1x128xf32>
    %div3A_48 = arith.constant 1.000000e+04 : f32
    %div3A_49 = vector.broadcast %div3A_48 : f32 to vector<1x128xf32>
    %div3A_50 = arith.divf %broadcast_in_dim3A_47, %div3A_49 : vector<1x128xf32>
    %add3A_51 = arith.addf %div3A_43, %div3A_50 : vector<1x128xf32>
    %sub3A_52 = vector.broadcast %add3A_51 : vector<1x128xf32> to vector<10000x128xf32>
    %sub3A_53 = arith.subf %max3A_40, %sub3A_52 : vector<10000x128xf32>
    %mul3A_54 = arith.mulf %sub3A_53, %sub3A_53 : vector<10000x128xf32>
    %reduce_sum3A_55 = arith.constant dense<0.000000e+00> : vector<128xf32>
    %reduce_sum3A_56 = vector.multi_reduction <add>, %mul3A_54, %reduce_sum3A_55 [0] : vector<10000x128xf32> to vector<128xf32>
    %broadcast_in_dim3A_57 = vector.shape_cast %reduce_sum3A_56 : vector<128xf32> to vector<1x128xf32>
    %div3A_58 = arith.constant 1.000000e+04 : f32
    %div3A_59 = vector.broadcast %div3A_58 : f32 to vector<1x128xf32>
    %div3A_60 = arith.divf %broadcast_in_dim3A_57, %div3A_59 : vector<1x128xf32>
    %add3A_61 = arith.constant 9.99999974E-6 : f32
    %add3A_62 = vector.broadcast %add3A_61 : f32 to vector<1x128xf32>
    %add3A_63 = arith.addf %div3A_60, %add3A_62 : vector<1x128xf32>
    %sqrt3A = math.sqrt %add3A_63 : vector<1x128xf32>
    %div3A_64 = vector.broadcast %sqrt3A : vector<1x128xf32> to vector<10000x128xf32>
    %div3A_65 = arith.divf %sub3A_53, %div3A_64 : vector<10000x128xf32>
    %mul3A_66 = vector.broadcast %get3A_25 : vector<1x128xf32> to vector<10000x128xf32>
    %mul3A_67 = arith.mulf %div3A_65, %mul3A_66 : vector<10000x128xf32>
    %add3A_68 = vector.broadcast %get3A_28 : vector<1x128xf32> to vector<10000x128xf32>
    %add3A_69 = arith.addf %mul3A_67, %add3A_68 : vector<10000x128xf32>
    %max3A_70 = arith.constant 0.000000e+00 : f32
    %max3A_71 = vector.broadcast %max3A_70 : f32 to vector<10000x128xf32>
    %max3A_72 = arith.maximumf %add3A_69, %max3A_71 : vector<10000x128xf32>
    %get3A_73 = arith.constant 0 : index
    %get3A_74 = arith.constant 0 : index
    %get3A_75 = vector.load %arg9[%get3A_73, %get3A_74] : memref<128x128xf32, #tpu.memory_space<vmem>>, vector<128x128xf32>
    %dot_general3A_76 = arith.constant dense<0.000000e+00> : vector<10000x128xf32>
    %dot_general3A_77 = tpu.matmul %max3A_72, %get3A_75, %dot_general3A_76 {dimension_numbers = #tpu.dot_dimension_numbers<[1], [0], [0], [1], [0, 0, 1, 1], [], []>, transpose_lhs_hint = false} : vector<10000x128xf32>, vector<128x128xf32>, vector<10000x128xf32> -> vector<10000x128xf32>
    %get3A_78 = arith.constant 0 : index
    %get3A_79 = arith.constant 0 : index
    %get3A_80 = vector.load %arg10[%get3A_78, %get3A_79] : memref<1x128xf32, #tpu.memory_space<vmem>>, vector<1x128xf32>
    %add3A_81 = vector.broadcast %get3A_80 : vector<1x128xf32> to vector<10000x128xf32>
    %add3A_82 = arith.addf %dot_general3A_77, %add3A_81 : vector<10000x128xf32>
    %swap3A = arith.constant 0 : index
    %swap3A_83 = arith.constant 0 : index
    %swap3A_84 = vector.load %arg11[%swap3A, %swap3A_83] : memref<10000x128xf32, #tpu.memory_space<vmem>>, vector<10000x128xf32>
    tpu.vector_store %arg11[%swap3A, %swap3A_83], %add3A_82 {strides = array<i32>} : memref<10000x128xf32, #tpu.memory_space<vmem>>, vector<10000x128xf32>,
    return
  }
}

module attributes {stable_mosaic.version = 14 : i64} {
  func.func @_layer_body(%arg0: memref<1x1xf32, #tpu.memory_space<smem>>, %arg1: memref<10000x128xf32, #tpu.memory_space<vmem>>, %arg2: memref<10000x128xf32, #tpu.memory_space<vmem>>, %arg3: memref<128x128xf32, #tpu.memory_space<vmem>>, %arg4: memref<1x128xf32, #tpu.memory_space<vmem>>, %arg5: memref<128x128xf32, #tpu.memory_space<vmem>>, %arg6: memref<1x128xf32, #tpu.memory_space<vmem>>, %arg7: memref<1x128xf32, #tpu.memory_space<vmem>>, %arg8: memref<1x128xf32, #tpu.memory_space<vmem>>, %arg9: memref<10000x128xf32, #tpu.memory_space<vmem>>) attributes {dimension_semantics = [], scalar_prefetch = 0 : i64, scratch_operands = 0 : i64, tpu.core_type = #tpu.core_type<tc>} {
    %get3A = arith.constant 0 : index
    %get3A_0 = arith.constant 0 : index
    %get3A_1 = memref.load %arg0[%get3A, %get3A_0] : memref<1x1xf32, #tpu.memory_space<smem>>
    %add3A = arith.constant 1.000000e+00 : f32
    %add3A_2 = arith.addf %add3A, %get3A_1 : f32
    %get3A_3 = arith.constant 0 : index
    %get3A_4 = arith.constant 0 : index
    %get3A_5 = vector.load %arg1[%get3A_3, %get3A_4] : memref<10000x128xf32, #tpu.memory_space<vmem>>, vector<10000x128xf32>
    %mul3A = vector.broadcast %add3A_2 : f32 to vector<10000x128xf32>
    %mul3A_6 = arith.mulf %mul3A, %get3A_5 : vector<10000x128xf32>
    %get3A_7 = arith.constant 0 : index
    %get3A_8 = arith.constant 0 : index
    %get3A_9 = vector.load %arg2[%get3A_7, %get3A_8] : memref<10000x128xf32, #tpu.memory_space<vmem>>, vector<10000x128xf32>
    %add3A_10 = arith.addf %mul3A_6, %get3A_9 : vector<10000x128xf32>
    %get3A_11 = arith.constant 0 : index
    %get3A_12 = arith.constant 0 : index
    %get3A_13 = vector.load %arg3[%get3A_11, %get3A_12] : memref<128x128xf32, #tpu.memory_space<vmem>>, vector<128x128xf32>
    %get3A_14 = arith.constant 0 : index
    %get3A_15 = arith.constant 0 : index
    %get3A_16 = vector.load %arg4[%get3A_14, %get3A_15] : memref<1x128xf32, #tpu.memory_space<vmem>>, vector<1x128xf32>
    %get3A_17 = arith.constant 0 : index
    %get3A_18 = arith.constant 0 : index
    %get3A_19 = vector.load %arg5[%get3A_17, %get3A_18] : memref<128x128xf32, #tpu.memory_space<vmem>>, vector<128x128xf32>
    %get3A_20 = arith.constant 0 : index
    %get3A_21 = arith.constant 0 : index
    %get3A_22 = vector.load %arg6[%get3A_20, %get3A_21] : memref<1x128xf32, #tpu.memory_space<vmem>>, vector<1x128xf32>
    %get3A_23 = arith.constant 0 : index
    %get3A_24 = arith.constant 0 : index
    %get3A_25 = vector.load %arg7[%get3A_23, %get3A_24] : memref<1x128xf32, #tpu.memory_space<vmem>>, vector<1x128xf32>
    %get3A_26 = arith.constant 0 : index
    %get3A_27 = arith.constant 0 : index
    %get3A_28 = vector.load %arg8[%get3A_26, %get3A_27] : memref<1x128xf32, #tpu.memory_space<vmem>>, vector<1x128xf32>
    %dot_general3A = arith.constant dense<0.000000e+00> : vector<10000x128xf32>
    %dot_general3A_29 = tpu.matmul %add3A_10, %get3A_13, %dot_general3A {dimension_numbers = #tpu.dot_dimension_numbers<[1], [0], [0], [1], [0, 0, 1, 1], [], []>, transpose_lhs_hint = false} : vector<10000x128xf32>, vector<128x128xf32>, vector<10000x128xf32> -> vector<10000x128xf32>
    %add3A_30 = vector.broadcast %get3A_16 : vector<1x128xf32> to vector<10000x128xf32>
    %add3A_31 = arith.addf %dot_general3A_29, %add3A_30 : vector<10000x128xf32>
    %max3A = arith.constant 0.000000e+00 : f32
    %max3A_32 = vector.broadcast %max3A : f32 to vector<10000x128xf32>
    %max3A_33 = arith.maximumf %add3A_31, %max3A_32 : vector<10000x128xf32>
    %dot_general3A_34 = arith.constant dense<0.000000e+00> : vector<10000x128xf32>
    %dot_general3A_35 = tpu.matmul %max3A_33, %get3A_19, %dot_general3A_34 {dimension_numbers = #tpu.dot_dimension_numbers<[1], [0], [0], [1], [0, 0, 1, 1], [], []>, transpose_lhs_hint = false} : vector<10000x128xf32>, vector<128x128xf32>, vector<10000x128xf32> -> vector<10000x128xf32>
    %add3A_36 = vector.broadcast %get3A_22 : vector<1x128xf32> to vector<10000x128xf32>
    %add3A_37 = arith.addf %dot_general3A_35, %add3A_36 : vector<10000x128xf32>
    %max3A_38 = arith.constant 0.000000e+00 : f32
    %max3A_39 = vector.broadcast %max3A_38 : f32 to vector<10000x128xf32>
    %max3A_40 = arith.maximumf %add3A_37, %max3A_39 : vector<10000x128xf32>
    %reduce_sum3A = arith.constant dense<0.000000e+00> : vector<128xf32>
    %reduce_sum3A_41 = vector.multi_reduction <add>, %max3A_40, %reduce_sum3A [0] : vector<10000x128xf32> to vector<128xf32>
    %broadcast_in_dim3A = vector.shape_cast %reduce_sum3A_41 : vector<128xf32> to vector<1x128xf32>
    %div3A = arith.constant 1.000000e+04 : f32
    %div3A_42 = vector.broadcast %div3A : f32 to vector<1x128xf32>
    %div3A_43 = arith.divf %broadcast_in_dim3A, %div3A_42 : vector<1x128xf32>
    %sub3A = vector.broadcast %div3A_43 : vector<1x128xf32> to vector<10000x128xf32>
    %sub3A_44 = arith.subf %max3A_40, %sub3A : vector<10000x128xf32>
    %reduce_sum3A_45 = arith.constant dense<0.000000e+00> : vector<128xf32>
    %reduce_sum3A_46 = vector.multi_reduction <add>, %sub3A_44, %reduce_sum3A_45 [0] : vector<10000x128xf32> to vector<128xf32>
    %broadcast_in_dim3A_47 = vector.shape_cast %reduce_sum3A_46 : vector<128xf32> to vector<1x128xf32>
    %div3A_48 = arith.constant 1.000000e+04 : f32
    %div3A_49 = vector.broadcast %div3A_48 : f32 to vector<1x128xf32>
    %div3A_50 = arith.divf %broadcast_in_dim3A_47, %div3A_49 : vector<1x128xf32>
    %add3A_51 = arith.addf %div3A_43, %div3A_50 : vector<1x128xf32>
    %sub3A_52 = vector.broadcast %add3A_51 : vector<1x128xf32> to vector<10000x128xf32>
    %sub3A_53 = arith.subf %max3A_40, %sub3A_52 : vector<10000x128xf32>
    %mul3A_54 = arith.mulf %sub3A_53, %sub3A_53 : vector<10000x128xf32>
    %reduce_sum3A_55 = arith.constant dense<0.000000e+00> : vector<128xf32>
    %reduce_sum3A_56 = vector.multi_reduction <add>, %mul3A_54, %reduce_sum3A_55 [0] : vector<10000x128xf32> to vector<128xf32>
    %broadcast_in_dim3A_57 = vector.shape_cast %reduce_sum3A_56 : vector<128xf32> to vector<1x128xf32>
    %div3A_58 = arith.constant 1.000000e+04 : f32
    %div3A_59 = vector.broadcast %div3A_58 : f32 to vector<1x128xf32>
    %div3A_60 = arith.divf %broadcast_in_dim3A_57, %div3A_59 : vector<1x128xf32>
    %add3A_61 = arith.constant 9.99999974E-6 : f32
    %add3A_62 = vector.broadcast %add3A_61 : f32 to vector<1x128xf32>
    %add3A_63 = arith.addf %div3A_60, %add3A_62 : vector<1x128xf32>
    %sqrt3A = math.sqrt %add3A_63 : vector<1x128xf32>
    %div3A_64 = vector.broadcast %sqrt3A : vector<1x128xf32> to vector<10000x128xf32>
    %div3A_65 = arith.divf %sub3A_53, %div3A_64 : vector<10000x128xf32>
    %mul3A_66 = vector.broadcast %get3A_25 : vector<1x128xf32> to vector<10000x128xf32>
    %mul3A_67 = arith.mulf %div3A_65, %mul3A_66 : vector<10000x128xf32>
    %add3A_68 = vector.broadcast %get3A_28 : vector<1x128xf32> to vector<10000x128xf32>
    %add3A_69 = arith.addf %mul3A_67, %add3A_68 : vector<10000x128xf32>
    %max3A_70 = arith.constant 0.000000e+00 : f32
    %max3A_71 = vector.broadcast %max3A_70 : f32 to vector<10000x128xf32>
    %max3A_72 = arith.maximumf %add3A_69, %max3A_71 : vector<10000x128xf32>
    %swap3A = arith.constant 0 : index
    %swap3A_73 = arith.constant 0 : index
    %swap3A_74 = vector.load %arg9[%swap3A, %swap3A_73] : memref<10000x128xf32, #tpu.memory_space<vmem>>, vector<10000x128xf32>
    tpu.vector_store %arg9[%swap3A, %swap3A_73], %max3A_72 {strides = array<i32>} : memref<10000x128xf32, #tpu.memory_space<vmem>>, vector<10000x128xf32>,
    return
  }
}

</mosaic_0001>

<sc_bundles>
// kernel: kernel.12.cloned.1.call-start
scs
__scs_entry_jumppad:
0x0: {  	(pc) =	sbr.rel $0x88, $3  }
0x1: {  	(tag) =	ssettag $0x0;
	lr =	simm.s32 $0x1  }
0x2: {  	[smem:$0x3F88] =	sst lr;
	_ =	strace $0xD0000000  }
0x3: {  	_ = 	snop  }
0x4: {  	_ = 	snop  }
0x5: {  	_ = 	snop  }
0x6: {  	_ = 	snop  }
0x7: {  	_ = 	snop  }
__scs_overlays_trampoline_lowered:
0x8: {  	[smem:$0x3F97] =	sst s0  }
0x9: {  	[smem:$0x3F98] =	sst s1  }
0xa: {  	[smem:$0x3F99] =	sst s2  }
0xb: {  	[smem:$0x3F9A] =	sst s3  }
0xc: {  	[smem:$0x3F9B] =	sst s4  }
0xd: {  	[smem:$0x3F9C] =	sst s5  }
0xe: {  	[smem:$0x3F9D] =	sst s6  }
0xf: {  	[smem:$0x3F9E] =	sst s7  }
0x10: {  	[smem:$0x3F9F] =	sst s8  }
0x11: {  	[smem:$0x3FA0] =	sst s9;
	s0 =	simm.s32 @!p0 $0x0  }
0x12: {  	s1 =	sld [smem:$0x3F86];
	s0 =	simm.s32 @p0 $0x1  }
0x13: {  	[smem:$0x3FA1] =	sst s0;
	s0 =	simm.s32 @!p1 $0x0  }
0x14: {  	s2 =	sld [smem:$0x3F85];
	s0 =	simm.s32 @p1 $0x1  }
0x15: {  	[smem:$0x3FA2] =	sst s0;
	s0 =	simm.s32 @!p2 $0x0  }
0x16: {  	s3 =	sld [smem:$0x3FDB];
	s0 =	simm.s32 @p2 $0x1  }
0x17: {  	s4 =	simm.s32 $0x1BF5;
	[smem:$0x3FA4] =	sst s0  }
0x18: {  	s0 =	sld [smem:$0x3F87];
	_ =	swait.ge [sflag:s4], $0x0  }
0x19: {  	s7 =	sld [smem:$0x3F88]  }
0x1a: {  	s8 =	sadd.s32 $0xFFFFE003, lr  }
0x1b: {  	s9 =	sadd.s32 $0xFFFFFEF7, lr;
	s5 =	simm.s32 $0xFFFFFFFF;
	p2 =	slt.u32 s8, $0xFFFFF086  }
0x1c: {  	p1 =	slt.u32 s9, $0xF7A;
	s5 =	simm.s32 @!p2 $0x0  }
0x1d: {  	s5 =	simm.s32 @p1 $0x1;
	p0 =	seq.s32 s7, s2  }
0x1e: {  	s7 =	smul.u32 @!p0 $0xF7A, s2;
	p2 =	seq.s32 @!p0 s5, $0x0  }
0x1f: {  	s9 =	smul.u32 $0xF7A, s1;
	s8 =	simm.s32 @!p0 $0x1BF5;
	p2 =	por !p2, p0  }
0x20: {  	[sflag:s8] =	ssyncset.s32 @!p0 $0xFFFFF086;
	s6 =	sadd.s32 @!p0 s3, s7;
	s7 =	simm.s32 @!p0 $0x108  }
0x21: {  	s3 =	sadd.s32 s3, s9;
	s6 =	sadd.s32 @!p0 $0x88, s6;
	s7 =	simm.s32 @p2 $0x1082  }
0x22: {  	[simem:s7], [sflag:s8] =	dma.local @!p0 [hbm:s6], $0xF7A  }
0x23: {  	s9 =	sor.u32 $0xD0000000, s2;
	s6 =	simm.s32 $0x108;
	_ =	swait.ge @!p0 [sflag:s8], $0x0  }
0x24: {  	s3 =	sadd.s32 $0x88, s3;
	s6 =	simm.s32 @!p1 $0x1082;
	[sflag:s4] =	ssyncset.s32 $0xFFFFF086  }
0x25: {  	[simem:s6], [sflag:s4] =	dma.local [hbm:s3], $0xF7A  }
0x26: {  	[smem:$0x3F88] =	sst s1;
	(tag) =	ssettag s2;
	_ =	strace s9  }
0x27: {  	s1 =	sld [smem:$0x3F98]  }
0x28: {  	s2 =	sld [smem:$0x3F99]  }
0x29: {  	s4 =	sld [smem:$0x3F9B]  }
0x2a: {  	p0 =	seq.s32 s5, $0x0;
	s5 =	sld [smem:$0x3F9C]  }
0x2b: {  	s6 =	sld [smem:$0x3F9D]  }
0x2c: {  	s7 =	sld [smem:$0x3F9E]  }
0x2d: {  	s3 =	simm.s32 $0x108;
	s8 =	sld [smem:$0x3F9F]  }
0x2e: {  	s3 =	simm.s32 @!p0 $0x1082;
	s9 =	sld [smem:$0x3FA0]  }
0x2f: {  	lr =	sadd.s32 s0, s3;
	s0 =	sld [smem:$0x3F97]  }
0x30: {  	s3 =	sld [smem:$0x3F9A]  }
0x31: {  	[smem:$0x3FA3] =	sst s10  }
0x32: {  	s10 =	sld [smem:$0x3FA1];
	_ =	sdelay $0x3  }
0x33: {  	p0 =	seq.s32 s10, $0x1;
	s10 =	sld [smem:$0x3FA3];
	_ =	sdelay $0x3  }
0x34: {  	[smem:$0x3FA3] =	sst s10  }
0x35: {  	s10 =	sld [smem:$0x3FA2];
	_ =	sdelay $0x3  }
0x36: {  	p1 =	seq.s32 s10, $0x1;
	s10 =	sld [smem:$0x3FA3];
	_ =	sdelay $0x3  }
0x37: {  	[smem:$0x3FA3] =	sst s10  }
0x38: {  	s10 =	sld [smem:$0x3FA4]  }
0x39: {  	_ = 	snop;
	(pc) =	sbr.ind lr, $3  }
0x3a: {  	_ = 	snop  }
0x3b: {  	_ = 	snop  }
0x3c: {  	p2 =	seq.s32 s10, $0x1;
	s10 =	sld [smem:$0x3FA3]  }
0x3d: {  	_ =	shalt  }
0x3e: {  	_ =	shalt  }
0x3f: {  	_ =	shalt  }
0x40: {  	_ =	shalt  }
0x41: {  	_ =	shalt  }
0x42: {  	_ =	shalt  }
0x43: {  	_ =	shalt  }
0x44: {  	_ =	shalt  }
0x45: {  	_ =	shalt  }
0x46: {  	_ =	shalt  }
0x47: {  	_ =	shalt  }
0x48: {  	_ =	shalt  }
0x49: {  	_ =	shalt  }
0x4a: {  	_ =	shalt  }
0x4b: {  	_ =	shalt  }
0x4c: {  	_ =	shalt  }
0x4d: {  	_ =	shalt  }
0x4e: {  	_ =	shalt  }
0x4f: {  	_ =	shalt  }
0x50: {  	_ =	shalt  }
0x51: {  	_ =	shalt  }
0x52: {  	_ =	shalt  }
0x53: {  	_ =	shalt  }
0x54: {  	_ =	shalt  }
0x55: {  	_ =	shalt  }
0x56: {  	_ =	shalt  }
0x57: {  	_ =	shalt  }
0x58: {  	_ =	shalt  }
0x59: {  	_ =	shalt  }
0x5a: {  	_ =	shalt  }
0x5b: {  	_ =	shalt  }
0x5c: {  	_ =	shalt  }
0x5d: {  	_ =	shalt  }
0x5e: {  	_ =	shalt  }
0x5f: {  	_ =	shalt  }
0x60: {  	_ =	shalt  }
0x61: {  	_ =	shalt  }
0x62: {  	_ =	shalt  }
0x63: {  	_ =	shalt  }
0x64: {  	_ =	shalt  }
0x65: {  	_ =	shalt  }
0x66: {  	_ =	shalt  }
0x67: {  	_ =	shalt  }
0x68: {  	_ =	shalt  }
0x69: {  	_ =	shalt  }
0x6a: {  	_ =	shalt  }
0x6b: {  	_ =	shalt  }
0x6c: {  	_ =	shalt  }
0x6d: {  	_ =	shalt  }
0x6e: {  	_ =	shalt  }
0x6f: {  	_ =	shalt  }
0x70: {  	_ =	shalt  }
0x71: {  	_ =	shalt  }
0x72: {  	_ =	shalt  }
0x73: {  	_ =	shalt  }
0x74: {  	_ =	shalt  }
0x75: {  	_ =	shalt  }
0x76: {  	_ =	shalt  }
0x77: {  	_ =	shalt  }
0x78: {  	_ =	shalt  }
0x79: {  	_ =	shalt  }
0x7a: {  	_ =	shalt  }
0x7b: {  	_ =	shalt  }
0x7c: {  	_ =	shalt  }
0x7d: {  	_ =	shalt  }
0x7e: {  	_ =	shalt  }
0x7f: {  	_ =	shalt  }
0x80: {  	_ =	shalt  }
0x81: {  	_ =	shalt  }
0x82: {  	_ =	shalt  }
0x83: {  	_ =	shalt  }
0x84: {  	_ =	shalt  }
0x85: {  	_ =	shalt  }
0x86: {  	_ =	shalt  }
0x87: {  	_ =	shalt  }
.Lfunc_end0:
.L_simem_size_0:
called_computation.1_lowered:
.L_overlay_start_0:
0x88: {  	s2 =	sld [smem:$0x3FD9]  }
0x89: {  	s3 =	sld [smem:$0x3FFE];
	_ =	sdelay $0x1  }
0x8a: {  	s1 =	srdreg.scid  }
0x8b: {  	s0 =	sand.u32 $0x1, s1  }
0x8c: {  	s17 =	sshll.u32 s0, $0xA;
	s2 =	sadd.s32 s3, s2  }
0x8d: {  	s2 =	sadd.s32 s2, s17  }
0x8e: {  	[smem:$0x3FAF] =	sst s2  }
0x8f: {  	_ = 	snop  }
0x90: {  	s2 =	sld [smem:$0x3FC9]  }
0x91: {  	s18 =	sld [smem:$0x3FD0];
	(tm) =	ssettm $0x1  }
0x92: {  	s4 =	sld [smem:$0x3FFB];
	_ =	sdelay $0x3  }
0x93: {  	_ =	strace s4  }
0x94: {  	s4 =	sld [smem:$0x3FFC];
	_ =	sdelay $0x3  }
0x95: {  	_ =	strace s4  }
0x96: {  	s4 =	sld [smem:$0x3FFD];
	_ =	sdelay $0x3  }
0x97: {  	_ =	strace s4  }
0x98: {  	_ =	strace $0x8FFFFFFF  }
0x99: {  	s19 =	sld [smem:$0x3FDB];
	_ =	sdelay $0x1  }
0x9a: {  	s5 =	simm.s32 $_scs_section_size  }
0x9b: {  	s6 =	simm.s32 $_size__tile_overlayer_lowered;
	s7 =	simm.s32 $_tile_overlayer_lowered  }
0x9c: {  	s22 =	simm.s32 $0x1BFF;
	s21 =	sshll.u32 s7, $0x1;
	s4 =	sadd.s32 s5, s19  }
0x9d: {  	s8 =	simm.s32 $0x0;
	s20 =	sshll.u32 s6, $0x1;
	s6 =	sadd.s32 s21, s4  }
0x9e: {  	[timem:s8], [sflag:s22] =	dma.local [hbm:s6], s20  }
0x9f: {  	_ =	swait.ge [sflag:s22], s20  }
0xa0: {  	s5 =	ssub.s32 $0x0, s20;
	[sflag:s22] =	ssyncset.done $0x0  }
0xa1: {  	[sflag:s22] =	ssyncadd.s32 s5;
	_ =	sdelay $0x1  }
0xa2: {  	s23 =	simm.s32 $0x1B8B  }
0xa3: {  	_ =	swait.ge [sflag:s23], $0x1  }
0xa4: {  	[sflag:s23] =	ssyncset.done $0x0  }
0xa5: {  	s25 =	simm.s32 $0x1B8E;
	s24 =	sld [smem:$0x3FFE];
	[sflag:s23] =	ssyncadd.s32 $0xFFFFFFFF  }
0xa6: {  	s26 =	simm.s32 $execute0_lowered;
	[smem:$0x3FD2] =	sst s25  }
0xa7: {  	s6 =	sshll.u32 s26, $0x1;
	_ =	strace $0x80000049;
	[dreg:$0x1] =	wrdreg $0xFFFFFFFF  }
0xa8: {  	s28 =	simm.s32 $_size_execute0_lowered;
	s4 =	sadd.s32 s4, s6;
	[dreg:$0x0] =	wrdreg $0x0  }
0xa9: {  	s6 =	sshll.u32 s28, $0x1;
	[dreg:$0x2] =	wrdreg s4  }
0xaa: {  	[dreg:$0x3] =	wrdreg s6  }
0xab: {  	[dreg:$0x4] =	wrdreg $0xC0  }
0xac: {  	_ =	task [dreg:s8], $0x5FFFF  }
0xad: {  	[dreg:$0x1] =	wrdreg $0xFFFFFFFF  }
0xae: {  	[dreg:$0x0] =	wrdreg $0x60  }
0xaf: {  	[dreg:$0x2] =	wrdreg s2  }
0xb0: {  	[dreg:$0x3] =	wrdreg s24  }
0xb1: {  	[dreg:$0x4] =	wrdreg s18  }
0xb2: {  	[dreg:$0x5] =	wrdreg $0x2A000  }
0xb3: {  	[dreg:$0x6] =	wrdreg $0x9  }
0xb4: {  	_ =	task.clear_ibuf [dreg:s8], $0x7FFFF;
	_ =	strace $0x90000049  }
0xb5: {  	s29 =	simm.s32 $0x9;
	_ =	strace $0x8000004B  }
0xb6: {  	_ =	swait.ge [sflag:s29], $0x1  }
0xb7: {  	[sflag:s29] =	ssyncadd.s32 $0xFFFFFFFF  }
0xb8: {  	_ =	strace $0x9000004B  }
0xb9: {  	_ =	sfence  }
0xba: {  	s30 =	sld [smem:$0x0];
	_ =	sdelay $0x2  }
0xbb: {  	s31 =	sshll.u32 s1, $0xD;
	s1 =	sshrl.u32 s1, $0x2  }
0xbc: {  	s3 =	sand.u32 $0x4000, s31;
	s1 =	sadd.s32 s1, s30  }
0xbd: {  	s0 =	sor.u32 s3, s0;
	s1 =	sshll.u32 s1, $0x11  }
0xbe: {  	s0 =	sor.u32 s1, s0  }
0xbf: {  	s0 =	sadd.s32 $0x8F2B, s0  }
0xc0: {  	[sflag:s0] =	ssyncadd.remote.s32 $0x1  }
0xc1: {  	_ =	sfence.sel $0xFFFF  }
0xc2: {  	[dreg:$0x0] =	wrdreg $0xFFFFFFFF;
	(pc) =	sbr.abs _section_cstart, $3  }
0xc3: {  	[dreg:$0x1] =	wrdreg $0xFFFFFFFF  }
0xc4: {  	_ =	task.clear_ibuf [dreg:s8], $0x2FFFF;
	_ =	strace $0x9FFFFFFF  }
0xc5: {  	(tm) =	ssettm $0x7FFFFFFF  }
tec
execute0_lowered:
.L_overlay_start_1:
0x0: {  	(tag) =	ssettag $0x1  }
0x1: {  	s1 =	rddreg [dreg:$0x0]  }
0x2: {  	s6 =	rddreg [dreg:$0x1]  }
0x3: {  	s11 =	rddreg [dreg:$0x2]  }
0x4: {  	s2 =	rddreg [dreg:$0x3]  }
0x5: {  	s0 =	rddreg [dreg:$0x4];
	s4 =	simm.s32 $0x0  }
0x6: {  	s5 =	srdreg.scid;
	s3 =	stileid.u32;
	s19 =	simm.s32 $0x50  }
0x7: {  	s20 =	simm.s32 $0x80;
	s21 =	simm.s32 $0x180;
	s22 =	simm.s32 $0x1  }
0x8: {  	s23 =	simm.s32 $0x100;
	s24 =	simm.s32 $0x0;
	[smem:$0x7FF] =	sst s4  }
0x9: {  	s12 =	sand.u32 $0x1, s5;
	s5 =	sadd.s32 $0xE800, s6;
	s7 =	sshll.u32 s3, $0x4  }
0xa: {  	s18 =	smul.u32 $0x4E200, s3;
	_ =	strace $0x8000004A;
	s8 =	sshll.u32 s12, $0x4  }
0xb: {  	s7 =	sand.u32 $0x70, s7;
	s9 =	ssub.s32 $0x2, s12;
	s16 =	smul.u32 $0x4E2000, s12  }
0xc: {  	s17 =	sor.u32 s3, s8;
	s7 =	sadd.s32 s7, s6;
	s30 =	sshrl.u32 s9, $0x1  }
0xd: {  	s6 =	sadd.s32 $0x138800, s2;
	s8 =	sshll.u32 s17, $0x4;
	s31 =	smul.u32 $0x28000, s17  }
0xe: {  	s13 =	ssub.s32 s9, s30;
	s10 =	smul.u32 $0x1400, s17;
	p0 =	seq.s32 s17, $0x1F  }
0xf: {  	s16 =	sadd.s32 s18, s16;
	s18 =	simm.s32 $0x2;
	s8 =	sand.u32 $0x180, s8  }
.Ltmp0:
0x10: {  	s12 =	smax.u32 s13, $0x1;
	p1 =	seq.s32 @!p0 s17, $0x0;
	(pc) =	sbr.rel .LBB2_1-.Ltmp0, $4  }
0x11: {  	s17 =	simm.s32 $0x2980;
	s8 =	sadd.s32 s8, s7;
	s7 =	sadd.s32 $0x136000, s2  }
0x12: {  	s9 =	sshrl.u32 s31, $0x2;
	s10 =	sadd.s32 s11, s10;
	s11 =	sadd.s32 $0x26C00, s11  }
0x13: {  	p1 =	por !p1, p0;
	s8 =	sadd.s32 $0x147000, s8;
	s9 =	sadd.s32 s9, s2  }
0x14: {  	v0 =	vimm.f32 $0.0e+00;
	s13 =	sadd.s32 $0x2800, s9;
	s14 =	sadd.s32 $0x5000, s9;
	s15 =	sadd.s32 $0x7800, s9  }
.LBB2_6:
0x15: {  	[tilespmem:$0x90] =	vst v1  }
0x16: {  	[tilespmem:$0x80] =	vst v2  }
0x17: {  	[tilespmem:s21], [sflag:$0x1] =	stream.indirect.gather [hbm4b:s1+s19], $0x80, s20, s19, $0xb8;
	[tilespmem:$0x16300] =	vst v63  }
0x18: {  	_ =	swait.ge [sflag:s22], $0x2800  }
0x19: {  	[sflag:s22] =	ssyncset.done $0x0  }
0x1a: {  	[sflag:s22] =	ssyncadd.s32 $0xFFFFD800  }
0x1b: {  	[spmem:s2] =	stream.indirect.scatter.add.f32 [tilespmem:s21], [sflag:$0x2], $0x80, s23, s19, $0xb8;
	[tilespmem:$0x16300] =	vst v63  }
0x1c: {  	_ =	swait.ge [sflag:s18], $0x2800  }
0x1d: {  	[sflag:s18] =	ssyncset.done $0x0  }
0x1e: {  	[sflag:s18] =	ssyncadd.s32 $0xFFFFD800  }
.LBB2_7:
0x1f: {  	s28 =	sshll.u32 @p0 s3, $0x6  }
0x20: {  	[bflag:$0x0] =	sbarrier.arrive $0xFFFF;
	s29 =	sshrl.u32 @p0 s7, $0x3;
	s28 =	sor.u32 @p0 $0x1C02, s28  }
0x21: {  	[hbm:s11], [sflag:s28] =	dma.local @p0 [spmem:s29], $0x500  }
0x22: {  	_ =	swait.ge @p0 [sflag:s26], $0x500  }
0x23: {  	s24 =	sadd.s32 $0x1, s24;
	[sflag:s26] =	ssyncset.done @p0 $0x0  }
0x24: {  	p2 =	sne.s32 s24, s12;
	s28 =	sshll.u32 @!p0 s3, $0x6;
	[sflag:s26] =	ssyncadd.s32 @p0 $0xFFFFFB00  }
.Ltmp1:
0x25: {  	s26 =	sor.u32 @!p0 $0x1C02, s28;
	s28 =	sshrl.u32 @!p0 s9, $0x3;
	(pc) =	sbr.rel @!p2 .LBB2_8-.Ltmp1, $4  }
0x26: {  	[hbm:s10], [sflag:s26] =	dma.local @!p0 [spmem:s28], $0x1400  }
0x27: {  	_ =	swait.ge @!p0 [sflag:s25], $0x1400  }
0x28: {  	[sflag:s25] =	ssyncset.done @!p0 $0x0  }
0x29: {  	[sflag:s25] =	ssyncadd.s32 @!p0 $0xFFFFEC00  }
.LBB2_1:
0x2a: {  	s25 =	simm.s32 $0x70;
	s26 =	simm.s32 $0x3C0  }
.LBB2_2:
0x2b: {  	p2 =	sne.s32 s26, $0x9FC0;
	[tilespmem:s25+$0x180] =	vst v0  }
0x2c: {  	[tilespmem:s25+$0x110] =	vst v0  }
0x2d: {  	[tilespmem:s25+$0x120] =	vst v0  }
.Ltmp2:
0x2e: {  	[tilespmem:s25+$0x130] =	vst v0;
	(pc) =	sbr.rel @p2 .LBB2_2-.Ltmp2, $4  }
0x2f: {  	[tilespmem:s25+$0x140] =	vst v0  }
0x30: {  	[tilespmem:s25+$0x150] =	vst v0  }
0x31: {  	[tilespmem:s25+$0x160] =	vst v0  }
0x32: {  	[tilespmem:s25+$0x170] =	vst v0;
	s25 =	sshra.s32 s26, $0x2;
	s26 =	sadd.s32 $0x200, s26  }
0x33: {  	[tilespmem:s25+$0x180] =	vst v0  }
0x34: {  	[tilespmem:s25+$0x110] =	vst v0  }
0x35: {  	[tilespmem:s25+$0x120] =	vst v0  }
0x36: {  	[tilespmem:s25+$0x130] =	vst v0  }
0x37: {  	[tilespmem:s25+$0x140] =	vst v0  }
0x38: {  	[tilespmem:s25+$0x150] =	vst v0  }
0x39: {  	[tilespmem:s25+$0x160] =	vst v0  }
0x3a: {  	[tilespmem:s25+$0x170] =	vst v0;
	s25 =	simm.s32 @p0 $0x180;
	s26 =	simm.s32 @p0 $0x2  }
0x3b: {  	[spmem:s7] =	stream.linear.scatter @p0 [tilespmem:s25], [sflag:$0x2], $0x2800, $0x38;
	[tilespmem:$0x16300] =	vst v63  }
0x3c: {  	_ =	swait.ge @p0 [sflag:s26], $0x2800  }
0x3d: {  	[sflag:s26] =	ssyncset.done @p0 $0x0  }
0x3e: {  	s28 =	simm.s32 @!p0 $0x180;
	s25 =	simm.s32 @!p0 $0x2;
	[sflag:s26] =	ssyncadd.s32 @p0 $0xFFFFD800  }
0x3f: {  	[spmem:s9] =	stream.linear.scatter @!p0 [tilespmem:s28], [sflag:$0x2], $0x2800, $0x38;
	[tilespmem:$0x16300] =	vst v63  }
0x40: {  	_ =	swait.ge @!p0 [sflag:s25], $0x2800  }
0x41: {  	[sflag:s25] =	ssyncset.done @!p0 $0x0  }
0x42: {  	[sflag:s25] =	ssyncadd.s32 @!p0 $0xFFFFD800  }
0x43: {  	[spmem:s13] =	stream.linear.scatter @!p0 [tilespmem:s28], [sflag:$0x2], $0x2800, $0x38;
	[tilespmem:$0x16300] =	vst v63  }
0x44: {  	_ =	swait.ge @!p0 [sflag:s25], $0x2800  }
0x45: {  	[sflag:s25] =	ssyncset.done @!p0 $0x0  }
0x46: {  	[sflag:s25] =	ssyncadd.s32 @!p0 $0xFFFFD800  }
0x47: {  	[spmem:s14] =	stream.linear.scatter @!p0 [tilespmem:s28], [sflag:$0x2], $0x2800, $0x38;
	[tilespmem:$0x16300] =	vst v63  }
0x48: {  	_ =	swait.ge @!p0 [sflag:s25], $0x2800  }
0x49: {  	[sflag:s25] =	ssyncset.done @!p0 $0x0  }
0x4a: {  	[sflag:s25] =	ssyncadd.s32 @!p0 $0xFFFFD800  }
0x4b: {  	[spmem:s15] =	stream.linear.scatter @!p0 [tilespmem:s28], [sflag:$0x2], $0x2800, $0x38;
	[tilespmem:$0x16300] =	vst v63  }
0x4c: {  	_ =	swait.ge @!p0 [sflag:s25], $0x2800  }
0x4d: {  	[sflag:s25] =	ssyncset.done @!p0 $0x0  }
0x4e: {  	s28 =	simm.s32 @!p1 $0x180;
	[sflag:s25] =	ssyncadd.s32 @!p0 $0xFFFFD800  }
0x4f: {  	[spmem:s6] =	stream.linear.scatter @!p1 [tilespmem:s28], [sflag:$0x2], $0x800, $0x38;
	[tilespmem:$0x16300] =	vst v63  }
0x50: {  	s28 =	simm.s32 @!p1 $0x2  }
0x51: {  	_ =	swait.ge @!p1 [sflag:s28], $0x800  }
0x52: {  	[sflag:s28] =	ssyncset.done @!p1 $0x0  }
0x53: {  	[sflag:s28] =	ssyncadd.s32 @!p1 $0xFFFFF800  }
0x54: {  	[bflag:$0x0] =	sbarrier.arrive $0xFFFF  }
0x55: {  	[tilespmem:s17], [sflag:$0x2] =	stream.linear.gather [hbm4b:s8+s4], $0x80, $0x38;
	[tilespmem:$0x16300] =	vst v63  }
0x56: {  	_ =	swait.ge [sflag:s18], $0x80  }
0x57: {  	[sflag:s18] =	ssyncset.done $0x0  }
0x58: {  	[sflag:s18] =	ssyncadd.s32 $0xFFFFFF80  }
0x59: {  	v1 =	vld [tilespmem:$0x2980];
	_ =	sdelay $0x4  }
0x5a: {  	(v2sf) =	vpush v1, $0x0;
	_ =	sdelay $0xe  }
0x5b: {  	s28 =	spop (v2sf)  }
0x5c: {  	s28 =	smul.u32 $0x14, s28;
	_ =	sdelay $0x1  }
0x5d: {  	p2 =	slt.s32 s28, $0x1  }
.Ltmp3:
0x5e: {  	_ = 	snop;
	(pc) =	sbr.rel @p2 .LBB2_7-.Ltmp3, $1  }
0x5f: {  	_ =	sdelay $0x3  }
0x60: {  	s29 =	sshrl.u32 s16, $0x3  }
0x61: {  	s29 =	sadd.s32 s5, s29  }
0x62: {  	[tilespmem:s4], [sflag:$0x2] =	stream.linear.gather [hbm4b:s29+s4], $0x50, $0x38;
	[tilespmem:$0x16300] =	vst v63  }
0x63: {  	_ =	swait.ge [sflag:s18], $0x50  }
0x64: {  	[sflag:s18] =	ssyncset.done $0x0  }
0x65: {  	[sflag:s18] =	ssyncadd.s32 $0xFFFFFFB0  }
0x66: {  	v1 =	vld [tilespmem:$0x40];
	_ =	sdelay $0x1  }
0x67: {  	v2 =	vld [tilespmem:$0x30];
	_ =	sdelay $0x1  }
0x68: {  	v3 =	vld [tilespmem:$0x20]  }
0x69: {  	v5 =	vld [tilespmem:$0x0];
	v4 =	vshrl.u32 v1, $0xE  }
0x6a: {  	v1 =	vand.u32 $0x3FFF, v1;
	[tilespmem:$0xC0] =	vst v4  }
0x6b: {  	v63 =	vld [tilespmem:$0x10];
	v6 =	vshrl.u32 v2, $0xE;
	[tilespmem:$0x140] =	vst v1  }
0x6c: {  	p2 =	sne.s32 s28, $0x1;
	v2 =	vand.u32 $0x3FFF, v2;
	[tilespmem:$0xB0] =	vst v6  }
.Ltmp4:
0x6d: {  	v1 =	vshrl.u32 v3, $0xE;
	[tilespmem:$0x130] =	vst v2;
	(pc) =	sbr.rel @!p2 .LBB2_6-.Ltmp4, $4  }
0x6e: {  	v2 =	vand.u32 $0x3FFF, v5;
	[tilespmem:$0xA0] =	vst v1  }
0x6f: {  	v1 =	vand.u32 $0x3FFF, v3;
	[tilespmem:$0x100] =	vst v2  }
0x70: {  	v3 =	vand.u32 $0x3FFF, v63;
	[tilespmem:$0x120] =	vst v1  }
0x71: {  	s28 =	sadd.s32 $0xFFFFFFFF, s28;
	s29 =	smov.u32 s16;
	v2 =	vshrl.u32 v5, $0xE;
	v1 =	vshrl.u32 v63, $0xE;
	[tilespmem:$0x110] =	vst v3  }
.LBB2_5:
0x72: {  	p2 =	sne.s32 s28, $0x1;
	s28 =	sadd.s32 $0xFFFFFFFF, s28;
	[tilespmem:$0x90] =	vst v1;
	s29 =	sadd.s32 $0x50, s29  }
0x73: {  	[tilespmem:$0x80] =	vst v2  }
0x74: {  	[tilespmem:s21], [sflag:$0x1] =	stream.indirect.gather [hbm4b:s1+s19], $0x80, s20, s19, $0xb8;
	[tilespmem:$0x16300] =	vst v63  }
0x75: {  	_ =	swait.ge [sflag:s22], $0x2800  }
0x76: {  	[sflag:s22] =	ssyncset.done $0x0  }
0x77: {  	[sflag:s22] =	ssyncadd.s32 $0xFFFFD800  }
0x78: {  	[spmem:s2] =	stream.indirect.scatter.add.f32 [tilespmem:s21], [sflag:$0x2], $0x80, s23, s19, $0xb8;
	[tilespmem:$0x16300] =	vst v63  }
0x79: {  	_ =	swait.ge [sflag:s18], $0x2800  }
0x7a: {  	s30 =	sshrl.u32 s29, $0x3;
	[sflag:s18] =	ssyncset.done $0x0  }
0x7b: {  	s30 =	sadd.s32 s5, s30;
	[sflag:s18] =	ssyncadd.s32 $0xFFFFD800  }
0x7c: {  	[tilespmem:s4], [sflag:$0x2] =	stream.linear.gather [hbm4b:s30+s4], $0x50, $0x38;
	[tilespmem:$0x16300] =	vst v63  }
0x7d: {  	_ =	swait.ge [sflag:s18], $0x50  }
0x7e: {  	[sflag:s18] =	ssyncset.done $0x0  }
0x7f: {  	[sflag:s18] =	ssyncadd.s32 $0xFFFFFFB0  }
0x80: {  	v1 =	vld [tilespmem:$0x40]  }
0x81: {  	v2 =	vld [tilespmem:$0x30]  }
0x82: {  	v3 =	vld [tilespmem:$0x10]  }
0x83: {  	v4 =	vld [tilespmem:$0x20]  }
0x84: {  	v5 =	vld [tilespmem:$0x0]  }
0x85: {  	v6 =	vshrl.u32 v1, $0xE;
	v1 =	vand.u32 $0x3FFF, v1  }
0x86: {  	v7 =	vshrl.u32 v2, $0xE;
	v8 =	vand.u32 $0x3FFF, v2;
	[tilespmem:$0xC0] =	vst v6  }
0x87: {  	[tilespmem:$0x140] =	vst v1  }
0x88: {  	v1 =	vshrl.u32 v3, $0xE;
	v3 =	vand.u32 $0x3FFF, v3;
	v6 =	vshrl.u32 v4, $0xE;
	[tilespmem:$0xB0] =	vst v7  }
.Ltmp5:
0x89: {  	v4 =	vand.u32 $0x3FFF, v4;
	v2 =	vshrl.u32 v5, $0xE;
	v5 =	vand.u32 $0x3FFF, v5;
	[tilespmem:$0xA0] =	vst v6;
	(pc) =	sbr.rel @p2 .LBB2_5-.Ltmp5, $4  }
0x8a: {  	[tilespmem:$0x130] =	vst v8  }
0x8b: {  	[tilespmem:$0x120] =	vst v4  }
0x8c: {  	[tilespmem:$0x100] =	vst v5  }
0x8d: {  	[tilespmem:$0x110] =	vst v3  }
.Ltmp6:
0x8e: {  	_ = 	snop;
	(pc) =	sbr.rel .LBB2_6-.Ltmp6, $1  }
0x8f: {  	_ =	sdelay $0x3  }
.LBB2_8:
0x90: {  	_ =	sfence.sel $0x180000  }
0x91: {  	[bflag:$0x0] =	sbarrier.arrive $0xFFFF  }
0x92: {  	p0 =	sne.s32 s3, $0x0;
	_ =	strace $0x9000004A  }
0x93: {  	s0 =	sadd.s32 @!p0 $0x100000, s0;
	[bflag:$0x2] =	sbarrier.arrive $0xFFFF  }
0x94: {  	[sflag:s0] =	ssyncadd.tile.s32 @!p0 $0x1;
	_ =	shalt  }
.Lfunc_end2:
_tile_overlayer_lowered:
.L_overlay_start_2:
0x95: {  	(tag) =	ssettag $0x2  }
0x96: {  	s0 =	rddreg [dreg:$0x0];
	s2 =	stileid.u32  }
0x97: {  	s1 =	rddreg [dreg:$0x1];
	p0 =	sne.s32 s2, $0x0  }
0x98: {  	s3 =	rddreg [dreg:$0x2];
	[bflag:$0x3] =	sbarrier.arrive $0xFFFF;
	s2 =	simm.s32 @!p0 $0x1C02  }
0x99: {  	[timem:s3], [sflag:s2] =	dma.local @!p0 [hbm:s0], s1  }
0x9a: {  	s0 =	simm.s32 @!p0 $0x2  }
0x9b: {  	_ =	swait.ge @!p0 [sflag:s0], s1  }
0x9c: {  	s1 =	ssub.s32 @!p0 $0x0, s1;
	[sflag:s0] =	ssyncset.done @!p0 $0x0  }
0x9d: {  	[sflag:s0] =	ssyncadd.s32 @!p0 s1  }
0x9e: {  	[bflag:$0x3] =	sbarrier.arrive $0xFFFF  }
0x9f: {  	_ =	shalt  }

// kernel: kernel.15.cloned.1.call-start
scs
__scs_entry_jumppad:
0x0: {  	(pc) =	sbr.rel $0x88, $3  }
0x1: {  	(tag) =	ssettag $0x0;
	lr =	simm.s32 $0x1  }
0x2: {  	[smem:$0x3F88] =	sst lr;
	_ =	strace $0xD0000000  }
0x3: {  	_ = 	snop  }
0x4: {  	_ = 	snop  }
0x5: {  	_ = 	snop  }
0x6: {  	_ = 	snop  }
0x7: {  	_ = 	snop  }
__scs_overlays_trampoline_lowered:
0x8: {  	[smem:$0x3F97] =	sst s0  }
0x9: {  	[smem:$0x3F98] =	sst s1  }
0xa: {  	[smem:$0x3F99] =	sst s2  }
0xb: {  	[smem:$0x3F9A] =	sst s3  }
0xc: {  	[smem:$0x3F9B] =	sst s4  }
0xd: {  	[smem:$0x3F9C] =	sst s5  }
0xe: {  	[smem:$0x3F9D] =	sst s6  }
0xf: {  	[smem:$0x3F9E] =	sst s7  }
0x10: {  	[smem:$0x3F9F] =	sst s8  }
0x11: {  	[smem:$0x3FA0] =	sst s9;
	s0 =	simm.s32 @!p0 $0x0  }
0x12: {  	s1 =	sld [smem:$0x3F86];
	s0 =	simm.s32 @p0 $0x1  }
0x13: {  	[smem:$0x3FA1] =	sst s0;
	s0 =	simm.s32 @!p1 $0x0  }
0x14: {  	s2 =	sld [smem:$0x3F85];
	s0 =	simm.s32 @p1 $0x1  }
0x15: {  	[smem:$0x3FA2] =	sst s0;
	s0 =	simm.s32 @!p2 $0x0  }
0x16: {  	s3 =	sld [smem:$0x3FDB];
	s0 =	simm.s32 @p2 $0x1  }
0x17: {  	s4 =	simm.s32 $0x1BF5;
	[smem:$0x3FA4] =	sst s0  }
0x18: {  	s0 =	sld [smem:$0x3F87];
	_ =	swait.ge [sflag:s4], $0x0  }
0x19: {  	s7 =	sld [smem:$0x3F88]  }
0x1a: {  	s8 =	sadd.s32 $0xFFFFE003, lr  }
0x1b: {  	s9 =	sadd.s32 $0xFFFFFEF7, lr;
	s5 =	simm.s32 $0xFFFFFFFF;
	p2 =	slt.u32 s8, $0xFFFFF086  }
0x1c: {  	p1 =	slt.u32 s9, $0xF7A;
	s5 =	simm.s32 @!p2 $0x0  }
0x1d: {  	s5 =	simm.s32 @p1 $0x1;
	p0 =	seq.s32 s7, s2  }
0x1e: {  	s7 =	smul.u32 @!p0 $0xF7A, s2;
	p2 =	seq.s32 @!p0 s5, $0x0  }
0x1f: {  	s9 =	smul.u32 $0xF7A, s1;
	s8 =	simm.s32 @!p0 $0x1BF5;
	p2 =	por !p2, p0  }
0x20: {  	[sflag:s8] =	ssyncset.s32 @!p0 $0xFFFFF086;
	s6 =	sadd.s32 @!p0 s3, s7;
	s7 =	simm.s32 @!p0 $0x108  }
0x21: {  	s3 =	sadd.s32 s3, s9;
	s6 =	sadd.s32 @!p0 $0x88, s6;
	s7 =	simm.s32 @p2 $0x1082  }
0x22: {  	[simem:s7], [sflag:s8] =	dma.local @!p0 [hbm:s6], $0xF7A  }
0x23: {  	s9 =	sor.u32 $0xD0000000, s2;
	s6 =	simm.s32 $0x108;
	_ =	swait.ge @!p0 [sflag:s8], $0x0  }
0x24: {  	s3 =	sadd.s32 $0x88, s3;
	s6 =	simm.s32 @!p1 $0x1082;
	[sflag:s4] =	ssyncset.s32 $0xFFFFF086  }
0x25: {  	[simem:s6], [sflag:s4] =	dma.local [hbm:s3], $0xF7A  }
0x26: {  	[smem:$0x3F88] =	sst s1;
	(tag) =	ssettag s2;
	_ =	strace s9  }
0x27: {  	s1 =	sld [smem:$0x3F98]  }
0x28: {  	s2 =	sld [smem:$0x3F99]  }
0x29: {  	s4 =	sld [smem:$0x3F9B]  }
0x2a: {  	p0 =	seq.s32 s5, $0x0;
	s5 =	sld [smem:$0x3F9C]  }
0x2b: {  	s6 =	sld [smem:$0x3F9D]  }
0x2c: {  	s7 =	sld [smem:$0x3F9E]  }
0x2d: {  	s3 =	simm.s32 $0x108;
	s8 =	sld [smem:$0x3F9F]  }
0x2e: {  	s3 =	simm.s32 @!p0 $0x1082;
	s9 =	sld [smem:$0x3FA0]  }
0x2f: {  	lr =	sadd.s32 s0, s3;
	s0 =	sld [smem:$0x3F97]  }
0x30: {  	s3 =	sld [smem:$0x3F9A]  }
0x31: {  	[smem:$0x3FA3] =	sst s10  }
0x32: {  	s10 =	sld [smem:$0x3FA1];
	_ =	sdelay $0x3  }
0x33: {  	p0 =	seq.s32 s10, $0x1;
	s10 =	sld [smem:$0x3FA3];
	_ =	sdelay $0x3  }
0x34: {  	[smem:$0x3FA3] =	sst s10  }
0x35: {  	s10 =	sld [smem:$0x3FA2];
	_ =	sdelay $0x3  }
0x36: {  	p1 =	seq.s32 s10, $0x1;
	s10 =	sld [smem:$0x3FA3];
	_ =	sdelay $0x3  }
0x37: {  	[smem:$0x3FA3] =	sst s10  }
0x38: {  	s10 =	sld [smem:$0x3FA4]  }
0x39: {  	_ = 	snop;
	(pc) =	sbr.ind lr, $3  }
0x3a: {  	_ = 	snop  }
0x3b: {  	_ = 	snop  }
0x3c: {  	p2 =	seq.s32 s10, $0x1;
	s10 =	sld [smem:$0x3FA3]  }
0x3d: {  	_ =	shalt  }
0x3e: {  	_ =	shalt  }
0x3f: {  	_ =	shalt  }
0x40: {  	_ =	shalt  }
0x41: {  	_ =	shalt  }
0x42: {  	_ =	shalt  }
0x43: {  	_ =	shalt  }
0x44: {  	_ =	shalt  }
0x45: {  	_ =	shalt  }
0x46: {  	_ =	shalt  }
0x47: {  	_ =	shalt  }
0x48: {  	_ =	shalt  }
0x49: {  	_ =	shalt  }
0x4a: {  	_ =	shalt  }
0x4b: {  	_ =	shalt  }
0x4c: {  	_ =	shalt  }
0x4d: {  	_ =	shalt  }
0x4e: {  	_ =	shalt  }
0x4f: {  	_ =	shalt  }
0x50: {  	_ =	shalt  }
0x51: {  	_ =	shalt  }
0x52: {  	_ =	shalt  }
0x53: {  	_ =	shalt  }
0x54: {  	_ =	shalt  }
0x55: {  	_ =	shalt  }
0x56: {  	_ =	shalt  }
0x57: {  	_ =	shalt  }
0x58: {  	_ =	shalt  }
0x59: {  	_ =	shalt  }
0x5a: {  	_ =	shalt  }
0x5b: {  	_ =	shalt  }
0x5c: {  	_ =	shalt  }
0x5d: {  	_ =	shalt  }
0x5e: {  	_ =	shalt  }
0x5f: {  	_ =	shalt  }
0x60: {  	_ =	shalt  }
0x61: {  	_ =	shalt  }
0x62: {  	_ =	shalt  }
0x63: {  	_ =	shalt  }
0x64: {  	_ =	shalt  }
0x65: {  	_ =	shalt  }
0x66: {  	_ =	shalt  }
0x67: {  	_ =	shalt  }
0x68: {  	_ =	shalt  }
0x69: {  	_ =	shalt  }
0x6a: {  	_ =	shalt  }
0x6b: {  	_ =	shalt  }
0x6c: {  	_ =	shalt  }
0x6d: {  	_ =	shalt  }
0x6e: {  	_ =	shalt  }
0x6f: {  	_ =	shalt  }
0x70: {  	_ =	shalt  }
0x71: {  	_ =	shalt  }
0x72: {  	_ =	shalt  }
0x73: {  	_ =	shalt  }
0x74: {  	_ =	shalt  }
0x75: {  	_ =	shalt  }
0x76: {  	_ =	shalt  }
0x77: {  	_ =	shalt  }
0x78: {  	_ =	shalt  }
0x79: {  	_ =	shalt  }
0x7a: {  	_ =	shalt  }
0x7b: {  	_ =	shalt  }
0x7c: {  	_ =	shalt  }
0x7d: {  	_ =	shalt  }
0x7e: {  	_ =	shalt  }
0x7f: {  	_ =	shalt  }
0x80: {  	_ =	shalt  }
0x81: {  	_ =	shalt  }
0x82: {  	_ =	shalt  }
0x83: {  	_ =	shalt  }
0x84: {  	_ =	shalt  }
0x85: {  	_ =	shalt  }
0x86: {  	_ =	shalt  }
0x87: {  	_ =	shalt  }
.Lfunc_end0:
.L_simem_size_0:
called_computation.2_lowered:
.L_overlay_start_0:
0x88: {  	s2 =	sld [smem:$0x3FD9]  }
0x89: {  	s3 =	sld [smem:$0x3FFE];
	_ =	sdelay $0x1  }
0x8a: {  	s1 =	srdreg.scid  }
0x8b: {  	s0 =	sand.u32 $0x1, s1  }
0x8c: {  	s17 =	sshll.u32 s0, $0xA;
	s2 =	sadd.s32 s3, s2  }
0x8d: {  	s2 =	sadd.s32 s2, s17  }
0x8e: {  	[smem:$0x3FAF] =	sst s2  }
0x8f: {  	_ = 	snop  }
0x90: {  	s2 =	sld [smem:$0x3FD0];
	(tm) =	ssettm $0x1  }
0x91: {  	s18 =	sld [smem:$0x3FFB];
	_ =	sdelay $0x3  }
0x92: {  	_ =	strace s18  }
0x93: {  	s3 =	sld [smem:$0x3FFC];
	_ =	sdelay $0x3  }
0x94: {  	_ =	strace s3  }
0x95: {  	s3 =	sld [smem:$0x3FFD];
	_ =	sdelay $0x3  }
0x96: {  	_ =	strace s3  }
0x97: {  	_ =	strace $0x8FFFFFFF  }
0x98: {  	s19 =	sld [smem:$0x3FDB];
	_ =	sdelay $0x1  }
0x99: {  	s4 =	simm.s32 $_scs_section_size  }
0x9a: {  	s5 =	simm.s32 $_size__tile_overlayer_lowered;
	s6 =	simm.s32 $_tile_overlayer_lowered  }
0x9b: {  	s22 =	simm.s32 $0x1BFF;
	s21 =	sshll.u32 s6, $0x1;
	s3 =	sadd.s32 s4, s19  }
0x9c: {  	s7 =	simm.s32 $0x0;
	s20 =	sshll.u32 s5, $0x1;
	s5 =	sadd.s32 s21, s3  }
0x9d: {  	[timem:s7], [sflag:s22] =	dma.local [hbm:s5], s20  }
0x9e: {  	_ =	swait.ge [sflag:s22], s20  }
0x9f: {  	s4 =	ssub.s32 $0x0, s20;
	[sflag:s22] =	ssyncset.done $0x0  }
0xa0: {  	[sflag:s22] =	ssyncadd.s32 s4;
	_ =	sdelay $0x1  }
0xa1: {  	s23 =	simm.s32 $0x1B8B  }
0xa2: {  	_ =	swait.ge [sflag:s23], $0x1  }
0xa3: {  	[sflag:s23] =	ssyncset.done $0x0  }
0xa4: {  	s25 =	simm.s32 $0x1B8E;
	s24 =	sld [smem:$0x3FFE];
	[sflag:s23] =	ssyncadd.s32 $0xFFFFFFFF  }
0xa5: {  	s26 =	simm.s32 $execute0_lowered;
	[smem:$0x3FD2] =	sst s25  }
0xa6: {  	s5 =	sshll.u32 s26, $0x1;
	_ =	strace $0x8000004C;
	[dreg:$0x1] =	wrdreg $0xFFFFFFFF  }
0xa7: {  	s28 =	simm.s32 $_size_execute0_lowered;
	s3 =	sadd.s32 s3, s5;
	[dreg:$0x0] =	wrdreg $0x0  }
0xa8: {  	s5 =	sshll.u32 s28, $0x1;
	[dreg:$0x2] =	wrdreg s3  }
0xa9: {  	[dreg:$0x3] =	wrdreg s5  }
0xaa: {  	[dreg:$0x4] =	wrdreg $0xC0  }
0xab: {  	_ =	task [dreg:s7], $0x5FFFF  }
0xac: {  	[dreg:$0x1] =	wrdreg $0xFFFFFFFF  }
0xad: {  	[dreg:$0x0] =	wrdreg $0x60  }
0xae: {  	[dreg:$0x2] =	wrdreg s2  }
0xaf: {  	[dreg:$0x3] =	wrdreg s24  }
0xb0: {  	[dreg:$0x4] =	wrdreg $0x2A000  }
0xb1: {  	[dreg:$0x5] =	wrdreg $0x9  }
0xb2: {  	_ =	task.clear_ibuf [dreg:s7], $0x6FFFF;
	_ =	strace $0x9000004C  }
0xb3: {  	s29 =	simm.s32 $0x9;
	_ =	strace $0x8000004E  }
0xb4: {  	_ =	swait.ge [sflag:s29], $0x1  }
0xb5: {  	[sflag:s29] =	ssyncadd.s32 $0xFFFFFFFF  }
0xb6: {  	_ =	strace $0x9000004E  }
0xb7: {  	_ =	sfence  }
0xb8: {  	s30 =	sld [smem:$0x0];
	_ =	sdelay $0x2  }
0xb9: {  	s31 =	sshll.u32 s1, $0xD;
	s1 =	sshrl.u32 s1, $0x2  }
0xba: {  	s3 =	sand.u32 $0x4000, s31;
	s1 =	sadd.s32 s1, s30  }
0xbb: {  	s0 =	sor.u32 s3, s0;
	s1 =	sshll.u32 s1, $0x11  }
0xbc: {  	s0 =	sor.u32 s1, s0  }
0xbd: {  	s0 =	sadd.s32 $0x8F2B, s0  }
0xbe: {  	[sflag:s0] =	ssyncadd.remote.s32 $0x1  }
0xbf: {  	_ =	sfence.sel $0xFFFF  }
0xc0: {  	[dreg:$0x0] =	wrdreg $0xFFFFFFFF;
	(pc) =	sbr.abs _section_cstart, $3  }
0xc1: {  	[dreg:$0x1] =	wrdreg $0xFFFFFFFF  }
0xc2: {  	_ =	task.clear_ibuf [dreg:s7], $0x2FFFF;
	_ =	strace $0x9FFFFFFF  }
0xc3: {  	(tm) =	ssettm $0x7FFFFFFF  }
tec
execute0_lowered:
.L_overlay_start_1:
0x0: {  	(tag) =	ssettag $0x1  }
0x1: {  	s1 =	rddreg [dreg:$0x0]  }
0x2: {  	s11 =	rddreg [dreg:$0x1];
	s0 =	srdreg.scid  }
0x3: {  	s3 =	rddreg [dreg:$0x2];
	s2 =	stileid.u32;
	s4 =	simm.s32 $0x0  }
0x4: {  	s19 =	simm.s32 $0x50;
	s20 =	simm.s32 $0x80;
	s21 =	simm.s32 $0x180  }
0x5: {  	s22 =	simm.s32 $0x1;
	s23 =	simm.s32 $0x100;
	s24 =	simm.s32 $0x0  }
0x6: {  	s12 =	sand.u32 $0x1, s0;
	s0 =	rddreg [dreg:$0x3];
	s6 =	sshll.u32 s2, $0x4  }
0x7: {  	[smem:$0x7FF] =	sst s4;
	s18 =	smul.u32 $0x4E200, s2;
	s5 =	sshll.u32 s12, $0x4  }
0x8: {  	s6 =	sand.u32 $0x70, s6;
	_ =	strace $0x8000004D;
	s29 =	ssub.s32 $0x2, s12  }
0x9: {  	s16 =	smul.u32 $0x4E2000, s12;
	s17 =	sor.u32 s2, s5;
	s5 =	sadd.s32 $0xE800, s11  }
0xa: {  	s8 =	sadd.s32 s6, s11;
	s9 =	sshrl.u32 s29, $0x1;
	s7 =	smul.u32 $0x1400, s17  }
0xb: {  	s6 =	sadd.s32 $0x138800, s3;
	s30 =	sshll.u32 s17, $0x4;
	s13 =	smul.u32 $0x28000, s17  }
0xc: {  	s14 =	ssub.s32 s29, s9;
	p0 =	seq.s32 s17, $0x1F;
	s16 =	sadd.s32 s18, s16  }
0xd: {  	s18 =	simm.s32 $0x2;
	s12 =	smax.u32 s14, $0x1;
	p1 =	seq.s32 @!p0 s17, $0x0  }
.Ltmp0:
0xe: {  	s17 =	simm.s32 $0x2980;
	s10 =	sadd.s32 s7, s11;
	(pc) =	sbr.rel .LBB2_1-.Ltmp0, $4  }
0xf: {  	s7 =	sand.u32 $0x180, s30;
	s31 =	sshrl.u32 s13, $0x2;
	s11 =	sadd.s32 $0x16DE00, s11  }
0x10: {  	p1 =	por !p1, p0;
	s8 =	sadd.s32 s7, s8;
	s7 =	sadd.s32 $0x136000, s3  }
0x11: {  	s9 =	sadd.s32 s31, s3;
	s10 =	sadd.s32 $0x147200, s10;
	s8 =	sadd.s32 $0x147000, s8  }
0x12: {  	v0 =	vimm.f32 $0.0e+00;
	s13 =	sadd.s32 $0x2800, s9;
	s14 =	sadd.s32 $0x5000, s9;
	s15 =	sadd.s32 $0x7800, s9  }
.LBB2_6:
0x13: {  	[tilespmem:$0x90] =	vst v1  }
0x14: {  	[tilespmem:$0x80] =	vst v2  }
0x15: {  	[tilespmem:s21], [sflag:$0x1] =	stream.indirect.gather [hbm4b:s1+s19], $0x80, s20, s19, $0xb8;
	[tilespmem:$0x16300] =	vst v63  }
0x16: {  	_ =	swait.ge [sflag:s22], $0x2800  }
0x17: {  	[sflag:s22] =	ssyncset.done $0x0  }
0x18: {  	[sflag:s22] =	ssyncadd.s32 $0xFFFFD800  }
0x19: {  	[spmem:s3] =	stream.indirect.scatter.add.f32 [tilespmem:s21], [sflag:$0x2], $0x80, s23, s19, $0xb8;
	[tilespmem:$0x16300] =	vst v63  }
0x1a: {  	_ =	swait.ge [sflag:s18], $0x2800  }
0x1b: {  	[sflag:s18] =	ssyncset.done $0x0  }
0x1c: {  	[sflag:s18] =	ssyncadd.s32 $0xFFFFD800  }
.LBB2_7:
0x1d: {  	s28 =	sshll.u32 @p0 s2, $0x6  }
0x1e: {  	[bflag:$0x0] =	sbarrier.arrive $0xFFFF;
	s29 =	sshrl.u32 @p0 s7, $0x3;
	s28 =	sor.u32 @p0 $0x1C02, s28  }
0x1f: {  	[hbm:s11], [sflag:s28] =	dma.local @p0 [spmem:s29], $0x500  }
0x20: {  	_ =	swait.ge @p0 [sflag:s26], $0x500  }
0x21: {  	s24 =	sadd.s32 $0x1, s24;
	[sflag:s26] =	ssyncset.done @p0 $0x0  }
0x22: {  	p2 =	sne.s32 s24, s12;
	s28 =	sshll.u32 @!p0 s2, $0x6;
	[sflag:s26] =	ssyncadd.s32 @p0 $0xFFFFFB00  }
.Ltmp1:
0x23: {  	s26 =	sor.u32 @!p0 $0x1C02, s28;
	s28 =	sshrl.u32 @!p0 s9, $0x3;
	(pc) =	sbr.rel @!p2 .LBB2_8-.Ltmp1, $4  }
0x24: {  	[hbm:s10], [sflag:s26] =	dma.local @!p0 [spmem:s28], $0x1400  }
0x25: {  	_ =	swait.ge @!p0 [sflag:s25], $0x1400  }
0x26: {  	[sflag:s25] =	ssyncset.done @!p0 $0x0  }
0x27: {  	[sflag:s25] =	ssyncadd.s32 @!p0 $0xFFFFEC00  }
.LBB2_1:
0x28: {  	s25 =	simm.s32 $0x70;
	s26 =	simm.s32 $0x3C0  }
.LBB2_2:
0x29: {  	p2 =	sne.s32 s26, $0x9FC0;
	[tilespmem:s25+$0x180] =	vst v0  }
0x2a: {  	[tilespmem:s25+$0x110] =	vst v0  }
0x2b: {  	[tilespmem:s25+$0x120] =	vst v0  }
.Ltmp2:
0x2c: {  	[tilespmem:s25+$0x130] =	vst v0;
	(pc) =	sbr.rel @p2 .LBB2_2-.Ltmp2, $4  }
0x2d: {  	[tilespmem:s25+$0x140] =	vst v0  }
0x2e: {  	[tilespmem:s25+$0x150] =	vst v0  }
0x2f: {  	[tilespmem:s25+$0x160] =	vst v0  }
0x30: {  	[tilespmem:s25+$0x170] =	vst v0;
	s25 =	sshra.s32 s26, $0x2;
	s26 =	sadd.s32 $0x200, s26  }
0x31: {  	[tilespmem:s25+$0x180] =	vst v0  }
0x32: {  	[tilespmem:s25+$0x110] =	vst v0  }
0x33: {  	[tilespmem:s25+$0x120] =	vst v0  }
0x34: {  	[tilespmem:s25+$0x130] =	vst v0  }
0x35: {  	[tilespmem:s25+$0x140] =	vst v0  }
0x36: {  	[tilespmem:s25+$0x150] =	vst v0  }
0x37: {  	[tilespmem:s25+$0x160] =	vst v0  }
0x38: {  	[tilespmem:s25+$0x170] =	vst v0;
	s25 =	simm.s32 @p0 $0x180;
	s26 =	simm.s32 @p0 $0x2  }
0x39: {  	[spmem:s7] =	stream.linear.scatter @p0 [tilespmem:s25], [sflag:$0x2], $0x2800, $0x38;
	[tilespmem:$0x16300] =	vst v63  }
0x3a: {  	_ =	swait.ge @p0 [sflag:s26], $0x2800  }
0x3b: {  	[sflag:s26] =	ssyncset.done @p0 $0x0  }
0x3c: {  	s28 =	simm.s32 @!p0 $0x180;
	s25 =	simm.s32 @!p0 $0x2;
	[sflag:s26] =	ssyncadd.s32 @p0 $0xFFFFD800  }
0x3d: {  	[spmem:s9] =	stream.linear.scatter @!p0 [tilespmem:s28], [sflag:$0x2], $0x2800, $0x38;
	[tilespmem:$0x16300] =	vst v63  }
0x3e: {  	_ =	swait.ge @!p0 [sflag:s25], $0x2800  }
0x3f: {  	[sflag:s25] =	ssyncset.done @!p0 $0x0  }
0x40: {  	[sflag:s25] =	ssyncadd.s32 @!p0 $0xFFFFD800  }
0x41: {  	[spmem:s13] =	stream.linear.scatter @!p0 [tilespmem:s28], [sflag:$0x2], $0x2800, $0x38;
	[tilespmem:$0x16300] =	vst v63  }
0x42: {  	_ =	swait.ge @!p0 [sflag:s25], $0x2800  }
0x43: {  	[sflag:s25] =	ssyncset.done @!p0 $0x0  }
0x44: {  	[sflag:s25] =	ssyncadd.s32 @!p0 $0xFFFFD800  }
0x45: {  	[spmem:s14] =	stream.linear.scatter @!p0 [tilespmem:s28], [sflag:$0x2], $0x2800, $0x38;
	[tilespmem:$0x16300] =	vst v63  }
0x46: {  	_ =	swait.ge @!p0 [sflag:s25], $0x2800  }
0x47: {  	[sflag:s25] =	ssyncset.done @!p0 $0x0  }
0x48: {  	[sflag:s25] =	ssyncadd.s32 @!p0 $0xFFFFD800  }
0x49: {  	[spmem:s15] =	stream.linear.scatter @!p0 [tilespmem:s28], [sflag:$0x2], $0x2800, $0x38;
	[tilespmem:$0x16300] =	vst v63  }
0x4a: {  	_ =	swait.ge @!p0 [sflag:s25], $0x2800  }
0x4b: {  	[sflag:s25] =	ssyncset.done @!p0 $0x0  }
0x4c: {  	s28 =	simm.s32 @!p1 $0x180;
	[sflag:s25] =	ssyncadd.s32 @!p0 $0xFFFFD800  }
0x4d: {  	[spmem:s6] =	stream.linear.scatter @!p1 [tilespmem:s28], [sflag:$0x2], $0x800, $0x38;
	[tilespmem:$0x16300] =	vst v63  }
0x4e: {  	s28 =	simm.s32 @!p1 $0x2  }
0x4f: {  	_ =	swait.ge @!p1 [sflag:s28], $0x800  }
0x50: {  	[sflag:s28] =	ssyncset.done @!p1 $0x0  }
0x51: {  	[sflag:s28] =	ssyncadd.s32 @!p1 $0xFFFFF800  }
0x52: {  	[bflag:$0x0] =	sbarrier.arrive $0xFFFF  }
0x53: {  	[tilespmem:s17], [sflag:$0x2] =	stream.linear.gather [hbm4b:s8+s4], $0x80, $0x38;
	[tilespmem:$0x16300] =	vst v63  }
0x54: {  	_ =	swait.ge [sflag:s18], $0x80  }
0x55: {  	[sflag:s18] =	ssyncset.done $0x0  }
0x56: {  	[sflag:s18] =	ssyncadd.s32 $0xFFFFFF80  }
0x57: {  	v1 =	vld [tilespmem:$0x2980];
	_ =	sdelay $0x4  }
0x58: {  	(v2sf) =	vpush v1, $0x0;
	_ =	sdelay $0xe  }
0x59: {  	s28 =	spop (v2sf)  }
0x5a: {  	s28 =	smul.u32 $0x14, s28;
	_ =	sdelay $0x1  }
0x5b: {  	p2 =	slt.s32 s28, $0x1  }
.Ltmp3:
0x5c: {  	_ = 	snop;
	(pc) =	sbr.rel @p2 .LBB2_7-.Ltmp3, $1  }
0x5d: {  	_ =	sdelay $0x3  }
0x5e: {  	s29 =	sshrl.u32 s16, $0x3  }
0x5f: {  	s29 =	sadd.s32 s5, s29  }
0x60: {  	[tilespmem:s4], [sflag:$0x2] =	stream.linear.gather [hbm4b:s29+s4], $0x50, $0x38;
	[tilespmem:$0x16300] =	vst v63  }
0x61: {  	_ =	swait.ge [sflag:s18], $0x50  }
0x62: {  	[sflag:s18] =	ssyncset.done $0x0  }
0x63: {  	[sflag:s18] =	ssyncadd.s32 $0xFFFFFFB0  }
0x64: {  	v1 =	vld [tilespmem:$0x40];
	_ =	sdelay $0x1  }
0x65: {  	v2 =	vld [tilespmem:$0x30];
	_ =	sdelay $0x1  }
0x66: {  	v3 =	vld [tilespmem:$0x20]  }
0x67: {  	v5 =	vld [tilespmem:$0x0];
	v4 =	vshrl.u32 v1, $0xE  }
0x68: {  	v1 =	vand.u32 $0x3FFF, v1;
	[tilespmem:$0xC0] =	vst v4  }
0x69: {  	v63 =	vld [tilespmem:$0x10];
	v6 =	vshrl.u32 v2, $0xE;
	[tilespmem:$0x140] =	vst v1  }
0x6a: {  	p2 =	sne.s32 s28, $0x1;
	v2 =	vand.u32 $0x3FFF, v2;
	[tilespmem:$0xB0] =	vst v6  }
.Ltmp4:
0x6b: {  	v1 =	vshrl.u32 v3, $0xE;
	[tilespmem:$0x130] =	vst v2;
	(pc) =	sbr.rel @!p2 .LBB2_6-.Ltmp4, $4  }
0x6c: {  	v2 =	vand.u32 $0x3FFF, v5;
	[tilespmem:$0xA0] =	vst v1  }
0x6d: {  	v1 =	vand.u32 $0x3FFF, v3;
	[tilespmem:$0x100] =	vst v2  }
0x6e: {  	v3 =	vand.u32 $0x3FFF, v63;
	[tilespmem:$0x120] =	vst v1  }
0x6f: {  	s28 =	sadd.s32 $0xFFFFFFFF, s28;
	s29 =	smov.u32 s16;
	v2 =	vshrl.u32 v5, $0xE;
	v1 =	vshrl.u32 v63, $0xE;
	[tilespmem:$0x110] =	vst v3  }
.LBB2_5:
0x70: {  	p2 =	sne.s32 s28, $0x1;
	s28 =	sadd.s32 $0xFFFFFFFF, s28;
	[tilespmem:$0x90] =	vst v1;
	s29 =	sadd.s32 $0x50, s29  }
0x71: {  	[tilespmem:$0x80] =	vst v2  }
0x72: {  	[tilespmem:s21], [sflag:$0x1] =	stream.indirect.gather [hbm4b:s1+s19], $0x80, s20, s19, $0xb8;
	[tilespmem:$0x16300] =	vst v63  }
0x73: {  	_ =	swait.ge [sflag:s22], $0x2800  }
0x74: {  	[sflag:s22] =	ssyncset.done $0x0  }
0x75: {  	[sflag:s22] =	ssyncadd.s32 $0xFFFFD800  }
0x76: {  	[spmem:s3] =	stream.indirect.scatter.add.f32 [tilespmem:s21], [sflag:$0x2], $0x80, s23, s19, $0xb8;
	[tilespmem:$0x16300] =	vst v63  }
0x77: {  	_ =	swait.ge [sflag:s18], $0x2800  }
0x78: {  	s30 =	sshrl.u32 s29, $0x3;
	[sflag:s18] =	ssyncset.done $0x0  }
0x79: {  	s30 =	sadd.s32 s5, s30;
	[sflag:s18] =	ssyncadd.s32 $0xFFFFD800  }
0x7a: {  	[tilespmem:s4], [sflag:$0x2] =	stream.linear.gather [hbm4b:s30+s4], $0x50, $0x38;
	[tilespmem:$0x16300] =	vst v63  }
0x7b: {  	_ =	swait.ge [sflag:s18], $0x50  }
0x7c: {  	[sflag:s18] =	ssyncset.done $0x0  }
0x7d: {  	[sflag:s18] =	ssyncadd.s32 $0xFFFFFFB0  }
0x7e: {  	v1 =	vld [tilespmem:$0x40]  }
0x7f: {  	v2 =	vld [tilespmem:$0x30]  }
0x80: {  	v3 =	vld [tilespmem:$0x10]  }
0x81: {  	v4 =	vld [tilespmem:$0x20]  }
0x82: {  	v5 =	vld [tilespmem:$0x0]  }
0x83: {  	v6 =	vshrl.u32 v1, $0xE;
	v1 =	vand.u32 $0x3FFF, v1  }
0x84: {  	v7 =	vshrl.u32 v2, $0xE;
	v8 =	vand.u32 $0x3FFF, v2;
	[tilespmem:$0xC0] =	vst v6  }
0x85: {  	[tilespmem:$0x140] =	vst v1  }
0x86: {  	v1 =	vshrl.u32 v3, $0xE;
	v3 =	vand.u32 $0x3FFF, v3;
	v6 =	vshrl.u32 v4, $0xE;
	[tilespmem:$0xB0] =	vst v7  }
.Ltmp5:
0x87: {  	v4 =	vand.u32 $0x3FFF, v4;
	v2 =	vshrl.u32 v5, $0xE;
	v5 =	vand.u32 $0x3FFF, v5;
	[tilespmem:$0xA0] =	vst v6;
	(pc) =	sbr.rel @p2 .LBB2_5-.Ltmp5, $4  }
0x88: {  	[tilespmem:$0x130] =	vst v8  }
0x89: {  	[tilespmem:$0x120] =	vst v4  }
0x8a: {  	[tilespmem:$0x100] =	vst v5  }
0x8b: {  	[tilespmem:$0x110] =	vst v3  }
.Ltmp6:
0x8c: {  	_ = 	snop;
	(pc) =	sbr.rel .LBB2_6-.Ltmp6, $1  }
0x8d: {  	_ =	sdelay $0x3  }
.LBB2_8:
0x8e: {  	_ =	sfence.sel $0x180000  }
0x8f: {  	[bflag:$0x0] =	sbarrier.arrive $0xFFFF  }
0x90: {  	p0 =	sne.s32 s2, $0x0;
	_ =	strace $0x9000004D  }
0x91: {  	s0 =	sadd.s32 @!p0 $0x100000, s0;
	[bflag:$0x2] =	sbarrier.arrive $0xFFFF  }
0x92: {  	[sflag:s0] =	ssyncadd.tile.s32 @!p0 $0x1;
	_ =	shalt  }
.Lfunc_end2:
_tile_overlayer_lowered:
.L_overlay_start_2:
0x93: {  	(tag) =	ssettag $0x2  }
0x94: {  	s0 =	rddreg [dreg:$0x0];
	s2 =	stileid.u32  }
0x95: {  	s1 =	rddreg [dreg:$0x1];
	p0 =	sne.s32 s2, $0x0  }
0x96: {  	s3 =	rddreg [dreg:$0x2];
	[bflag:$0x3] =	sbarrier.arrive $0xFFFF;
	s2 =	simm.s32 @!p0 $0x1C02  }
0x97: {  	[timem:s3], [sflag:s2] =	dma.local @!p0 [hbm:s0], s1  }
0x98: {  	s0 =	simm.s32 @!p0 $0x2  }
0x99: {  	_ =	swait.ge @!p0 [sflag:s0], s1  }
0x9a: {  	s1 =	ssub.s32 @!p0 $0x0, s1;
	[sflag:s0] =	ssyncset.done @!p0 $0x0  }
0x9b: {  	[sflag:s0] =	ssyncadd.s32 @!p0 s1  }
0x9c: {  	[bflag:$0x3] =	sbarrier.arrive $0xFFFF  }
0x9d: {  	_ =	shalt  }

// kernel: kernel.18.cloned.1.call-start
scs
__scs_entry_jumppad:
0x0: {  	(pc) =	sbr.rel $0x88, $3  }
0x1: {  	(tag) =	ssettag $0x0;
	lr =	simm.s32 $0x1  }
0x2: {  	[smem:$0x3F88] =	sst lr;
	_ =	strace $0xD0000000  }
0x3: {  	_ = 	snop  }
0x4: {  	_ = 	snop  }
0x5: {  	_ = 	snop  }
0x6: {  	_ = 	snop  }
0x7: {  	_ = 	snop  }
__scs_overlays_trampoline_lowered:
0x8: {  	[smem:$0x3F97] =	sst s0  }
0x9: {  	[smem:$0x3F98] =	sst s1  }
0xa: {  	[smem:$0x3F99] =	sst s2  }
0xb: {  	[smem:$0x3F9A] =	sst s3  }
0xc: {  	[smem:$0x3F9B] =	sst s4  }
0xd: {  	[smem:$0x3F9C] =	sst s5  }
0xe: {  	[smem:$0x3F9D] =	sst s6  }
0xf: {  	[smem:$0x3F9E] =	sst s7  }
0x10: {  	[smem:$0x3F9F] =	sst s8  }
0x11: {  	[smem:$0x3FA0] =	sst s9;
	s0 =	simm.s32 @!p0 $0x0  }
0x12: {  	s1 =	sld [smem:$0x3F86];
	s0 =	simm.s32 @p0 $0x1  }
0x13: {  	[smem:$0x3FA1] =	sst s0;
	s0 =	simm.s32 @!p1 $0x0  }
0x14: {  	s2 =	sld [smem:$0x3F85];
	s0 =	simm.s32 @p1 $0x1  }
0x15: {  	[smem:$0x3FA2] =	sst s0;
	s0 =	simm.s32 @!p2 $0x0  }
0x16: {  	s3 =	sld [smem:$0x3FDB];
	s0 =	simm.s32 @p2 $0x1  }
0x17: {  	s4 =	simm.s32 $0x1BF5;
	[smem:$0x3FA4] =	sst s0  }
0x18: {  	s0 =	sld [smem:$0x3F87];
	_ =	swait.ge [sflag:s4], $0x0  }
0x19: {  	s7 =	sld [smem:$0x3F88]  }
0x1a: {  	s8 =	sadd.s32 $0xFFFFE003, lr  }
0x1b: {  	s9 =	sadd.s32 $0xFFFFFEF7, lr;
	s5 =	simm.s32 $0xFFFFFFFF;
	p2 =	slt.u32 s8, $0xFFFFF086  }
0x1c: {  	p1 =	slt.u32 s9, $0xF7A;
	s5 =	simm.s32 @!p2 $0x0  }
0x1d: {  	s5 =	simm.s32 @p1 $0x1;
	p0 =	seq.s32 s7, s2  }
0x1e: {  	s7 =	smul.u32 @!p0 $0xF7A, s2;
	p2 =	seq.s32 @!p0 s5, $0x0  }
0x1f: {  	s9 =	smul.u32 $0xF7A, s1;
	s8 =	simm.s32 @!p0 $0x1BF5;
	p2 =	por !p2, p0  }
0x20: {  	[sflag:s8] =	ssyncset.s32 @!p0 $0xFFFFF086;
	s6 =	sadd.s32 @!p0 s3, s7;
	s7 =	simm.s32 @!p0 $0x108  }
0x21: {  	s3 =	sadd.s32 s3, s9;
	s6 =	sadd.s32 @!p0 $0x88, s6;
	s7 =	simm.s32 @p2 $0x1082  }
0x22: {  	[simem:s7], [sflag:s8] =	dma.local @!p0 [hbm:s6], $0xF7A  }
0x23: {  	s9 =	sor.u32 $0xD0000000, s2;
	s6 =	simm.s32 $0x108;
	_ =	swait.ge @!p0 [sflag:s8], $0x0  }
0x24: {  	s3 =	sadd.s32 $0x88, s3;
	s6 =	simm.s32 @!p1 $0x1082;
	[sflag:s4] =	ssyncset.s32 $0xFFFFF086  }
0x25: {  	[simem:s6], [sflag:s4] =	dma.local [hbm:s3], $0xF7A  }
0x26: {  	[smem:$0x3F88] =	sst s1;
	(tag) =	ssettag s2;
	_ =	strace s9  }
0x27: {  	s1 =	sld [smem:$0x3F98]  }
0x28: {  	s2 =	sld [smem:$0x3F99]  }
0x29: {  	s4 =	sld [smem:$0x3F9B]  }
0x2a: {  	p0 =	seq.s32 s5, $0x0;
	s5 =	sld [smem:$0x3F9C]  }
0x2b: {  	s6 =	sld [smem:$0x3F9D]  }
0x2c: {  	s7 =	sld [smem:$0x3F9E]  }
0x2d: {  	s3 =	simm.s32 $0x108;
	s8 =	sld [smem:$0x3F9F]  }
0x2e: {  	s3 =	simm.s32 @!p0 $0x1082;
	s9 =	sld [smem:$0x3FA0]  }
0x2f: {  	lr =	sadd.s32 s0, s3;
	s0 =	sld [smem:$0x3F97]  }
0x30: {  	s3 =	sld [smem:$0x3F9A]  }
0x31: {  	[smem:$0x3FA3] =	sst s10  }
0x32: {  	s10 =	sld [smem:$0x3FA1];
	_ =	sdelay $0x3  }
0x33: {  	p0 =	seq.s32 s10, $0x1;
	s10 =	sld [smem:$0x3FA3];
	_ =	sdelay $0x3  }
0x34: {  	[smem:$0x3FA3] =	sst s10  }
0x35: {  	s10 =	sld [smem:$0x3FA2];
	_ =	sdelay $0x3  }
0x36: {  	p1 =	seq.s32 s10, $0x1;
	s10 =	sld [smem:$0x3FA3];
	_ =	sdelay $0x3  }
0x37: {  	[smem:$0x3FA3] =	sst s10  }
0x38: {  	s10 =	sld [smem:$0x3FA4]  }
0x39: {  	_ = 	snop;
	(pc) =	sbr.ind lr, $3  }
0x3a: {  	_ = 	snop  }
0x3b: {  	_ = 	snop  }
0x3c: {  	p2 =	seq.s32 s10, $0x1;
	s10 =	sld [smem:$0x3FA3]  }
0x3d: {  	_ =	shalt  }
0x3e: {  	_ =	shalt  }
0x3f: {  	_ =	shalt  }
0x40: {  	_ =	shalt  }
0x41: {  	_ =	shalt  }
0x42: {  	_ =	shalt  }
0x43: {  	_ =	shalt  }
0x44: {  	_ =	shalt  }
0x45: {  	_ =	shalt  }
0x46: {  	_ =	shalt  }
0x47: {  	_ =	shalt  }
0x48: {  	_ =	shalt  }
0x49: {  	_ =	shalt  }
0x4a: {  	_ =	shalt  }
0x4b: {  	_ =	shalt  }
0x4c: {  	_ =	shalt  }
0x4d: {  	_ =	shalt  }
0x4e: {  	_ =	shalt  }
0x4f: {  	_ =	shalt  }
0x50: {  	_ =	shalt  }
0x51: {  	_ =	shalt  }
0x52: {  	_ =	shalt  }
0x53: {  	_ =	shalt  }
0x54: {  	_ =	shalt  }
0x55: {  	_ =	shalt  }
0x56: {  	_ =	shalt  }
0x57: {  	_ =	shalt  }
0x58: {  	_ =	shalt  }
0x59: {  	_ =	shalt  }
0x5a: {  	_ =	shalt  }
0x5b: {  	_ =	shalt  }
0x5c: {  	_ =	shalt  }
0x5d: {  	_ =	shalt  }
0x5e: {  	_ =	shalt  }
0x5f: {  	_ =	shalt  }
0x60: {  	_ =	shalt  }
0x61: {  	_ =	shalt  }
0x62: {  	_ =	shalt  }
0x63: {  	_ =	shalt  }
0x64: {  	_ =	shalt  }
0x65: {  	_ =	shalt  }
0x66: {  	_ =	shalt  }
0x67: {  	_ =	shalt  }
0x68: {  	_ =	shalt  }
0x69: {  	_ =	shalt  }
0x6a: {  	_ =	shalt  }
0x6b: {  	_ =	shalt  }
0x6c: {  	_ =	shalt  }
0x6d: {  	_ =	shalt  }
0x6e: {  	_ =	shalt  }
0x6f: {  	_ =	shalt  }
0x70: {  	_ =	shalt  }
0x71: {  	_ =	shalt  }
0x72: {  	_ =	shalt  }
0x73: {  	_ =	shalt  }
0x74: {  	_ =	shalt  }
0x75: {  	_ =	shalt  }
0x76: {  	_ =	shalt  }
0x77: {  	_ =	shalt  }
0x78: {  	_ =	shalt  }
0x79: {  	_ =	shalt  }
0x7a: {  	_ =	shalt  }
0x7b: {  	_ =	shalt  }
0x7c: {  	_ =	shalt  }
0x7d: {  	_ =	shalt  }
0x7e: {  	_ =	shalt  }
0x7f: {  	_ =	shalt  }
0x80: {  	_ =	shalt  }
0x81: {  	_ =	shalt  }
0x82: {  	_ =	shalt  }
0x83: {  	_ =	shalt  }
0x84: {  	_ =	shalt  }
0x85: {  	_ =	shalt  }
0x86: {  	_ =	shalt  }
0x87: {  	_ =	shalt  }
.Lfunc_end0:
.L_simem_size_0:
called_computation.3_lowered:
.L_overlay_start_0:
0x88: {  	s2 =	sld [smem:$0x3FD9]  }
0x89: {  	s3 =	sld [smem:$0x3FFE];
	_ =	sdelay $0x1  }
0x8a: {  	s1 =	srdreg.scid  }
0x8b: {  	s0 =	sand.u32 $0x1, s1  }
0x8c: {  	s17 =	sshll.u32 s0, $0xA;
	s2 =	sadd.s32 s3, s2  }
0x8d: {  	s2 =	sadd.s32 s2, s17  }
0x8e: {  	[smem:$0x3FAF] =	sst s2  }
0x8f: {  	_ = 	snop  }
0x90: {  	s2 =	sld [smem:$0x3FD0];
	(tm) =	ssettm $0x1  }
0x91: {  	s18 =	sld [smem:$0x3FFB];
	_ =	sdelay $0x3  }
0x92: {  	_ =	strace s18  }
0x93: {  	s3 =	sld [smem:$0x3FFC];
	_ =	sdelay $0x3  }
0x94: {  	_ =	strace s3  }
0x95: {  	s3 =	sld [smem:$0x3FFD];
	_ =	sdelay $0x3  }
0x96: {  	_ =	strace s3  }
0x97: {  	_ =	strace $0x8FFFFFFF  }
0x98: {  	s19 =	sld [smem:$0x3FDB];
	_ =	sdelay $0x1  }
0x99: {  	s4 =	simm.s32 $_scs_section_size  }
0x9a: {  	s5 =	simm.s32 $_size__tile_overlayer_lowered;
	s6 =	simm.s32 $_tile_overlayer_lowered  }
0x9b: {  	s22 =	simm.s32 $0x1BFF;
	s21 =	sshll.u32 s6, $0x1;
	s3 =	sadd.s32 s4, s19  }
0x9c: {  	s7 =	simm.s32 $0x0;
	s20 =	sshll.u32 s5, $0x1;
	s5 =	sadd.s32 s21, s3  }
0x9d: {  	[timem:s7], [sflag:s22] =	dma.local [hbm:s5], s20  }
0x9e: {  	_ =	swait.ge [sflag:s22], s20  }
0x9f: {  	s4 =	ssub.s32 $0x0, s20;
	[sflag:s22] =	ssyncset.done $0x0  }
0xa0: {  	[sflag:s22] =	ssyncadd.s32 s4;
	_ =	sdelay $0x1  }
0xa1: {  	s23 =	simm.s32 $0x1B8B  }
0xa2: {  	_ =	swait.ge [sflag:s23], $0x1  }
0xa3: {  	[sflag:s23] =	ssyncset.done $0x0  }
0xa4: {  	s25 =	simm.s32 $0x1B8E;
	s24 =	sld [smem:$0x3FFE];
	[sflag:s23] =	ssyncadd.s32 $0xFFFFFFFF  }
0xa5: {  	s26 =	simm.s32 $execute0_lowered;
	[smem:$0x3FD2] =	sst s25  }
0xa6: {  	s5 =	sshll.u32 s26, $0x1;
	_ =	strace $0x8000004F;
	[dreg:$0x1] =	wrdreg $0xFFFFFFFF  }
0xa7: {  	s28 =	simm.s32 $_size_execute0_lowered;
	s3 =	sadd.s32 s3, s5;
	[dreg:$0x0] =	wrdreg $0x0  }
0xa8: {  	s5 =	sshll.u32 s28, $0x1;
	[dreg:$0x2] =	wrdreg s3  }
0xa9: {  	[dreg:$0x3] =	wrdreg s5  }
0xaa: {  	[dreg:$0x4] =	wrdreg $0xC0  }
0xab: {  	_ =	task [dreg:s7], $0x5FFFF  }
0xac: {  	[dreg:$0x1] =	wrdreg $0xFFFFFFFF  }
0xad: {  	[dreg:$0x0] =	wrdreg $0x60  }
0xae: {  	[dreg:$0x2] =	wrdreg s2  }
0xaf: {  	[dreg:$0x3] =	wrdreg s24  }
0xb0: {  	[dreg:$0x4] =	wrdreg $0x2A000  }
0xb1: {  	[dreg:$0x5] =	wrdreg $0x9  }
0xb2: {  	_ =	task.clear_ibuf [dreg:s7], $0x6FFFF;
	_ =	strace $0x9000004F  }
0xb3: {  	s29 =	simm.s32 $0x9;
	_ =	strace $0x80000051  }
0xb4: {  	_ =	swait.ge [sflag:s29], $0x1  }
0xb5: {  	[sflag:s29] =	ssyncadd.s32 $0xFFFFFFFF  }
0xb6: {  	_ =	strace $0x90000051  }
0xb7: {  	_ =	sfence  }
0xb8: {  	s30 =	sld [smem:$0x0];
	_ =	sdelay $0x2  }
0xb9: {  	s31 =	sshll.u32 s1, $0xD;
	s1 =	sshrl.u32 s1, $0x2  }
0xba: {  	s3 =	sand.u32 $0x4000, s31;
	s1 =	sadd.s32 s1, s30  }
0xbb: {  	s0 =	sor.u32 s3, s0;
	s1 =	sshll.u32 s1, $0x11  }
0xbc: {  	s0 =	sor.u32 s1, s0  }
0xbd: {  	s0 =	sadd.s32 $0x8F2B, s0  }
0xbe: {  	[sflag:s0] =	ssyncadd.remote.s32 $0x1  }
0xbf: {  	_ =	sfence.sel $0xFFFF  }
0xc0: {  	[dreg:$0x0] =	wrdreg $0xFFFFFFFF;
	(pc) =	sbr.abs _section_cstart, $3  }
0xc1: {  	[dreg:$0x1] =	wrdreg $0xFFFFFFFF  }
0xc2: {  	_ =	task.clear_ibuf [dreg:s7], $0x2FFFF;
	_ =	strace $0x9FFFFFFF  }
0xc3: {  	(tm) =	ssettm $0x7FFFFFFF  }
tec
execute0_lowered:
.L_overlay_start_1:
0x0: {  	(tag) =	ssettag $0x1  }
0x1: {  	s1 =	rddreg [dreg:$0x0]  }
0x2: {  	s11 =	rddreg [dreg:$0x1];
	s0 =	srdreg.scid  }
0x3: {  	s3 =	rddreg [dreg:$0x2];
	s2 =	stileid.u32;
	s4 =	simm.s32 $0x0  }
0x4: {  	s19 =	simm.s32 $0x50;
	s20 =	simm.s32 $0x80;
	s21 =	simm.s32 $0x180  }
0x5: {  	s22 =	simm.s32 $0x1;
	s23 =	simm.s32 $0x100;
	s24 =	simm.s32 $0x0  }
0x6: {  	s12 =	sand.u32 $0x1, s0;
	s0 =	rddreg [dreg:$0x3];
	s6 =	sshll.u32 s2, $0x4  }
0x7: {  	[smem:$0x7FF] =	sst s4;
	s18 =	smul.u32 $0x4E200, s2;
	s5 =	sshll.u32 s12, $0x4  }
0x8: {  	s6 =	sand.u32 $0x70, s6;
	_ =	strace $0x80000050;
	s29 =	ssub.s32 $0x2, s12  }
0x9: {  	s16 =	smul.u32 $0x4E2000, s12;
	s17 =	sor.u32 s2, s5;
	s5 =	sadd.s32 $0xE800, s11  }
0xa: {  	s8 =	sadd.s32 s6, s11;
	s9 =	sshrl.u32 s29, $0x1;
	s7 =	smul.u32 $0x1400, s17  }
0xb: {  	s6 =	sadd.s32 $0x138800, s3;
	s30 =	sshll.u32 s17, $0x4;
	s13 =	smul.u32 $0x28000, s17  }
0xc: {  	s14 =	ssub.s32 s29, s9;
	p0 =	seq.s32 s17, $0x1F;
	s16 =	sadd.s32 s18, s16  }
0xd: {  	s18 =	simm.s32 $0x2;
	s12 =	smax.u32 s14, $0x1;
	p1 =	seq.s32 @!p0 s17, $0x0  }
.Ltmp0:
0xe: {  	s17 =	simm.s32 $0x2980;
	s10 =	sadd.s32 s7, s11;
	(pc) =	sbr.rel .LBB2_1-.Ltmp0, $4  }
0xf: {  	s7 =	sand.u32 $0x180, s30;
	s31 =	sshrl.u32 s13, $0x2;
	s11 =	sadd.s32 $0x16DE00, s11  }
0x10: {  	p1 =	por !p1, p0;
	s8 =	sadd.s32 s7, s8;
	s7 =	sadd.s32 $0x136000, s3  }
0x11: {  	s9 =	sadd.s32 s31, s3;
	s10 =	sadd.s32 $0x147200, s10;
	s8 =	sadd.s32 $0x147000, s8  }
0x12: {  	v0 =	vimm.f32 $0.0e+00;
	s13 =	sadd.s32 $0x2800, s9;
	s14 =	sadd.s32 $0x5000, s9;
	s15 =	sadd.s32 $0x7800, s9  }
.LBB2_6:
0x13: {  	[tilespmem:$0x90] =	vst v1  }
0x14: {  	[tilespmem:$0x80] =	vst v2  }
0x15: {  	[tilespmem:s21], [sflag:$0x1] =	stream.indirect.gather [hbm4b:s1+s19], $0x80, s20, s19, $0xb8;
	[tilespmem:$0x16300] =	vst v63  }
0x16: {  	_ =	swait.ge [sflag:s22], $0x2800  }
0x17: {  	[sflag:s22] =	ssyncset.done $0x0  }
0x18: {  	[sflag:s22] =	ssyncadd.s32 $0xFFFFD800  }
0x19: {  	[spmem:s3] =	stream.indirect.scatter.add.f32 [tilespmem:s21], [sflag:$0x2], $0x80, s23, s19, $0xb8;
	[tilespmem:$0x16300] =	vst v63  }
0x1a: {  	_ =	swait.ge [sflag:s18], $0x2800  }
0x1b: {  	[sflag:s18] =	ssyncset.done $0x0  }
0x1c: {  	[sflag:s18] =	ssyncadd.s32 $0xFFFFD800  }
.LBB2_7:
0x1d: {  	s28 =	sshll.u32 @p0 s2, $0x6  }
0x1e: {  	[bflag:$0x0] =	sbarrier.arrive $0xFFFF;
	s29 =	sshrl.u32 @p0 s7, $0x3;
	s28 =	sor.u32 @p0 $0x1C02, s28  }
0x1f: {  	[hbm:s11], [sflag:s28] =	dma.local @p0 [spmem:s29], $0x500  }
0x20: {  	_ =	swait.ge @p0 [sflag:s26], $0x500  }
0x21: {  	s24 =	sadd.s32 $0x1, s24;
	[sflag:s26] =	ssyncset.done @p0 $0x0  }
0x22: {  	p2 =	sne.s32 s24, s12;
	s28 =	sshll.u32 @!p0 s2, $0x6;
	[sflag:s26] =	ssyncadd.s32 @p0 $0xFFFFFB00  }
.Ltmp1:
0x23: {  	s26 =	sor.u32 @!p0 $0x1C02, s28;
	s28 =	sshrl.u32 @!p0 s9, $0x3;
	(pc) =	sbr.rel @!p2 .LBB2_8-.Ltmp1, $4  }
0x24: {  	[hbm:s10], [sflag:s26] =	dma.local @!p0 [spmem:s28], $0x1400  }
0x25: {  	_ =	swait.ge @!p0 [sflag:s25], $0x1400  }
0x26: {  	[sflag:s25] =	ssyncset.done @!p0 $0x0  }
0x27: {  	[sflag:s25] =	ssyncadd.s32 @!p0 $0xFFFFEC00  }
.LBB2_1:
0x28: {  	s25 =	simm.s32 $0x70;
	s26 =	simm.s32 $0x3C0  }
.LBB2_2:
0x29: {  	p2 =	sne.s32 s26, $0x9FC0;
	[tilespmem:s25+$0x180] =	vst v0  }
0x2a: {  	[tilespmem:s25+$0x110] =	vst v0  }
0x2b: {  	[tilespmem:s25+$0x120] =	vst v0  }
.Ltmp2:
0x2c: {  	[tilespmem:s25+$0x130] =	vst v0;
	(pc) =	sbr.rel @p2 .LBB2_2-.Ltmp2, $4  }
0x2d: {  	[tilespmem:s25+$0x140] =	vst v0  }
0x2e: {  	[tilespmem:s25+$0x150] =	vst v0  }
0x2f: {  	[tilespmem:s25+$0x160] =	vst v0  }
0x30: {  	[tilespmem:s25+$0x170] =	vst v0;
	s25 =	sshra.s32 s26, $0x2;
	s26 =	sadd.s32 $0x200, s26  }
0x31: {  	[tilespmem:s25+$0x180] =	vst v0  }
0x32: {  	[tilespmem:s25+$0x110] =	vst v0  }
0x33: {  	[tilespmem:s25+$0x120] =	vst v0  }
0x34: {  	[tilespmem:s25+$0x130] =	vst v0  }
0x35: {  	[tilespmem:s25+$0x140] =	vst v0  }
0x36: {  	[tilespmem:s25+$0x150] =	vst v0  }
0x37: {  	[tilespmem:s25+$0x160] =	vst v0  }
0x38: {  	[tilespmem:s25+$0x170] =	vst v0;
	s25 =	simm.s32 @p0 $0x180;
	s26 =	simm.s32 @p0 $0x2  }
0x39: {  	[spmem:s7] =	stream.linear.scatter @p0 [tilespmem:s25], [sflag:$0x2], $0x2800, $0x38;
	[tilespmem:$0x16300] =	vst v63  }
0x3a: {  	_ =	swait.ge @p0 [sflag:s26], $0x2800  }
0x3b: {  	[sflag:s26] =	ssyncset.done @p0 $0x0  }
0x3c: {  	s28 =	simm.s32 @!p0 $0x180;
	s25 =	simm.s32 @!p0 $0x2;
	[sflag:s26] =	ssyncadd.s32 @p0 $0xFFFFD800  }
0x3d: {  	[spmem:s9] =	stream.linear.scatter @!p0 [tilespmem:s28], [sflag:$0x2], $0x2800, $0x38;
	[tilespmem:$0x16300] =	vst v63  }
0x3e: {  	_ =	swait.ge @!p0 [sflag:s25], $0x2800  }
0x3f: {  	[sflag:s25] =	ssyncset.done @!p0 $0x0  }
0x40: {  	[sflag:s25] =	ssyncadd.s32 @!p0 $0xFFFFD800  }
0x41: {  	[spmem:s13] =	stream.linear.scatter @!p0 [tilespmem:s28], [sflag:$0x2], $0x2800, $0x38;
	[tilespmem:$0x16300] =	vst v63  }
0x42: {  	_ =	swait.ge @!p0 [sflag:s25], $0x2800  }
0x43: {  	[sflag:s25] =	ssyncset.done @!p0 $0x0  }
0x44: {  	[sflag:s25] =	ssyncadd.s32 @!p0 $0xFFFFD800  }
0x45: {  	[spmem:s14] =	stream.linear.scatter @!p0 [tilespmem:s28], [sflag:$0x2], $0x2800, $0x38;
	[tilespmem:$0x16300] =	vst v63  }
0x46: {  	_ =	swait.ge @!p0 [sflag:s25], $0x2800  }
0x47: {  	[sflag:s25] =	ssyncset.done @!p0 $0x0  }
0x48: {  	[sflag:s25] =	ssyncadd.s32 @!p0 $0xFFFFD800  }
0x49: {  	[spmem:s15] =	stream.linear.scatter @!p0 [tilespmem:s28], [sflag:$0x2], $0x2800, $0x38;
	[tilespmem:$0x16300] =	vst v63  }
0x4a: {  	_ =	swait.ge @!p0 [sflag:s25], $0x2800  }
0x4b: {  	[sflag:s25] =	ssyncset.done @!p0 $0x0  }
0x4c: {  	s28 =	simm.s32 @!p1 $0x180;
	[sflag:s25] =	ssyncadd.s32 @!p0 $0xFFFFD800  }
0x4d: {  	[spmem:s6] =	stream.linear.scatter @!p1 [tilespmem:s28], [sflag:$0x2], $0x800, $0x38;
	[tilespmem:$0x16300] =	vst v63  }
0x4e: {  	s28 =	simm.s32 @!p1 $0x2  }
0x4f: {  	_ =	swait.ge @!p1 [sflag:s28], $0x800  }
0x50: {  	[sflag:s28] =	ssyncset.done @!p1 $0x0  }
0x51: {  	[sflag:s28] =	ssyncadd.s32 @!p1 $0xFFFFF800  }
0x52: {  	[bflag:$0x0] =	sbarrier.arrive $0xFFFF  }
0x53: {  	[tilespmem:s17], [sflag:$0x2] =	stream.linear.gather [hbm4b:s8+s4], $0x80, $0x38;
	[tilespmem:$0x16300] =	vst v63  }
0x54: {  	_ =	swait.ge [sflag:s18], $0x80  }
0x55: {  	[sflag:s18] =	ssyncset.done $0x0  }
0x56: {  	[sflag:s18] =	ssyncadd.s32 $0xFFFFFF80  }
0x57: {  	v1 =	vld [tilespmem:$0x2980];
	_ =	sdelay $0x4  }
0x58: {  	(v2sf) =	vpush v1, $0x0;
	_ =	sdelay $0xe  }
0x59: {  	s28 =	spop (v2sf)  }
0x5a: {  	s28 =	smul.u32 $0x14, s28;
	_ =	sdelay $0x1  }
0x5b: {  	p2 =	slt.s32 s28, $0x1  }
.Ltmp3:
0x5c: {  	_ = 	snop;
	(pc) =	sbr.rel @p2 .LBB2_7-.Ltmp3, $1  }
0x5d: {  	_ =	sdelay $0x3  }
0x5e: {  	s29 =	sshrl.u32 s16, $0x3  }
0x5f: {  	s29 =	sadd.s32 s5, s29  }
0x60: {  	[tilespmem:s4], [sflag:$0x2] =	stream.linear.gather [hbm4b:s29+s4], $0x50, $0x38;
	[tilespmem:$0x16300] =	vst v63  }
0x61: {  	_ =	swait.ge [sflag:s18], $0x50  }
0x62: {  	[sflag:s18] =	ssyncset.done $0x0  }
0x63: {  	[sflag:s18] =	ssyncadd.s32 $0xFFFFFFB0  }
0x64: {  	v1 =	vld [tilespmem:$0x40];
	_ =	sdelay $0x1  }
0x65: {  	v2 =	vld [tilespmem:$0x30];
	_ =	sdelay $0x1  }
0x66: {  	v3 =	vld [tilespmem:$0x20]  }
0x67: {  	v5 =	vld [tilespmem:$0x0];
	v4 =	vshrl.u32 v1, $0xE  }
0x68: {  	v1 =	vand.u32 $0x3FFF, v1;
	[tilespmem:$0xC0] =	vst v4  }
0x69: {  	v63 =	vld [tilespmem:$0x10];
	v6 =	vshrl.u32 v2, $0xE;
	[tilespmem:$0x140] =	vst v1  }
0x6a: {  	p2 =	sne.s32 s28, $0x1;
	v2 =	vand.u32 $0x3FFF, v2;
	[tilespmem:$0xB0] =	vst v6  }
.Ltmp4:
0x6b: {  	v1 =	vshrl.u32 v3, $0xE;
	[tilespmem:$0x130] =	vst v2;
	(pc) =	sbr.rel @!p2 .LBB2_6-.Ltmp4, $4  }
0x6c: {  	v2 =	vand.u32 $0x3FFF, v5;
	[tilespmem:$0xA0] =	vst v1  }
0x6d: {  	v1 =	vand.u32 $0x3FFF, v3;
	[tilespmem:$0x100] =	vst v2  }
0x6e: {  	v3 =	vand.u32 $0x3FFF, v63;
	[tilespmem:$0x120] =	vst v1  }
0x6f: {  	s28 =	sadd.s32 $0xFFFFFFFF, s28;
	s29 =	smov.u32 s16;
	v2 =	vshrl.u32 v5, $0xE;
	v1 =	vshrl.u32 v63, $0xE;
	[tilespmem:$0x110] =	vst v3  }
.LBB2_5:
0x70: {  	p2 =	sne.s32 s28, $0x1;
	s28 =	sadd.s32 $0xFFFFFFFF, s28;
	[tilespmem:$0x90] =	vst v1;
	s29 =	sadd.s32 $0x50, s29  }
0x71: {  	[tilespmem:$0x80] =	vst v2  }
0x72: {  	[tilespmem:s21], [sflag:$0x1] =	stream.indirect.gather [hbm4b:s1+s19], $0x80, s20, s19, $0xb8;
	[tilespmem:$0x16300] =	vst v63  }
0x73: {  	_ =	swait.ge [sflag:s22], $0x2800  }
0x74: {  	[sflag:s22] =	ssyncset.done $0x0  }
0x75: {  	[sflag:s22] =	ssyncadd.s32 $0xFFFFD800  }
0x76: {  	[spmem:s3] =	stream.indirect.scatter.add.f32 [tilespmem:s21], [sflag:$0x2], $0x80, s23, s19, $0xb8;
	[tilespmem:$0x16300] =	vst v63  }
0x77: {  	_ =	swait.ge [sflag:s18], $0x2800  }
0x78: {  	s30 =	sshrl.u32 s29, $0x3;
	[sflag:s18] =	ssyncset.done $0x0  }
0x79: {  	s30 =	sadd.s32 s5, s30;
	[sflag:s18] =	ssyncadd.s32 $0xFFFFD800  }
0x7a: {  	[tilespmem:s4], [sflag:$0x2] =	stream.linear.gather [hbm4b:s30+s4], $0x50, $0x38;
	[tilespmem:$0x16300] =	vst v63  }
0x7b: {  	_ =	swait.ge [sflag:s18], $0x50  }
0x7c: {  	[sflag:s18] =	ssyncset.done $0x0  }
0x7d: {  	[sflag:s18] =	ssyncadd.s32 $0xFFFFFFB0  }
0x7e: {  	v1 =	vld [tilespmem:$0x40]  }
0x7f: {  	v2 =	vld [tilespmem:$0x30]  }
0x80: {  	v3 =	vld [tilespmem:$0x10]  }
0x81: {  	v4 =	vld [tilespmem:$0x20]  }
0x82: {  	v5 =	vld [tilespmem:$0x0]  }
0x83: {  	v6 =	vshrl.u32 v1, $0xE;
	v1 =	vand.u32 $0x3FFF, v1  }
0x84: {  	v7 =	vshrl.u32 v2, $0xE;
	v8 =	vand.u32 $0x3FFF, v2;
	[tilespmem:$0xC0] =	vst v6  }
0x85: {  	[tilespmem:$0x140] =	vst v1  }
0x86: {  	v1 =	vshrl.u32 v3, $0xE;
	v3 =	vand.u32 $0x3FFF, v3;
	v6 =	vshrl.u32 v4, $0xE;
	[tilespmem:$0xB0] =	vst v7  }
.Ltmp5:
0x87: {  	v4 =	vand.u32 $0x3FFF, v4;
	v2 =	vshrl.u32 v5, $0xE;
	v5 =	vand.u32 $0x3FFF, v5;
	[tilespmem:$0xA0] =	vst v6;
	(pc) =	sbr.rel @p2 .LBB2_5-.Ltmp5, $4  }
0x88: {  	[tilespmem:$0x130] =	vst v8  }
0x89: {  	[tilespmem:$0x120] =	vst v4  }
0x8a: {  	[tilespmem:$0x100] =	vst v5  }
0x8b: {  	[tilespmem:$0x110] =	vst v3  }
.Ltmp6:
0x8c: {  	_ = 	snop;
	(pc) =	sbr.rel .LBB2_6-.Ltmp6, $1  }
0x8d: {  	_ =	sdelay $0x3  }
.LBB2_8:
0x8e: {  	_ =	sfence.sel $0x180000  }
0x8f: {  	[bflag:$0x0] =	sbarrier.arrive $0xFFFF  }
0x90: {  	p0 =	sne.s32 s2, $0x0;
	_ =	strace $0x90000050  }
0x91: {  	s0 =	sadd.s32 @!p0 $0x100000, s0;
	[bflag:$0x2] =	sbarrier.arrive $0xFFFF  }
0x92: {  	[sflag:s0] =	ssyncadd.tile.s32 @!p0 $0x1;
	_ =	shalt  }
.Lfunc_end2:
_tile_overlayer_lowered:
.L_overlay_start_2:
0x93: {  	(tag) =	ssettag $0x2  }
0x94: {  	s0 =	rddreg [dreg:$0x0];
	s2 =	stileid.u32  }
0x95: {  	s1 =	rddreg [dreg:$0x1];
	p0 =	sne.s32 s2, $0x0  }
0x96: {  	s3 =	rddreg [dreg:$0x2];
	[bflag:$0x3] =	sbarrier.arrive $0xFFFF;
	s2 =	simm.s32 @!p0 $0x1C02  }
0x97: {  	[timem:s3], [sflag:s2] =	dma.local @!p0 [hbm:s0], s1  }
0x98: {  	s0 =	simm.s32 @!p0 $0x2  }
0x99: {  	_ =	swait.ge @!p0 [sflag:s0], s1  }
0x9a: {  	s1 =	ssub.s32 @!p0 $0x0, s1;
	[sflag:s0] =	ssyncset.done @!p0 $0x0  }
0x9b: {  	[sflag:s0] =	ssyncadd.s32 @!p0 s1  }
0x9c: {  	[bflag:$0x3] =	sbarrier.arrive $0xFFFF  }
0x9d: {  	_ =	shalt  }

// kernel: kernel.9.cloned.1.call-start
scs
__scs_entry_jumppad:
0x0: {  	(pc) =	sbr.rel $0x88, $3  }
0x1: {  	(tag) =	ssettag $0x0;
	lr =	simm.s32 $0x1  }
0x2: {  	[smem:$0x3F88] =	sst lr;
	_ =	strace $0xD0000000  }
0x3: {  	_ = 	snop  }
0x4: {  	_ = 	snop  }
0x5: {  	_ = 	snop  }
0x6: {  	_ = 	snop  }
0x7: {  	_ = 	snop  }
__scs_overlays_trampoline_lowered:
0x8: {  	[smem:$0x3F97] =	sst s0  }
0x9: {  	[smem:$0x3F98] =	sst s1  }
0xa: {  	[smem:$0x3F99] =	sst s2  }
0xb: {  	[smem:$0x3F9A] =	sst s3  }
0xc: {  	[smem:$0x3F9B] =	sst s4  }
0xd: {  	[smem:$0x3F9C] =	sst s5  }
0xe: {  	[smem:$0x3F9D] =	sst s6  }
0xf: {  	[smem:$0x3F9E] =	sst s7  }
0x10: {  	[smem:$0x3F9F] =	sst s8  }
0x11: {  	[smem:$0x3FA0] =	sst s9;
	s0 =	simm.s32 @!p0 $0x0  }
0x12: {  	s1 =	sld [smem:$0x3F86];
	s0 =	simm.s32 @p0 $0x1  }
0x13: {  	[smem:$0x3FA1] =	sst s0;
	s0 =	simm.s32 @!p1 $0x0  }
0x14: {  	s2 =	sld [smem:$0x3F85];
	s0 =	simm.s32 @p1 $0x1  }
0x15: {  	[smem:$0x3FA2] =	sst s0;
	s0 =	simm.s32 @!p2 $0x0  }
0x16: {  	s3 =	sld [smem:$0x3FDB];
	s0 =	simm.s32 @p2 $0x1  }
0x17: {  	s4 =	simm.s32 $0x1BF5;
	[smem:$0x3FA4] =	sst s0  }
0x18: {  	s0 =	sld [smem:$0x3F87];
	_ =	swait.ge [sflag:s4], $0x0  }
0x19: {  	s7 =	sld [smem:$0x3F88]  }
0x1a: {  	s8 =	sadd.s32 $0xFFFFE003, lr  }
0x1b: {  	s9 =	sadd.s32 $0xFFFFFEF7, lr;
	s5 =	simm.s32 $0xFFFFFFFF;
	p2 =	slt.u32 s8, $0xFFFFF086  }
0x1c: {  	p1 =	slt.u32 s9, $0xF7A;
	s5 =	simm.s32 @!p2 $0x0  }
0x1d: {  	s5 =	simm.s32 @p1 $0x1;
	p0 =	seq.s32 s7, s2  }
0x1e: {  	s7 =	smul.u32 @!p0 $0xF7A, s2;
	p2 =	seq.s32 @!p0 s5, $0x0  }
0x1f: {  	s9 =	smul.u32 $0xF7A, s1;
	s8 =	simm.s32 @!p0 $0x1BF5;
	p2 =	por !p2, p0  }
0x20: {  	[sflag:s8] =	ssyncset.s32 @!p0 $0xFFFFF086;
	s6 =	sadd.s32 @!p0 s3, s7;
	s7 =	simm.s32 @!p0 $0x108  }
0x21: {  	s3 =	sadd.s32 s3, s9;
	s6 =	sadd.s32 @!p0 $0x88, s6;
	s7 =	simm.s32 @p2 $0x1082  }
0x22: {  	[simem:s7], [sflag:s8] =	dma.local @!p0 [hbm:s6], $0xF7A  }
0x23: {  	s9 =	sor.u32 $0xD0000000, s2;
	s6 =	simm.s32 $0x108;
	_ =	swait.ge @!p0 [sflag:s8], $0x0  }
0x24: {  	s3 =	sadd.s32 $0x88, s3;
	s6 =	simm.s32 @!p1 $0x1082;
	[sflag:s4] =	ssyncset.s32 $0xFFFFF086  }
0x25: {  	[simem:s6], [sflag:s4] =	dma.local [hbm:s3], $0xF7A  }
0x26: {  	[smem:$0x3F88] =	sst s1;
	(tag) =	ssettag s2;
	_ =	strace s9  }
0x27: {  	s1 =	sld [smem:$0x3F98]  }
0x28: {  	s2 =	sld [smem:$0x3F99]  }
0x29: {  	s4 =	sld [smem:$0x3F9B]  }
0x2a: {  	p0 =	seq.s32 s5, $0x0;
	s5 =	sld [smem:$0x3F9C]  }
0x2b: {  	s6 =	sld [smem:$0x3F9D]  }
0x2c: {  	s7 =	sld [smem:$0x3F9E]  }
0x2d: {  	s3 =	simm.s32 $0x108;
	s8 =	sld [smem:$0x3F9F]  }
0x2e: {  	s3 =	simm.s32 @!p0 $0x1082;
	s9 =	sld [smem:$0x3FA0]  }
0x2f: {  	lr =	sadd.s32 s0, s3;
	s0 =	sld [smem:$0x3F97]  }
0x30: {  	s3 =	sld [smem:$0x3F9A]  }
0x31: {  	[smem:$0x3FA3] =	sst s10  }
0x32: {  	s10 =	sld [smem:$0x3FA1];
	_ =	sdelay $0x3  }
0x33: {  	p0 =	seq.s32 s10, $0x1;
	s10 =	sld [smem:$0x3FA3];
	_ =	sdelay $0x3  }
0x34: {  	[smem:$0x3FA3] =	sst s10  }
0x35: {  	s10 =	sld [smem:$0x3FA2];
	_ =	sdelay $0x3  }
0x36: {  	p1 =	seq.s32 s10, $0x1;
	s10 =	sld [smem:$0x3FA3];
	_ =	sdelay $0x3  }
0x37: {  	[smem:$0x3FA3] =	sst s10  }
0x38: {  	s10 =	sld [smem:$0x3FA4]  }
0x39: {  	_ = 	snop;
	(pc) =	sbr.ind lr, $3  }
0x3a: {  	_ = 	snop  }
0x3b: {  	_ = 	snop  }
0x3c: {  	p2 =	seq.s32 s10, $0x1;
	s10 =	sld [smem:$0x3FA3]  }
0x3d: {  	_ =	shalt  }
0x3e: {  	_ =	shalt  }
0x3f: {  	_ =	shalt  }
0x40: {  	_ =	shalt  }
0x41: {  	_ =	shalt  }
0x42: {  	_ =	shalt  }
0x43: {  	_ =	shalt  }
0x44: {  	_ =	shalt  }
0x45: {  	_ =	shalt  }
0x46: {  	_ =	shalt  }
0x47: {  	_ =	shalt  }
0x48: {  	_ =	shalt  }
0x49: {  	_ =	shalt  }
0x4a: {  	_ =	shalt  }
0x4b: {  	_ =	shalt  }
0x4c: {  	_ =	shalt  }
0x4d: {  	_ =	shalt  }
0x4e: {  	_ =	shalt  }
0x4f: {  	_ =	shalt  }
0x50: {  	_ =	shalt  }
0x51: {  	_ =	shalt  }
0x52: {  	_ =	shalt  }
0x53: {  	_ =	shalt  }
0x54: {  	_ =	shalt  }
0x55: {  	_ =	shalt  }
0x56: {  	_ =	shalt  }
0x57: {  	_ =	shalt  }
0x58: {  	_ =	shalt  }
0x59: {  	_ =	shalt  }
0x5a: {  	_ =	shalt  }
0x5b: {  	_ =	shalt  }
0x5c: {  	_ =	shalt  }
0x5d: {  	_ =	shalt  }
0x5e: {  	_ =	shalt  }
0x5f: {  	_ =	shalt  }
0x60: {  	_ =	shalt  }
0x61: {  	_ =	shalt  }
0x62: {  	_ =	shalt  }
0x63: {  	_ =	shalt  }
0x64: {  	_ =	shalt  }
0x65: {  	_ =	shalt  }
0x66: {  	_ =	shalt  }
0x67: {  	_ =	shalt  }
0x68: {  	_ =	shalt  }
0x69: {  	_ =	shalt  }
0x6a: {  	_ =	shalt  }
0x6b: {  	_ =	shalt  }
0x6c: {  	_ =	shalt  }
0x6d: {  	_ =	shalt  }
0x6e: {  	_ =	shalt  }
0x6f: {  	_ =	shalt  }
0x70: {  	_ =	shalt  }
0x71: {  	_ =	shalt  }
0x72: {  	_ =	shalt  }
0x73: {  	_ =	shalt  }
0x74: {  	_ =	shalt  }
0x75: {  	_ =	shalt  }
0x76: {  	_ =	shalt  }
0x77: {  	_ =	shalt  }
0x78: {  	_ =	shalt  }
0x79: {  	_ =	shalt  }
0x7a: {  	_ =	shalt  }
0x7b: {  	_ =	shalt  }
0x7c: {  	_ =	shalt  }
0x7d: {  	_ =	shalt  }
0x7e: {  	_ =	shalt  }
0x7f: {  	_ =	shalt  }
0x80: {  	_ =	shalt  }
0x81: {  	_ =	shalt  }
0x82: {  	_ =	shalt  }
0x83: {  	_ =	shalt  }
0x84: {  	_ =	shalt  }
0x85: {  	_ =	shalt  }
0x86: {  	_ =	shalt  }
0x87: {  	_ =	shalt  }
.Lfunc_end0:
.L_simem_size_0:
called_computation_lowered:
.L_overlay_start_0:
0x88: {  	s2 =	sld [smem:$0x3FD9]  }
0x89: {  	s3 =	sld [smem:$0x3FFE];
	_ =	sdelay $0x1  }
0x8a: {  	s1 =	srdreg.scid  }
0x8b: {  	s0 =	sand.u32 $0x1, s1  }
0x8c: {  	s17 =	sshll.u32 s0, $0xA;
	s2 =	sadd.s32 s3, s2  }
0x8d: {  	s2 =	sadd.s32 s2, s17  }
0x8e: {  	[smem:$0x3FAF] =	sst s2  }
0x8f: {  	_ = 	snop  }
0x90: {  	s2 =	sld [smem:$0x3FD0];
	(tm) =	ssettm $0x1  }
0x91: {  	s18 =	sld [smem:$0x3FFB];
	_ =	sdelay $0x3  }
0x92: {  	_ =	strace s18  }
0x93: {  	s3 =	sld [smem:$0x3FFC];
	_ =	sdelay $0x3  }
0x94: {  	_ =	strace s3  }
0x95: {  	s3 =	sld [smem:$0x3FFD];
	_ =	sdelay $0x3  }
0x96: {  	_ =	strace s3  }
0x97: {  	_ =	strace $0x8FFFFFFF  }
0x98: {  	s19 =	sld [smem:$0x3FDB];
	_ =	sdelay $0x1  }
0x99: {  	s4 =	simm.s32 $_scs_section_size  }
0x9a: {  	s5 =	simm.s32 $_size__tile_overlayer_lowered;
	s6 =	simm.s32 $_tile_overlayer_lowered  }
0x9b: {  	s22 =	simm.s32 $0x1BFF;
	s21 =	sshll.u32 s6, $0x1;
	s3 =	sadd.s32 s4, s19  }
0x9c: {  	s7 =	simm.s32 $0x0;
	s20 =	sshll.u32 s5, $0x1;
	s5 =	sadd.s32 s21, s3  }
0x9d: {  	[timem:s7], [sflag:s22] =	dma.local [hbm:s5], s20  }
0x9e: {  	_ =	swait.ge [sflag:s22], s20  }
0x9f: {  	s4 =	ssub.s32 $0x0, s20;
	[sflag:s22] =	ssyncset.done $0x0  }
0xa0: {  	[sflag:s22] =	ssyncadd.s32 s4;
	_ =	sdelay $0x1  }
0xa1: {  	s23 =	simm.s32 $0x1B8B  }
0xa2: {  	_ =	swait.ge [sflag:s23], $0x1  }
0xa3: {  	[sflag:s23] =	ssyncset.done $0x0  }
0xa4: {  	s25 =	simm.s32 $0x1B8E;
	s24 =	sld [smem:$0x3FFE];
	[sflag:s23] =	ssyncadd.s32 $0xFFFFFFFF  }
0xa5: {  	s26 =	simm.s32 $execute0_lowered;
	[smem:$0x3FD2] =	sst s25  }
0xa6: {  	s5 =	sshll.u32 s26, $0x1;
	_ =	strace $0x80000046;
	[dreg:$0x1] =	wrdreg $0xFFFFFFFF  }
0xa7: {  	s28 =	simm.s32 $_size_execute0_lowered;
	s3 =	sadd.s32 s3, s5;
	[dreg:$0x0] =	wrdreg $0x0  }
0xa8: {  	s5 =	sshll.u32 s28, $0x1;
	[dreg:$0x2] =	wrdreg s3  }
0xa9: {  	[dreg:$0x3] =	wrdreg s5  }
0xaa: {  	[dreg:$0x4] =	wrdreg $0xC0  }
0xab: {  	_ =	task [dreg:s7], $0x5FFFF  }
0xac: {  	[dreg:$0x1] =	wrdreg $0xFFFFFFFF  }
0xad: {  	[dreg:$0x0] =	wrdreg $0x60  }
0xae: {  	[dreg:$0x2] =	wrdreg s2  }
0xaf: {  	[dreg:$0x3] =	wrdreg s24  }
0xb0: {  	[dreg:$0x4] =	wrdreg $0x9  }
0xb1: {  	_ =	task.clear_ibuf [dreg:s7], $0x5FFFF;
	_ =	strace $0x90000046  }
0xb2: {  	s29 =	simm.s32 $0x9;
	_ =	strace $0x80000048  }
0xb3: {  	_ =	swait.ge [sflag:s29], $0x1  }
0xb4: {  	[sflag:s29] =	ssyncadd.s32 $0xFFFFFFFF  }
0xb5: {  	_ =	strace $0x90000048  }
0xb6: {  	_ =	sfence  }
0xb7: {  	s30 =	sld [smem:$0x0];
	_ =	sdelay $0x2  }
0xb8: {  	s31 =	sshll.u32 s1, $0xD;
	s1 =	sshrl.u32 s1, $0x2  }
0xb9: {  	s3 =	sand.u32 $0x4000, s31;
	s1 =	sadd.s32 s1, s30  }
0xba: {  	s0 =	sor.u32 s3, s0;
	s1 =	sshll.u32 s1, $0x11  }
0xbb: {  	s0 =	sor.u32 s1, s0  }
0xbc: {  	s0 =	sadd.s32 $0x8F2B, s0  }
0xbd: {  	[sflag:s0] =	ssyncadd.remote.s32 $0x1  }
0xbe: {  	_ =	sfence.sel $0xFFFF  }
0xbf: {  	[dreg:$0x0] =	wrdreg $0xFFFFFFFF;
	(pc) =	sbr.abs _section_cstart, $3  }
0xc0: {  	[dreg:$0x1] =	wrdreg $0xFFFFFFFF  }
0xc1: {  	_ =	task.clear_ibuf [dreg:s7], $0x2FFFF;
	_ =	strace $0x9FFFFFFF  }
0xc2: {  	(tm) =	ssettm $0x7FFFFFFF  }
0xc3: {  	_ =	shalt  }
tec
execute0_lowered:
.L_overlay_start_1:
0x0: {  	(tag) =	ssettag $0x1  }
0x1: {  	s1 =	rddreg [dreg:$0x0]  }
0x2: {  	s5 =	rddreg [dreg:$0x1]  }
0x3: {  	s0 =	rddreg [dreg:$0x2];
	s2 =	simm.s32 $0x0;
	s3 =	srdreg.scid  }
0x4: {  	s11 =	simm.s32 $0x4000;
	s12 =	simm.s32 $0x3;
	s13 =	simm.s32 $0x5680  }
0x5: {  	s14 =	simm.s32 $0x0;
	[smem:$0x7FF] =	sst s2;
	s6 =	sand.u32 $0x1, s3  }
0x6: {  	s3 =	stileid.u32;
	s4 =	sadd.s32 $0x4A00, s5;
	_ =	strace $0x80000047  }
0x7: {  	s7 =	sshll.u32 s6, $0x4;
	s8 =	sshll.u32 s3, $0x4;
	s6 =	ssub.s32 $0x2, s6  }
.Ltmp0:
0x8: {  	s9 =	sor.u32 s3, s7;
	s30 =	sand.u32 $0x70, s8;
	(pc) =	sbr.rel .LBB2_1-.Ltmp0, $4  }
0x9: {  	s10 =	sshrl.u32 s6, $0x1;
	s31 =	sshll.u32 s9, $0x4;
	s7 =	sadd.s32 s30, s5  }
0xa: {  	s5 =	sadd.s32 $0xE800, s5;
	s10 =	ssub.s32 s6, s10;
	s8 =	sand.u32 $0x180, s31  }
0xb: {  	v2 =	vlaneseq.u32;
	s6 =	smul.u32 $0x4E200, s9;
	v0 =	vmov s9;
	s9 =	simm.s32 $0x1;
	s7 =	sadd.s32 s8, s7  }
0xc: {  	v1 =	vimm.s32 $0x0;
	v3 =	vimm.s32 $0x2710;
	v2 =	vadd.s32 $0x1, v2;
	s8 =	smax.u32 s10, $0x1;
	s10 =	simm.s32 $0x2;
	s7 =	sadd.s32 $0x147000, s7  }
.LBB2_27:
0xd: {  	[tilespmem:s19+$0x4000] =	vst v3  }
.LBB2_28:
0xe: {  	s17 =	smul.u32 $0x640, s15;
	_ =	sdelay $0x1  }
0xf: {  	s17 =	sadd.s32 s6, s17  }
0x10: {  	s17 =	sshrl.u32 s17, $0x3  }
0x11: {  	s17 =	sadd.s32 s5, s17  }
0x12: {  	[hbm4b:s17+s2] =	stream.linear.scatter [tilespmem:s11], [sflag:$0x3], $0x640, $0x38;
	[tilespmem:$0x5700] =	vst v63  }
0x13: {  	_ =	swait.ge [sflag:s12], $0x640  }
0x14: {  	[sflag:s12] =	ssyncset.done $0x0  }
0x15: {  	[sflag:s12] =	ssyncadd.s32 $0xFFFFF9C0  }
.LBB2_29:
0x16: {  	p0 =	sgt.s32 s16, $0x0;
	s16 =	simm.s32 $0x1  }
0x17: {  	s16 =	simm.s32 @!p0 $0x0  }
0x18: {  	s14 =	sadd.s32 $0x1, s14;
	s15 =	sadd.s32 s16, s15  }
0x19: {  	p0 =	sne.s32 s14, s8;
	v4 =	vmov s15  }
.Ltmp1:
0x1a: {  	[tilespmem:$0x5680] =	vst v4;
	(pc) =	sbr.rel @!p0 .LBB2_30-.Ltmp1, $4  }
0x1b: {  	[hbm4b:s7+s2] =	stream.linear.scatter [tilespmem:s13], [sflag:$0x3], $0x80, $0x38;
	[tilespmem:$0x5700] =	vst v63  }
0x1c: {  	_ =	swait.ge [sflag:s12], $0x80  }
0x1d: {  	[sflag:s12] =	ssyncset.done $0x0  }
0x1e: {  	[sflag:s12] =	ssyncadd.s32 $0xFFFFFF80  }
.LBB2_1:
0x1f: {  	s15 =	simm.s32 $0x0;
	s17 =	simm.s32 $0x0  }
.LBB2_2:
0x20: {  	p0 =	sne.s32 s17, $0x1F0  }
.Ltmp2:
0x21: {  	_ = 	snop;
	(pc) =	sbr.rel @p0 .LBB2_2-.Ltmp2, $4  }
0x22: {  	_ = 	snop  }
0x23: {  	s18 =	sadd.s32 s17, s1;
	s16 =	simm.s32 $0x0  }
0x24: {  	[tilespmem:s15], [sflag:$0x1] =	stream.linear.gather [hbm4b:s18+s16], $0x80, $0x38;
	[tilespmem:$0x5700] =	vst v63  }
0x25: {  	s17 =	sadd.s32 $0x10, s17;
	s15 =	sadd.s32 $0x100, s15  }
0x26: {  	s15 =	simm.s32 $0x2000;
	s17 =	simm.s32 $0x0  }
.LBB2_4:
0x27: {  	p0 =	seq.s32 s17, $0x1F0  }
.Ltmp3:
0x28: {  	_ = 	snop;
	(pc) =	sbr.rel @!p0 .LBB2_4-.Ltmp3, $4  }
0x29: {  	_ = 	snop  }
0x2a: {  	s18 =	sadd.s32 s17, s4  }
0x2b: {  	[tilespmem:s15], [sflag:$0x2] =	stream.linear.gather [hbm4b:s18+s16], $0x80, $0x38;
	[tilespmem:$0x5700] =	vst v63  }
0x2c: {  	s17 =	sadd.s32 $0x10, s17;
	s15 =	sadd.s32 $0x100, s15  }
.Ltmp4:
0x2d: {  	(pc) =	sbr.rel .LBB2_8-.Ltmp4, $2  }
0x2e: {  	_ =	sdelay $0x2  }
0x2f: {  	p0 =	por $0x1, $0x1;
	s15 =	simm.s32 $0x0;
	s17 =	simm.s32 $0x0  }
.LBB2_17:
0x30: {  	s16 =	smov.u32 s18  }
.LBB2_7:
0x31: {  	p1 =	seq.s32 s17, $0x4F  }
.Ltmp5:
0x32: {  	_ = 	snop;
	(pc) =	sbr.rel @p1 .LBB2_23-.Ltmp5, $2  }
0x33: {  	_ =	sdelay $0x2  }
0x34: {  	p0 =	por !p0, !p0  }
.LBB2_8:
0x35: {  	p1 =	seq.s32 s17, $0x4E  }
.Ltmp6:
0x36: {  	_ = 	snop;
	(pc) =	sbr.rel @p1 .LBB2_14-.Ltmp6, $2  }
0x37: {  	_ =	sdelay $0x2  }
0x38: {  	s18 =	smov.u32 s17;
	s17 =	sadd.s32 $0x1, s17  }
0x39: {  	s19 =	simm.s32 $0x1  }
0x3a: {  	s20 =	sshll.u32 s17, $0x9;
	s19 =	simm.s32 @!p0 $0x0  }
0x3b: {  	s23 =	simm.s32 $0x10;
	s22 =	sadd.s32 s1, s20;
	s21 =	sshll.u32 s19, $0x7  }
0x3c: {  	s25 =	sadd.s32 $0x0, s22;
	s19 =	sor.u32 $0x2000, s21;
	s24 =	sadd.s32 $0x100, s21  }
.LBB2_10:
0x3d: {  	[tilespmem:s21], [sflag:$0x1] =	stream.linear.gather [hbm4b:s25+s2], $0x80, $0x38;
	[tilespmem:$0x5700] =	vst v63  }
0x3e: {  	s25 =	smov.u32 s23;
	s21 =	smov.u32 s24;
	p1 =	sne.s32 s23, $0x1F0  }
.Ltmp7:
0x3f: {  	s23 =	sadd.s32 $0x10, s23;
	(pc) =	sbr.rel @p1 .LBB2_10-.Ltmp7, $2  }
0x40: {  	_ =	sdelay $0x2  }
0x41: {  	s24 =	sadd.s32 $0x100, s24;
	s25 =	sadd.s32 s25, s22  }
0x42: {  	[tilespmem:s21], [sflag:$0x1] =	stream.linear.gather [hbm4b:s25+s2], $0x80, $0x38;
	[tilespmem:$0x5700] =	vst v63  }
0x43: {  	s20 =	sadd.s32 s4, s20  }
0x44: {  	s21 =	simm.s32 $0x10;
	s22 =	sadd.s32 $0x100, s19;
	s23 =	sadd.s32 $0x0, s20  }
.LBB2_12:
0x45: {  	[tilespmem:s19], [sflag:$0x2] =	stream.linear.gather [hbm4b:s23+s2], $0x80, $0x38;
	[tilespmem:$0x5700] =	vst v63  }
0x46: {  	s23 =	smov.u32 s21;
	s19 =	smov.u32 s22;
	p1 =	sne.s32 s21, $0x1F0  }
.Ltmp8:
0x47: {  	s21 =	sadd.s32 $0x10, s21;
	(pc) =	sbr.rel @p1 .LBB2_12-.Ltmp8, $2  }
0x48: {  	_ =	sdelay $0x2  }
0x49: {  	s22 =	sadd.s32 $0x100, s22;
	s23 =	sadd.s32 s23, s20  }
0x4a: {  	[tilespmem:s19], [sflag:$0x2] =	stream.linear.gather [hbm4b:s23+s2], $0x80, $0x38;
	[tilespmem:$0x5700] =	vst v63  }
.LBB2_14:
0x4b: {  	_ =	swait.ge [sflag:s9], $0x1000  }
0x4c: {  	[sflag:s9] =	ssyncset.done $0x0  }
0x4d: {  	s18 =	sshll.u32 s18, $0x7;
	s19 =	simm.s32 $0x0;
	[sflag:s9] =	ssyncadd.s32 $0xFFFFF000  }
0x4e: {  	s18 =	sand.u32 $0x80, s18;
	s20 =	sand.u32 $0x1F00, s19;
	_ =	swait.ge [sflag:s10], $0x1000  }
0x4f: {  	s21 =	sand.u32 $0x70, s19;
	s20 =	sor.u32 s18, s20;
	[sflag:s10] =	ssyncset.done $0x0  }
0x50: {  	s22 =	sor.u32 s21, s20;
	[sflag:s10] =	ssyncadd.s32 $0xFFFFF000  }
0x51: {  	v4 =	vld [tilespmem:s22+$0x2000];
	_ =	sdelay $0x4  }
0x52: {  	v5 =	vmul.u32 $0x3334, v4;
	_ =	sdelay $0x1  }
0x53: {  	v5 =	vshrl.u32 v5, $0x16  }
0x54: {  	vm0 =	veq.s32 v5, v0  }
0x55: {  	v5 =	vmpcnt.ones.xlane vm0;
	v6 =	vsel vm0, $0x1, v1  }
0x56: {  	(xrf0) =	vadd.scan.msk.s32 $0xffff, v6  }
0x57: {  	(v2sf) =	vpush v5, $0x0;
	_ =	sdelay $0x3  }
0x58: {  	s20 =	simm.s32 $0x10;
	s21 =	simm.s32 $0x20;
	v6 =	vsel vm0, $0xFFFFFFFF, v1;
	v5 =	vld [tilespmem:s22+$0x0]  }
.LBB2_15:
0x59: {  	p1 =	seq.s32 s21, $0xFF0;
	v6 =	vadd.s32 s16, v6;
	v7, _, _ =	vpop (xrf0)  }
0x5a: {  	v6 =	vadd.s32 v7, v6;
	_ =	sdelay $0x1  }
0x5b: {  	s19 =	sadd.s32 $0x20, s19  }
0x5c: {  	s22 =	sand.u32 $0x1F00, s19;
	v5 =	vshll.u32 v5, $0xE  }
0x5d: {  	s23 =	sand.u32 $0x70, s20;
	s20 =	smov.u32 s21;
	s22 =	sor.u32 s18, s22;
	v4 =	vor.u32 v4, v5  }
0x5e: {  	s22 =	sor.u32 s23, s22;
	[tilespmem:v6+s11+$0x0] =	vst.idx.msk vm0, v4  }
0x5f: {  	v4 =	vld [tilespmem:s22+$0x2000];
	_ =	sdelay $0x2  }
0x60: {  	s23 =	spop (v2sf)  }
0x61: {  	s16 =	sadd.s32 s16, s23  }
0x62: {  	v5 =	vmul.u32 $0x3334, v4;
	_ =	sdelay $0x1  }
0x63: {  	v5 =	vshrl.u32 v5, $0x16  }
0x64: {  	vm0 =	veq.s32 v5, v0  }
0x65: {  	v5 =	vsel vm0, $0x1, v1;
	v6 =	vmpcnt.ones.xlane vm0  }
0x66: {  	(xrf0) =	vadd.scan.msk.s32 $0xffff, v5  }
.Ltmp9:
0x67: {  	(v2sf) =	vpush v6, $0x0;
	(pc) =	sbr.rel @!p1 .LBB2_15-.Ltmp9, $2  }
0x68: {  	_ =	sdelay $0x2  }
0x69: {  	s21 =	sadd.s32 $0x10, s21;
	v6 =	vsel vm0, $0xFFFFFFFF, v1;
	v5 =	vld [tilespmem:s22+$0x0]  }
0x6a: {  	v6 =	vadd.s32 s16, v6;
	v7, _, _ =	vpop (xrf0)  }
0x6b: {  	v6 =	vadd.s32 v7, v6;
	_ =	sdelay $0x1  }
0x6c: {  	s19 =	sadd.s32 $0x20, s19  }
0x6d: {  	s19 =	sand.u32 $0x1F00, s19;
	v5 =	vshll.u32 v5, $0xE  }
0x6e: {  	s20 =	sand.u32 $0x70, s20;
	s18 =	sor.u32 s18, s19;
	v4 =	vor.u32 v4, v5  }
0x6f: {  	s18 =	sor.u32 s20, s18;
	[tilespmem:v6+s11+$0x0] =	vst.idx.msk vm0, v4  }
0x70: {  	v4 =	vld [tilespmem:s18+$0x2000];
	_ =	sdelay $0x4  }
0x71: {  	v5 =	vmul.u32 $0x3334, v4;
	_ =	sdelay $0x1  }
0x72: {  	v5 =	vshrl.u32 v5, $0x16  }
0x73: {  	vm15 =	veq.s32 v5, v0  }
0x74: {  	v5 =	vmpcnt.ones.xlane vm15;
	_ =	sdelay $0x1  }
0x75: {  	(v2sf) =	vpush v5, $0x0;
	_ =	sdelay $0x8  }
0x76: {  	v5 =	vsel vm15, $0x1, v1  }
0x77: {  	(xrf0) =	vadd.scan.msk.s32 $0xffff, v5;
	_ =	sdelay $0x3  }
0x78: {  	s31 =	spop (v2sf)  }
0x79: {  	s16 =	sadd.s32 s16, s31;
	v62 =	vsel vm15, $0xFFFFFFFF, v1;
	v5 =	vld [tilespmem:s18+$0x0];
	s19 =	spop (v2sf)  }
0x7a: {  	v6 =	vadd.s32 s16, v62;
	v63, _, _ =	vpop (xrf0);
	s18 =	sadd.s32 s16, s19  }
0x7b: {  	v6 =	vadd.s32 v63, v6;
	p1 =	slt.s32 s18, $0x640  }
.Ltmp10:
0x7c: {  	_ = 	snop;
	(pc) =	sbr.rel @p1 .LBB2_17-.Ltmp10, $4  }
0x7d: {  	_ = 	snop  }
0x7e: {  	v5 =	vshll.u32 v5, $0xE  }
0x7f: {  	v4 =	vor.u32 v4, v5  }
0x80: {  	[tilespmem:v6+s11+$0x0] =	vst.idx.msk vm15, v4  }
0x81: {  	s16 =	sadd.s32 s16, s19  }
0x82: {  	s19 =	sadd.s32 $0xFFFFF9CF, s16  }
.LBB2_19:
0x83: {  	s16 =	smul.u32 $0x640, s15;
	_ =	sdelay $0x1  }
0x84: {  	s16 =	sadd.s32 s6, s16  }
0x85: {  	p1 =	sgt.s32 s18, $0x640;
	s16 =	sshrl.u32 s16, $0x3  }
.Ltmp11:
0x86: {  	s16 =	sadd.s32 s5, s16;
	(pc) =	sbr.rel @!p1 .LBB2_6-.Ltmp11, $4  }
0x87: {  	[hbm4b:s16+s2] =	stream.linear.scatter [tilespmem:s11], [sflag:$0x3], $0x640, $0x38;
	[tilespmem:$0x5700] =	vst v63  }
0x88: {  	_ =	swait.ge [sflag:s12], $0x640  }
0x89: {  	[sflag:s12] =	ssyncset.done $0x0  }
0x8a: {  	[sflag:s12] =	ssyncadd.s32 $0xFFFFF9C0  }
0x8b: {  	s16 =	sshrl.u32 s19, $0x4  }
0x8c: {  	p1 =	sne.s32 s16, $0x1  }
.Ltmp12:
0x8d: {  	_ = 	snop;
	(pc) =	sbr.rel @!p1 .LBB2_22-.Ltmp12, $3  }
0x8e: {  	_ =	sdelay $0x1  }
0x8f: {  	s20 =	simm.s32 $0x4640  }
0x90: {  	s16 =	sadd.s32 $0xFFFFFFFF, s16;
	v4 =	vld [tilespmem:s20+$0x0]  }
.LBB2_21:
0x91: {  	p1 =	sne.s32 s16, $0x1  }
.Ltmp13:
0x92: {  	_ = 	snop;
	(pc) =	sbr.rel @p1 .LBB2_21-.Ltmp13, $3  }
0x93: {  	_ =	sdelay $0x1  }
0x94: {  	s16 =	sadd.s32 $0xFFFFFFFF, s16;
	[tilespmem:s20+$0xFFFFF9C0] =	vst v4;
	s20 =	sadd.s32 $0x10, s20  }
0x95: {  	v4 =	vld [tilespmem:s20+$0x0]  }
.LBB2_22:
0x96: {  	p1 =	sgt.u32 s18, $0xC7F  }
.Ltmp14:
0x97: {  	_ = 	snop;
	(pc) =	sbr.rel @p1 .LBB2_19-.Ltmp14, $4  }
.Ltmp15:
0x98: {  	_ = 	snop;
	(pc) =	sbr.rel @!p1 .LBB2_7-.Ltmp15, $4  }
0x99: {  	_ = 	snop  }
0x9a: {  	s16 =	sadd.s32 $0xFFFFF9C0, s18  }
0x9b: {  	s15 =	sadd.s32 $0x1, s15;
	s19 =	sadd.s32 $0xFFFFF9C0, s19;
	s18 =	smov.u32 s16;
	[tilespmem:s20+$0xFFFFF9C0] =	vst v4  }
0x9c: {  	_ = 	snop  }
.LBB2_6:
.Ltmp16:
0x9d: {  	(pc) =	sbr.rel .LBB2_7-.Ltmp16, $2  }
0x9e: {  	_ =	sdelay $0x2  }
0x9f: {  	s15 =	sadd.s32 $0x1, s15;
	s16 =	simm.s32 $0x0  }
.LBB2_23:
0xa0: {  	p0 =	slt.s32 s16, $0x1  }
.Ltmp17:
0xa1: {  	_ = 	snop;
	(pc) =	sbr.rel @p0 .LBB2_29-.Ltmp17, $1  }
0xa2: {  	_ =	sdelay $0x3  }
0xa3: {  	s17 =	sand.u32 $0x7FFFFFF0, s16  }
0xa4: {  	v4 =	vld [tilespmem:s17+$0x4000]  }
0xa5: {  	p0 =	seq.s32 s17, $0x630  }
.Ltmp18:
0xa6: {  	s18 =	sand.u32 $0xF, s16;
	(pc) =	sbr.rel @p0 .LBB2_28-.Ltmp18, $4  }
0xa7: {  	v5 =	vmov s18  }
0xa8: {  	vm0 =	vlt.u32 v5, v2  }
0xa9: {  	v4 =	vsel vm0, $0x2710, v4  }
0xaa: {  	[tilespmem:s17+$0x4000] =	vst v4  }
0xab: {  	s17 =	ssub.s32 $0x630, s17  }
0xac: {  	s17 =	sshrl.u32 s17, $0x4  }
0xad: {  	s17 =	ssub.s32 $0x0, s17  }
0xae: {  	s17 =	sadd.s32 $0x1, s17  }
0xaf: {  	p0 =	seq.s32 s17, $0x0  }
.Ltmp19:
0xb0: {  	_ = 	snop;
	(pc) =	sbr.rel @p0 .LBB2_27-.Ltmp19, $3  }
0xb1: {  	_ =	sdelay $0x1  }
0xb2: {  	s18 =	sadd.s32 $0x10, s16  }
0xb3: {  	s19 =	sand.u32 $0xFFFFFFF0, s18  }
.LBB2_26:
0xb4: {  	s17 =	sadd.s32 $0x1, s17  }
0xb5: {  	[tilespmem:s19+$0x4000] =	vst v3;
	s18 =	sadd.s32 $0x10, s18;
	p0 =	seq.s32 s17, $0x0  }
.Ltmp20:
0xb6: {  	(pc) =	sbr.rel @!p0 .LBB2_26-.Ltmp20, $2  }
0xb7: {  	_ =	sdelay $0x2  }
0xb8: {  	s19 =	sand.u32 $0xFFFFFFF0, s18  }
.Ltmp21:
0xb9: {  	_ = 	snop;
	(pc) =	sbr.rel .LBB2_27-.Ltmp21, $1  }
0xba: {  	_ =	sdelay $0x3  }
.LBB2_30:
0xbb: {  	_ =	sfence.sel $0x180000  }
0xbc: {  	[bflag:$0x0] =	sbarrier.arrive $0xFFFF  }
0xbd: {  	p0 =	sne.s32 s3, $0x0;
	_ =	strace $0x90000047  }
0xbe: {  	s0 =	sadd.s32 @!p0 $0x100000, s0;
	[bflag:$0x2] =	sbarrier.arrive $0xFFFF  }
0xbf: {  	[sflag:s0] =	ssyncadd.tile.s32 @!p0 $0x1;
	_ =	shalt  }
.Lfunc_end2:
_tile_overlayer_lowered:
.L_overlay_start_2:
0xc0: {  	(tag) =	ssettag $0x2  }
0xc1: {  	s0 =	rddreg [dreg:$0x0];
	s2 =	stileid.u32  }
0xc2: {  	s1 =	rddreg [dreg:$0x1];
	p0 =	sne.s32 s2, $0x0  }
0xc3: {  	s3 =	rddreg [dreg:$0x2];
	[bflag:$0x3] =	sbarrier.arrive $0xFFFF;
	s2 =	simm.s32 @!p0 $0x1C03  }
0xc4: {  	[timem:s3], [sflag:s2] =	dma.local @!p0 [hbm:s0], s1  }
0xc5: {  	s0 =	simm.s32 @!p0 $0x3  }
0xc6: {  	_ =	swait.ge @!p0 [sflag:s0], s1  }
0xc7: {  	s1 =	ssub.s32 @!p0 $0x0, s1;
	[sflag:s0] =	ssyncset.done @!p0 $0x0  }
0xc8: {  	[sflag:s0] =	ssyncadd.s32 @!p0 s1  }
0xc9: {  	[bflag:$0x3] =	sbarrier.arrive $0xFFFF  }
0xca: {  	_ =	shalt  }

</sc_bundles>
